<compile_context>
chip_gen: v7x
topology: tpu7x:2x2x1
jax: 0.10.2.dev20260603
libtpu: 0.0.44.dev20260713+nightly
codegen_flags: <defaults>
</compile_context>

<pallas_src>
import functools

import jax
import jax.numpy as jnp
from jax import lax
from jax.experimental import pallas as pl
from jax.experimental.pallas import tpu as pltpu
from jax.experimental.pallas import tpu_sc as plsc

_LANES = 16
_S = 32
_NBUF = 3


def _chunks_per_worker(n_fine, nw):
    per_w = -(-(n_fine // _S) // nw)
    return per_w + (-per_w) % _NBUF


def _project_tables(lv_coarse, w_blocks):
    n, d = lv_coarse.shape
    k_nbr, _, f = w_blocks.shape
    rb = 2000 if n % 2000 == 0 else 8
    assert n % rb == 0
    nrb = n // rb

    def body(lv_ref, w_ref, p_ref):
        lv = lv_ref[...]
        for k in range(k_nbr):
            p_ref[k] = jnp.dot(lv, w_ref[k],
                               preferred_element_type=jnp.float32)

    p = pl.pallas_call(
        body,
        grid=(nrb,),
        in_specs=[
            pl.BlockSpec((rb, d), lambda r: (r, 0)),
            pl.BlockSpec((k_nbr, d, f), lambda r: (0, 0, 0)),
        ],
        out_specs=pl.BlockSpec((k_nbr, rb, f), lambda r: (0, r, 0)),
        out_shape=jax.ShapeDtypeStruct((k_nbr, n, f), jnp.float32),
        compiler_params=pltpu.CompilerParams(
            dimension_semantics=("arbitrary",)),
    )(lv_coarse, w_blocks)
    return p.reshape(k_nbr * n, f)


def _make_sc_gather_sum(k_nbr, f, n_fine):
    info = plsc.get_sparse_core_info()
    nc, ns = info.num_cores, info.num_subcores
    nw = nc * ns
    ips = _S * k_nbr
    n_sc_total = n_fine // _S
    assert n_fine % _S == 0
    nbuf = _NBUF
    per_w = _chunks_per_worker(n_fine, nw)
    jpf = f // _LANES

    mesh = plsc.VectorSubcoreMesh(core_axis_name="c", subcore_axis_name="s")

    @functools.partial(
        pl.kernel,
        mesh=mesh,
        out_type=jax.ShapeDtypeStruct((n_fine, f), jnp.float32),
        scratch_types=[
            pltpu.VMEM((per_w * ips,), jnp.int32),
            pltpu.VMEM((nbuf, ips, f), jnp.float32),
            pltpu.VMEM((nbuf, _S, f), jnp.float32),
            pltpu.VMEM((f,), jnp.float32),
            pltpu.SemaphoreType.DMA,
            pltpu.SemaphoreType.DMA,
        ],
    )
    def sc_kernel(table_hbm, idxf_hbm, b_hbm, out_hbm, idx_v, gbuf, obuf,
                  bias_v, gsem, osem):
        wid = lax.axis_index("s") * nc + lax.axis_index("c")
        start = wid * per_w
        n_t = jnp.minimum(per_w, n_sc_total - start)
        ncolpad = nw * per_w * _S
        ipw = per_w * _S
        for k in range(k_nbr):
            pltpu.async_copy(
                idxf_hbm.at[pl.ds(k * ncolpad + start * _S, ipw)],
                idx_v.at[pl.ds(k * ipw, ipw)], gsem)
        pltpu.sync_copy(b_hbm, bias_v)
        pltpu.make_async_copy(idxf_hbm.at[pl.ds(0, k_nbr * ipw)], idx_v,
                              gsem).wait()
        bias_regs = [bias_v[pl.ds(_LANES * j, _LANES)] for j in range(jpf)]

        def issue_gather(t, buf):
            for k in range(k_nbr):
                pltpu.async_copy(
                    table_hbm.at[idx_v.at[pl.ds(k * ipw + t * _S, _S)]],
                    gbuf.at[buf, pl.ds(k * _S, _S)], gsem)

        for i in range(nbuf - 1):
            issue_gather(i, i)

        def slot(t, buf):
            @pl.when(t < n_t)
            def _():
                @pl.when(t + nbuf - 1 < n_t)
                def _next():
                    issue_gather(t + nbuf - 1, (buf + nbuf - 1) % nbuf)

                pltpu.make_async_copy(table_hbm.at[pl.ds(0, ips)],
                                      gbuf.at[buf], gsem).wait()

                @pl.when(t >= nbuf)
                def _wait_wb():
                    pltpu.make_async_copy(obuf.at[buf],
                                          out_hbm.at[pl.ds(0, _S)],
                                          osem).wait()

                @plsc.parallel_loop(0, _S, unroll=4)
                def row(i):
                    for j in range(jpf):
                        sl = pl.ds(_LANES * j, _LANES)
                        acc = gbuf[buf, i, sl]
                        for k in range(1, k_nbr):
                            acc = acc + gbuf[buf, k * _S + i, sl]
                        obuf[buf, i, sl] = jnp.maximum(
                            acc + bias_regs[j], 0.0)

                pltpu.async_copy(obuf.at[buf],
                                 out_hbm.at[pl.ds((start + t) * _S, _S)],
                                 osem)

        def outer(t0, carry):
            for b in range(nbuf):
                slot(t0 * nbuf + b, b)
            return carry

        lax.fori_loop(0, per_w // nbuf, outer, 0)

        for _ in range(nbuf):
            pltpu.make_async_copy(obuf.at[0], out_hbm.at[pl.ds(0, _S)],
                                  osem).wait()

    return sc_kernel


def kernel(lv_coarse, ls_coarse, ls_fine, W, b):
    n_coarse, d = lv_coarse.shape
    n_fine, k_nbr = ls_fine.shape
    f = W.shape[1]

    w_blocks = W.reshape(k_nbr, d, f)
    table = _project_tables(lv_coarse, w_blocks)

    info = plsc.get_sparse_core_info()
    nw = info.num_cores * info.num_subcores
    per_w = _chunks_per_worker(n_fine, nw)

    ncolpad = nw * per_w * _S
    cols = jnp.pad(ls_fine.T.astype(jnp.int32),
                   ((0, 0), (0, ncolpad - n_fine)))
    idxf = cols.reshape(-1)
    offs = (jnp.arange(k_nbr * ncolpad, dtype=jnp.int32)
            // jnp.int32(ncolpad)) * jnp.int32(n_coarse)
    idxf = idxf + offs

    return _make_sc_gather_sum(k_nbr, f, n_fine)(table, idxf, b)

# --- scband reference (transcript-rebuilt; emitter-appended) ---
"""Pipeline reference for scband-finefy-relu-28664611733897 (READ-ONLY COPY).

The authoritative reference and input builder live on the scoring server;
editing this copy changes nothing except your own understanding.
"""

import jax, jax.numpy as jnp
import numpy as np

N_COARSE = 50000
N_FINE = 100000
K = 4
D_IN = 128
NR_FILTERS = 128


def setup_inputs(seed: int = 0) -> dict:
    key = jax.random.key(seed)
    k1, k2, k3, k4 = jax.random.split(key, 4)
    lv_coarse = jax.random.normal(k1, (N_COARSE, D_IN), dtype=jnp.float32)
    ls_fine = jax.random.randint(k2, (N_FINE, K), 0, N_COARSE, dtype=jnp.int64)
    # Learned params of FinefyLatticeModule: filter over K coarse simplex
    # neighbors, C_in input channels -> nr_filters output channels, plus bias.
    W = jax.random.normal(k3, (K * D_IN, NR_FILTERS), dtype=jnp.float32) * 0.02
    b = jnp.zeros((NR_FILTERS,), dtype=jnp.float32)
    return {
        "lv_coarse": lv_coarse,
        "ls_coarse": N_COARSE,
        "ls_fine": ls_fine,
        "W": W,
        "b": b,
    }


def reference(lv_coarse, ls_coarse, ls_fine, W, b):
    # FinefyLatticeModule: for each fine lattice vertex, gather values from its
    # K coarse-lattice simplex neighbors (SparseCore gather), apply the learned
    # filter (conv expressed as flattened matmul), add bias, then ReLU.
    gathered = jnp.take(lv_coarse, ls_fine, axis=0)          # [N_fine, K, D_IN]
    flat = gathered.reshape(gathered.shape[0], -1)           # [N_fine, K*D_IN]
    lv_1 = flat @ W + b                                      # [N_fine, nr_filters]
    lv_1 = jax.nn.relu(lv_1)
    # ls_1.set_values(lv_1) is a bookkeeping op on the lattice struct; the
    # tensor output is lv_1 (returned for both lv_1 and ls_1 values).
    return lv_1

if __name__ == "__main__":
    import jax
    _d = setup_inputs()
    print(jax.jit(kernel)(*tuple(_d.values())))

</pallas_src>

<mosaic_0001>
#map = affine_map<(d0, d1) -> (0, 0)>
#map1 = affine_map<(d0, d1) -> (0)>
module attributes {stable_mosaic.version = 14 : i64} {
  func.func @sc_kernel(%arg0: i32, %arg1: i32, %arg2: memref<200000x128xf32, #tpu.memory_space<hbm>>, %arg3: memref<405504xi32, #tpu.memory_space<hbm>>, %arg4: memref<128xf32, #tpu.memory_space<hbm>>, %arg5: memref<100000x128xf32, #tpu.memory_space<hbm>>, %arg6: memref<12672xi32, #tpu.memory_space<vmem>>, %arg7: memref<3x128x128xf32, #tpu.memory_space<vmem>>, %arg8: memref<3x32x128xf32, #tpu.memory_space<vmem>>, %arg9: memref<128xf32, #tpu.memory_space<vmem>>, %arg10: memref<!tpu.dma_semaphore, #tpu.memory_space<semaphore_mem>>, %arg11: memref<!tpu.dma_semaphore, #tpu.memory_space<semaphore_mem>>) attributes {dimension_semantics = [#tpu.dimension_semantics<core_parallel>, #tpu.dimension_semantics<subcore_parallel>], iteration_bounds = array<i64: 2, 16>, scalar_prefetch = 0 : i64, scratch_operands = 6 : i64, tpu.core_type = #tpu.core_type<sc_vector_subcore>, window_params = [{transform_indices = #map}, {transform_indices = #map1}, {transform_indices = #map1}, {transform_indices = #map}]} {
    %mul3A = arith.constant 2 : i32
    %mul3A_0 = arith.muli %arg1, %mul3A : i32
    %add3A = arith.addi %mul3A_0, %arg0 : i32
    %mul3A_1 = arith.constant 99 : i32
    %mul3A_2 = arith.muli %add3A, %mul3A_1 : i32
    %sub3A = arith.constant 3125 : i32
    %sub3A_3 = arith.subi %sub3A, %mul3A_2 : i32
    %min3A = arith.constant 99 : i32
    %min3A_4 = arith.minsi %min3A, %sub3A_3 : i32
    %mul3A_5 = arith.constant 32 : i32
    %mul3A_6 = arith.muli %mul3A_2, %mul3A_5 : i32
    %add3A_7 = arith.constant 0 : i32
    %add3A_8 = arith.addi %add3A_7, %mul3A_6 : i32
    %dma_start3A = arith.constant 0 : i32
    %dma_start3A_9 = tpu.memref_slice %arg6[%dma_start3A] : memref<12672xi32, #tpu.memory_space<vmem>> -> memref<3168xi32, #tpu.memory_space<vmem>>
    %dma_start3A_10 = tpu.memref_slice %arg3[%add3A_8] : memref<405504xi32, #tpu.memory_space<hbm>> -> memref<3168xi32, #tpu.memory_space<hbm>>
    %dma_start3A_11 = arith.constant 0 : i32
    %dma_start3A_12 = tpu.memref_slice %arg6[%dma_start3A_11] : memref<12672xi32, #tpu.memory_space<vmem>> -> memref<3168xi32, #tpu.memory_space<vmem>>
    %dma_start3A_13 = tpu.memref_slice %arg3[%add3A_8] : memref<405504xi32, #tpu.memory_space<hbm>> -> memref<3168xi32, #tpu.memory_space<hbm>>
    tpu.enqueue_dma source(%dma_start3A_13 : memref<3168xi32, #tpu.memory_space<hbm>>) target(%dma_start3A_12 : memref<3168xi32, #tpu.memory_space<vmem>>) target_semaphore(%arg10 : memref<!tpu.dma_semaphore, #tpu.memory_space<semaphore_mem>>)
    %mul3A_14 = arith.constant 32 : i32
    %mul3A_15 = arith.muli %mul3A_2, %mul3A_14 : i32
    %add3A_16 = arith.constant 101376 : i32
    %add3A_17 = arith.addi %add3A_16, %mul3A_15 : i32
    %dma_start3A_18 = arith.constant 3168 : i32
    %dma_start3A_19 = tpu.memref_slice %arg6[%dma_start3A_18] : memref<12672xi32, #tpu.memory_space<vmem>> -> memref<3168xi32, #tpu.memory_space<vmem>>
    %dma_start3A_20 = tpu.memref_slice %arg3[%add3A_17] : memref<405504xi32, #tpu.memory_space<hbm>> -> memref<3168xi32, #tpu.memory_space<hbm>>
    %dma_start3A_21 = arith.constant 3168 : i32
    %dma_start3A_22 = tpu.memref_slice %arg6[%dma_start3A_21] : memref<12672xi32, #tpu.memory_space<vmem>> -> memref<3168xi32, #tpu.memory_space<vmem>>
    %dma_start3A_23 = tpu.memref_slice %arg3[%add3A_17] : memref<405504xi32, #tpu.memory_space<hbm>> -> memref<3168xi32, #tpu.memory_space<hbm>>
    tpu.enqueue_dma source(%dma_start3A_23 : memref<3168xi32, #tpu.memory_space<hbm>>) target(%dma_start3A_22 : memref<3168xi32, #tpu.memory_space<vmem>>) target_semaphore(%arg10 : memref<!tpu.dma_semaphore, #tpu.memory_space<semaphore_mem>>)
    %mul3A_24 = arith.constant 32 : i32
    %mul3A_25 = arith.muli %mul3A_2, %mul3A_24 : i32
    %add3A_26 = arith.constant 202752 : i32
    %add3A_27 = arith.addi %add3A_26, %mul3A_25 : i32
    %dma_start3A_28 = arith.constant 6336 : i32
    %dma_start3A_29 = tpu.memref_slice %arg6[%dma_start3A_28] : memref<12672xi32, #tpu.memory_space<vmem>> -> memref<3168xi32, #tpu.memory_space<vmem>>
    %dma_start3A_30 = tpu.memref_slice %arg3[%add3A_27] : memref<405504xi32, #tpu.memory_space<hbm>> -> memref<3168xi32, #tpu.memory_space<hbm>>
    %dma_start3A_31 = arith.constant 6336 : i32
    %dma_start3A_32 = tpu.memref_slice %arg6[%dma_start3A_31] : memref<12672xi32, #tpu.memory_space<vmem>> -> memref<3168xi32, #tpu.memory_space<vmem>>
    %dma_start3A_33 = tpu.memref_slice %arg3[%add3A_27] : memref<405504xi32, #tpu.memory_space<hbm>> -> memref<3168xi32, #tpu.memory_space<hbm>>
    tpu.enqueue_dma source(%dma_start3A_33 : memref<3168xi32, #tpu.memory_space<hbm>>) target(%dma_start3A_32 : memref<3168xi32, #tpu.memory_space<vmem>>) target_semaphore(%arg10 : memref<!tpu.dma_semaphore, #tpu.memory_space<semaphore_mem>>)
    %mul3A_34 = arith.constant 32 : i32
    %mul3A_35 = arith.muli %mul3A_2, %mul3A_34 : i32
    %add3A_36 = arith.constant 304128 : i32
    %add3A_37 = arith.addi %add3A_36, %mul3A_35 : i32
    %dma_start3A_38 = arith.constant 9504 : i32
    %dma_start3A_39 = tpu.memref_slice %arg6[%dma_start3A_38] : memref<12672xi32, #tpu.memory_space<vmem>> -> memref<3168xi32, #tpu.memory_space<vmem>>
    %dma_start3A_40 = tpu.memref_slice %arg3[%add3A_37] : memref<405504xi32, #tpu.memory_space<hbm>> -> memref<3168xi32, #tpu.memory_space<hbm>>
    %dma_start3A_41 = arith.constant 9504 : i32
    %dma_start3A_42 = tpu.memref_slice %arg6[%dma_start3A_41] : memref<12672xi32, #tpu.memory_space<vmem>> -> memref<3168xi32, #tpu.memory_space<vmem>>
    %dma_start3A_43 = tpu.memref_slice %arg3[%add3A_37] : memref<405504xi32, #tpu.memory_space<hbm>> -> memref<3168xi32, #tpu.memory_space<hbm>>
    tpu.enqueue_dma source(%dma_start3A_43 : memref<3168xi32, #tpu.memory_space<hbm>>) target(%dma_start3A_42 : memref<3168xi32, #tpu.memory_space<vmem>>) target_semaphore(%arg10 : memref<!tpu.dma_semaphore, #tpu.memory_space<semaphore_mem>>)
    "tpu.region"() ({
      %run_scoped3A = tpu.sem_alloc : memref<!tpu.dma_semaphore, #tpu.memory_space<semaphore_mem>>
      tpu.enqueue_dma source(%arg4 : memref<128xf32, #tpu.memory_space<hbm>>) target(%arg9 : memref<128xf32, #tpu.memory_space<vmem>>) target_semaphore(%run_scoped3A : memref<!tpu.dma_semaphore, #tpu.memory_space<semaphore_mem>>)
      tpu.wait_dma2 semaphore(%run_scoped3A : memref<!tpu.dma_semaphore, #tpu.memory_space<semaphore_mem>>) src(%arg4 : memref<128xf32, #tpu.memory_space<hbm>>) dst(%arg9 : memref<128xf32, #tpu.memory_space<vmem>>)
      tpu.yield
    }) : () -> ()
    %dma_wait3A = arith.constant 0 : i32
    %dma_wait3A_44 = tpu.memref_slice %arg3[%dma_wait3A] : memref<405504xi32, #tpu.memory_space<hbm>> -> memref<12672xi32, #tpu.memory_space<hbm>>
    %dma_wait3A_45 = arith.constant 0 : i32
    %dma_wait3A_46 = tpu.memref_slice %arg3[%dma_wait3A_45] : memref<405504xi32, #tpu.memory_space<hbm>> -> memref<12672xi32, #tpu.memory_space<hbm>>
    tpu.wait_dma2 semaphore(%arg10 : memref<!tpu.dma_semaphore, #tpu.memory_space<semaphore_mem>>) src(%dma_wait3A_46 : memref<12672xi32, #tpu.memory_space<hbm>>) dst(%arg6 : memref<12672xi32, #tpu.memory_space<vmem>>)
    %get3A = arith.constant 0 : index
    %get3A_47 = tpu.vector_load %arg9[%get3A] {strides = array<i32>} : memref<128xf32, #tpu.memory_space<vmem>>, vector<16xf32>,
    %get3A_48 = vector.shape_cast %get3A_47 : vector<16xf32> to vector<16xf32>
    %get3A_49 = arith.constant 16 : index
    %get3A_50 = tpu.vector_load %arg9[%get3A_49] {strides = array<i32>} : memref<128xf32, #tpu.memory_space<vmem>>, vector<16xf32>,
    %get3A_51 = vector.shape_cast %get3A_50 : vector<16xf32> to vector<16xf32>
    %get3A_52 = arith.constant 32 : index
    %get3A_53 = tpu.vector_load %arg9[%get3A_52] {strides = array<i32>} : memref<128xf32, #tpu.memory_space<vmem>>, vector<16xf32>,
    %get3A_54 = vector.shape_cast %get3A_53 : vector<16xf32> to vector<16xf32>
    %get3A_55 = arith.constant 48 : index
    %get3A_56 = tpu.vector_load %arg9[%get3A_55] {strides = array<i32>} : memref<128xf32, #tpu.memory_space<vmem>>, vector<16xf32>,
    %get3A_57 = vector.shape_cast %get3A_56 : vector<16xf32> to vector<16xf32>
    %get3A_58 = arith.constant 64 : index
    %get3A_59 = tpu.vector_load %arg9[%get3A_58] {strides = array<i32>} : memref<128xf32, #tpu.memory_space<vmem>>, vector<16xf32>,
    %get3A_60 = vector.shape_cast %get3A_59 : vector<16xf32> to vector<16xf32>
    %get3A_61 = arith.constant 80 : index
    %get3A_62 = tpu.vector_load %arg9[%get3A_61] {strides = array<i32>} : memref<128xf32, #tpu.memory_space<vmem>>, vector<16xf32>,
    %get3A_63 = vector.shape_cast %get3A_62 : vector<16xf32> to vector<16xf32>
    %get3A_64 = arith.constant 96 : index
    %get3A_65 = tpu.vector_load %arg9[%get3A_64] {strides = array<i32>} : memref<128xf32, #tpu.memory_space<vmem>>, vector<16xf32>,
    %get3A_66 = vector.shape_cast %get3A_65 : vector<16xf32> to vector<16xf32>
    %get3A_67 = arith.constant 112 : index
    %get3A_68 = tpu.vector_load %arg9[%get3A_67] {strides = array<i32>} : memref<128xf32, #tpu.memory_space<vmem>>, vector<16xf32>,
    %get3A_69 = vector.shape_cast %get3A_68 : vector<16xf32> to vector<16xf32>
    %dma_start3A_70 = arith.constant 0 : i32
    %dma_start3A_71 = arith.constant 0 : i32
    %dma_start3A_72 = arith.constant 0 : i32
    %dma_start3A_73 = tpu.memref_slice %arg7[%dma_start3A_70, %dma_start3A_71, %dma_start3A_72] : memref<3x128x128xf32, #tpu.memory_space<vmem>> -> memref<1x32x128xf32, #tpu.memory_space<vmem>>
    %dma_start3A_74 = tpu.memref_squeeze %dma_start3A_73 : memref<1x32x128xf32, #tpu.memory_space<vmem>> -> memref<32x128xf32, #tpu.memory_space<vmem>>
    %dma_start3A_75 = arith.constant 0 : i32
    %dma_start3A_76 = tpu.memref_slice %arg6[%dma_start3A_75] : memref<12672xi32, #tpu.memory_space<vmem>> -> memref<32xi32, #tpu.memory_space<vmem>>
    %dma_start3A_77 = arith.constant 0 : i32
    %dma_start3A_78 = arith.constant 0 : i32
    %dma_start3A_79 = tpu.memref_slice %arg2[%dma_start3A_77, %dma_start3A_78] : memref<200000x128xf32, #tpu.memory_space<hbm>> -> memref<200000x128xf32, #tpu.memory_space<hbm>>
    tpu.enqueue_indirect_dma source(%dma_start3A_79 : memref<200000x128xf32, #tpu.memory_space<hbm>>) target(%dma_start3A_74 : memref<32x128xf32, #tpu.memory_space<vmem>>) offsets(%dma_start3A_76 : memref<32xi32, #tpu.memory_space<vmem>>) semaphore(%arg10 : memref<!tpu.dma_semaphore, #tpu.memory_space<semaphore_mem>>)
    %dma_start3A_80 = arith.constant 0 : i32
    %dma_start3A_81 = arith.constant 32 : i32
    %dma_start3A_82 = arith.constant 0 : i32
    %dma_start3A_83 = tpu.memref_slice %arg7[%dma_start3A_80, %dma_start3A_81, %dma_start3A_82] : memref<3x128x128xf32, #tpu.memory_space<vmem>> -> memref<1x32x128xf32, #tpu.memory_space<vmem>>
    %dma_start3A_84 = tpu.memref_squeeze %dma_start3A_83 : memref<1x32x128xf32, #tpu.memory_space<vmem>> -> memref<32x128xf32, #tpu.memory_space<vmem>>
    %dma_start3A_85 = arith.constant 3168 : i32
    %dma_start3A_86 = tpu.memref_slice %arg6[%dma_start3A_85] : memref<12672xi32, #tpu.memory_space<vmem>> -> memref<32xi32, #tpu.memory_space<vmem>>
    %dma_start3A_87 = arith.constant 0 : i32
    %dma_start3A_88 = arith.constant 0 : i32
    %dma_start3A_89 = tpu.memref_slice %arg2[%dma_start3A_87, %dma_start3A_88] : memref<200000x128xf32, #tpu.memory_space<hbm>> -> memref<200000x128xf32, #tpu.memory_space<hbm>>
    tpu.enqueue_indirect_dma source(%dma_start3A_89 : memref<200000x128xf32, #tpu.memory_space<hbm>>) target(%dma_start3A_84 : memref<32x128xf32, #tpu.memory_space<vmem>>) offsets(%dma_start3A_86 : memref<32xi32, #tpu.memory_space<vmem>>) semaphore(%arg10 : memref<!tpu.dma_semaphore, #tpu.memory_space<semaphore_mem>>)
    %dma_start3A_90 = arith.constant 0 : i32
    %dma_start3A_91 = arith.constant 64 : i32
    %dma_start3A_92 = arith.constant 0 : i32
    %dma_start3A_93 = tpu.memref_slice %arg7[%dma_start3A_90, %dma_start3A_91, %dma_start3A_92] : memref<3x128x128xf32, #tpu.memory_space<vmem>> -> memref<1x32x128xf32, #tpu.memory_space<vmem>>
    %dma_start3A_94 = tpu.memref_squeeze %dma_start3A_93 : memref<1x32x128xf32, #tpu.memory_space<vmem>> -> memref<32x128xf32, #tpu.memory_space<vmem>>
    %dma_start3A_95 = arith.constant 6336 : i32
    %dma_start3A_96 = tpu.memref_slice %arg6[%dma_start3A_95] : memref<12672xi32, #tpu.memory_space<vmem>> -> memref<32xi32, #tpu.memory_space<vmem>>
    %dma_start3A_97 = arith.constant 0 : i32
    %dma_start3A_98 = arith.constant 0 : i32
    %dma_start3A_99 = tpu.memref_slice %arg2[%dma_start3A_97, %dma_start3A_98] : memref<200000x128xf32, #tpu.memory_space<hbm>> -> memref<200000x128xf32, #tpu.memory_space<hbm>>
    tpu.enqueue_indirect_dma source(%dma_start3A_99 : memref<200000x128xf32, #tpu.memory_space<hbm>>) target(%dma_start3A_94 : memref<32x128xf32, #tpu.memory_space<vmem>>) offsets(%dma_start3A_96 : memref<32xi32, #tpu.memory_space<vmem>>) semaphore(%arg10 : memref<!tpu.dma_semaphore, #tpu.memory_space<semaphore_mem>>)
    %dma_start3A_100 = arith.constant 0 : i32
    %dma_start3A_101 = arith.constant 96 : i32
    %dma_start3A_102 = arith.constant 0 : i32
    %dma_start3A_103 = tpu.memref_slice %arg7[%dma_start3A_100, %dma_start3A_101, %dma_start3A_102] : memref<3x128x128xf32, #tpu.memory_space<vmem>> -> memref<1x32x128xf32, #tpu.memory_space<vmem>>
    %dma_start3A_104 = tpu.memref_squeeze %dma_start3A_103 : memref<1x32x128xf32, #tpu.memory_space<vmem>> -> memref<32x128xf32, #tpu.memory_space<vmem>>
    %dma_start3A_105 = arith.constant 9504 : i32
    %dma_start3A_106 = tpu.memref_slice %arg6[%dma_start3A_105] : memref<12672xi32, #tpu.memory_space<vmem>> -> memref<32xi32, #tpu.memory_space<vmem>>
    %dma_start3A_107 = arith.constant 0 : i32
    %dma_start3A_108 = arith.constant 0 : i32
    %dma_start3A_109 = tpu.memref_slice %arg2[%dma_start3A_107, %dma_start3A_108] : memref<200000x128xf32, #tpu.memory_space<hbm>> -> memref<200000x128xf32, #tpu.memory_space<hbm>>
    tpu.enqueue_indirect_dma source(%dma_start3A_109 : memref<200000x128xf32, #tpu.memory_space<hbm>>) target(%dma_start3A_104 : memref<32x128xf32, #tpu.memory_space<vmem>>) offsets(%dma_start3A_106 : memref<32xi32, #tpu.memory_space<vmem>>) semaphore(%arg10 : memref<!tpu.dma_semaphore, #tpu.memory_space<semaphore_mem>>)
    %dma_start3A_110 = arith.constant 1 : i32
    %dma_start3A_111 = arith.constant 0 : i32
    %dma_start3A_112 = arith.constant 0 : i32
    %dma_start3A_113 = tpu.memref_slice %arg7[%dma_start3A_110, %dma_start3A_111, %dma_start3A_112] : memref<3x128x128xf32, #tpu.memory_space<vmem>> -> memref<1x32x128xf32, #tpu.memory_space<vmem>>
    %dma_start3A_114 = tpu.memref_squeeze %dma_start3A_113 : memref<1x32x128xf32, #tpu.memory_space<vmem>> -> memref<32x128xf32, #tpu.memory_space<vmem>>
    %dma_start3A_115 = arith.constant 32 : i32
    %dma_start3A_116 = tpu.memref_slice %arg6[%dma_start3A_115] : memref<12672xi32, #tpu.memory_space<vmem>> -> memref<32xi32, #tpu.memory_space<vmem>>
    %dma_start3A_117 = arith.constant 0 : i32
    %dma_start3A_118 = arith.constant 0 : i32
    %dma_start3A_119 = tpu.memref_slice %arg2[%dma_start3A_117, %dma_start3A_118] : memref<200000x128xf32, #tpu.memory_space<hbm>> -> memref<200000x128xf32, #tpu.memory_space<hbm>>
    tpu.enqueue_indirect_dma source(%dma_start3A_119 : memref<200000x128xf32, #tpu.memory_space<hbm>>) target(%dma_start3A_114 : memref<32x128xf32, #tpu.memory_space<vmem>>) offsets(%dma_start3A_116 : memref<32xi32, #tpu.memory_space<vmem>>) semaphore(%arg10 : memref<!tpu.dma_semaphore, #tpu.memory_space<semaphore_mem>>)
    %dma_start3A_120 = arith.constant 1 : i32
    %dma_start3A_121 = arith.constant 32 : i32
    %dma_start3A_122 = arith.constant 0 : i32
    %dma_start3A_123 = tpu.memref_slice %arg7[%dma_start3A_120, %dma_start3A_121, %dma_start3A_122] : memref<3x128x128xf32, #tpu.memory_space<vmem>> -> memref<1x32x128xf32, #tpu.memory_space<vmem>>
    %dma_start3A_124 = tpu.memref_squeeze %dma_start3A_123 : memref<1x32x128xf32, #tpu.memory_space<vmem>> -> memref<32x128xf32, #tpu.memory_space<vmem>>
    %dma_start3A_125 = arith.constant 3200 : i32
    %dma_start3A_126 = tpu.memref_slice %arg6[%dma_start3A_125] : memref<12672xi32, #tpu.memory_space<vmem>> -> memref<32xi32, #tpu.memory_space<vmem>>
    %dma_start3A_127 = arith.constant 0 : i32
    %dma_start3A_128 = arith.constant 0 : i32
    %dma_start3A_129 = tpu.memref_slice %arg2[%dma_start3A_127, %dma_start3A_128] : memref<200000x128xf32, #tpu.memory_space<hbm>> -> memref<200000x128xf32, #tpu.memory_space<hbm>>
    tpu.enqueue_indirect_dma source(%dma_start3A_129 : memref<200000x128xf32, #tpu.memory_space<hbm>>) target(%dma_start3A_124 : memref<32x128xf32, #tpu.memory_space<vmem>>) offsets(%dma_start3A_126 : memref<32xi32, #tpu.memory_space<vmem>>) semaphore(%arg10 : memref<!tpu.dma_semaphore, #tpu.memory_space<semaphore_mem>>)
    %dma_start3A_130 = arith.constant 1 : i32
    %dma_start3A_131 = arith.constant 64 : i32
    %dma_start3A_132 = arith.constant 0 : i32
    %dma_start3A_133 = tpu.memref_slice %arg7[%dma_start3A_130, %dma_start3A_131, %dma_start3A_132] : memref<3x128x128xf32, #tpu.memory_space<vmem>> -> memref<1x32x128xf32, #tpu.memory_space<vmem>>
    %dma_start3A_134 = tpu.memref_squeeze %dma_start3A_133 : memref<1x32x128xf32, #tpu.memory_space<vmem>> -> memref<32x128xf32, #tpu.memory_space<vmem>>
    %dma_start3A_135 = arith.constant 6368 : i32
    %dma_start3A_136 = tpu.memref_slice %arg6[%dma_start3A_135] : memref<12672xi32, #tpu.memory_space<vmem>> -> memref<32xi32, #tpu.memory_space<vmem>>
    %dma_start3A_137 = arith.constant 0 : i32
    %dma_start3A_138 = arith.constant 0 : i32
    %dma_start3A_139 = tpu.memref_slice %arg2[%dma_start3A_137, %dma_start3A_138] : memref<200000x128xf32, #tpu.memory_space<hbm>> -> memref<200000x128xf32, #tpu.memory_space<hbm>>
    tpu.enqueue_indirect_dma source(%dma_start3A_139 : memref<200000x128xf32, #tpu.memory_space<hbm>>) target(%dma_start3A_134 : memref<32x128xf32, #tpu.memory_space<vmem>>) offsets(%dma_start3A_136 : memref<32xi32, #tpu.memory_space<vmem>>) semaphore(%arg10 : memref<!tpu.dma_semaphore, #tpu.memory_space<semaphore_mem>>)
    %dma_start3A_140 = arith.constant 1 : i32
    %dma_start3A_141 = arith.constant 96 : i32
    %dma_start3A_142 = arith.constant 0 : i32
    %dma_start3A_143 = tpu.memref_slice %arg7[%dma_start3A_140, %dma_start3A_141, %dma_start3A_142] : memref<3x128x128xf32, #tpu.memory_space<vmem>> -> memref<1x32x128xf32, #tpu.memory_space<vmem>>
    %dma_start3A_144 = tpu.memref_squeeze %dma_start3A_143 : memref<1x32x128xf32, #tpu.memory_space<vmem>> -> memref<32x128xf32, #tpu.memory_space<vmem>>
    %dma_start3A_145 = arith.constant 9536 : i32
    %dma_start3A_146 = tpu.memref_slice %arg6[%dma_start3A_145] : memref<12672xi32, #tpu.memory_space<vmem>> -> memref<32xi32, #tpu.memory_space<vmem>>
    %dma_start3A_147 = arith.constant 0 : i32
    %dma_start3A_148 = arith.constant 0 : i32
    %dma_start3A_149 = tpu.memref_slice %arg2[%dma_start3A_147, %dma_start3A_148] : memref<200000x128xf32, #tpu.memory_space<hbm>> -> memref<200000x128xf32, #tpu.memory_space<hbm>>
    tpu.enqueue_indirect_dma source(%dma_start3A_149 : memref<200000x128xf32, #tpu.memory_space<hbm>>) target(%dma_start3A_144 : memref<32x128xf32, #tpu.memory_space<vmem>>) offsets(%dma_start3A_146 : memref<32xi32, #tpu.memory_space<vmem>>) semaphore(%arg10 : memref<!tpu.dma_semaphore, #tpu.memory_space<semaphore_mem>>)
    %scan3A = arith.constant 0 : i32
    %scan3A_150 = arith.constant 0 : i32
    %scan3A_151 = arith.constant 33 : i32
    %scan3A_152 = arith.addi %scan3A_150, %scan3A_151 : i32
    %scan3A_153 = arith.constant 1 : i32
    scf.for %scan3A_200 = %scan3A_150 to %scan3A_152 step %scan3A_153  : i32 {
      %mul3A_201 = arith.constant 3 : i32
      %mul3A_202 = arith.muli %scan3A_200, %mul3A_201 : i32
      %add3A_203 = arith.constant 0 : i32
      %add3A_204 = arith.addi %mul3A_202, %add3A_203 : i32
      %lt3A = arith.cmpi slt, %add3A_204, %min3A_4 : i32
      %convert_element_type3A = arith.extui %lt3A : i1 to i32
      %cond3A = arith.constant 0 : i32
      %cond3A_205 = arith.cmpi ne, %convert_element_type3A, %cond3A : i32
      scf.if %cond3A_205 {
        %add3A_222 = arith.constant 3 : i32
        %add3A_223 = arith.addi %add3A_204, %add3A_222 : i32
        %sub3A_224 = arith.constant 1 : i32
        %sub3A_225 = arith.subi %add3A_223, %sub3A_224 : i32
        %lt3A_226 = arith.cmpi slt, %sub3A_225, %min3A_4 : i32
        %convert_element_type3A_227 = arith.extui %lt3A_226 : i1 to i32
        %cond3A_228 = arith.constant 0 : i32
        %cond3A_229 = arith.cmpi ne, %convert_element_type3A_227, %cond3A_228 : i32
        scf.if %cond3A_229 {
          %add3A_267 = arith.constant 3 : i32
          %add3A_268 = arith.addi %add3A_204, %add3A_267 : i32
          %sub3A_269 = arith.constant 1 : i32
          %sub3A_270 = arith.subi %add3A_268, %sub3A_269 : i32
          %mul3A_271 = arith.constant 32 : i32
          %mul3A_272 = arith.muli %sub3A_270, %mul3A_271 : i32
          %add3A_273 = arith.constant 0 : i32
          %add3A_274 = arith.addi %add3A_273, %mul3A_272 : i32
          %dma_start3A_275 = arith.constant 2 : i32
          %dma_start3A_276 = arith.constant 0 : i32
          %dma_start3A_277 = arith.constant 0 : i32
          %dma_start3A_278 = tpu.memref_slice %arg7[%dma_start3A_275, %dma_start3A_276, %dma_start3A_277] : memref<3x128x128xf32, #tpu.memory_space<vmem>> -> memref<1x32x128xf32, #tpu.memory_space<vmem>>
          %dma_start3A_279 = tpu.memref_squeeze %dma_start3A_278 : memref<1x32x128xf32, #tpu.memory_space<vmem>> -> memref<32x128xf32, #tpu.memory_space<vmem>>
          %dma_start3A_280 = tpu.memref_slice %arg6[%add3A_274] : memref<12672xi32, #tpu.memory_space<vmem>> -> memref<32xi32, #tpu.memory_space<vmem>>
          %dma_start3A_281 = arith.constant 0 : i32
          %dma_start3A_282 = arith.constant 0 : i32
          %dma_start3A_283 = tpu.memref_slice %arg2[%dma_start3A_281, %dma_start3A_282] : memref<200000x128xf32, #tpu.memory_space<hbm>> -> memref<200000x128xf32, #tpu.memory_space<hbm>>
          tpu.enqueue_indirect_dma source(%dma_start3A_283 : memref<200000x128xf32, #tpu.memory_space<hbm>>) target(%dma_start3A_279 : memref<32x128xf32, #tpu.memory_space<vmem>>) offsets(%dma_start3A_280 : memref<32xi32, #tpu.memory_space<vmem>>) semaphore(%arg10 : memref<!tpu.dma_semaphore, #tpu.memory_space<semaphore_mem>>)
          %mul3A_284 = arith.constant 32 : i32
          %mul3A_285 = arith.muli %sub3A_270, %mul3A_284 : i32
          %add3A_286 = arith.constant 3168 : i32
          %add3A_287 = arith.addi %add3A_286, %mul3A_285 : i32
          %dma_start3A_288 = arith.constant 2 : i32
          %dma_start3A_289 = arith.constant 32 : i32
          %dma_start3A_290 = arith.constant 0 : i32
          %dma_start3A_291 = tpu.memref_slice %arg7[%dma_start3A_288, %dma_start3A_289, %dma_start3A_290] : memref<3x128x128xf32, #tpu.memory_space<vmem>> -> memref<1x32x128xf32, #tpu.memory_space<vmem>>
          %dma_start3A_292 = tpu.memref_squeeze %dma_start3A_291 : memref<1x32x128xf32, #tpu.memory_space<vmem>> -> memref<32x128xf32, #tpu.memory_space<vmem>>
          %dma_start3A_293 = tpu.memref_slice %arg6[%add3A_287] : memref<12672xi32, #tpu.memory_space<vmem>> -> memref<32xi32, #tpu.memory_space<vmem>>
          %dma_start3A_294 = arith.constant 0 : i32
          %dma_start3A_295 = arith.constant 0 : i32
          %dma_start3A_296 = tpu.memref_slice %arg2[%dma_start3A_294, %dma_start3A_295] : memref<200000x128xf32, #tpu.memory_space<hbm>> -> memref<200000x128xf32, #tpu.memory_space<hbm>>
          tpu.enqueue_indirect_dma source(%dma_start3A_296 : memref<200000x128xf32, #tpu.memory_space<hbm>>) target(%dma_start3A_292 : memref<32x128xf32, #tpu.memory_space<vmem>>) offsets(%dma_start3A_293 : memref<32xi32, #tpu.memory_space<vmem>>) semaphore(%arg10 : memref<!tpu.dma_semaphore, #tpu.memory_space<semaphore_mem>>)
          %mul3A_297 = arith.constant 32 : i32
          %mul3A_298 = arith.muli %sub3A_270, %mul3A_297 : i32
          %add3A_299 = arith.constant 6336 : i32
          %add3A_300 = arith.addi %add3A_299, %mul3A_298 : i32
          %dma_start3A_301 = arith.constant 2 : i32
          %dma_start3A_302 = arith.constant 64 : i32
          %dma_start3A_303 = arith.constant 0 : i32
          %dma_start3A_304 = tpu.memref_slice %arg7[%dma_start3A_301, %dma_start3A_302, %dma_start3A_303] : memref<3x128x128xf32, #tpu.memory_space<vmem>> -> memref<1x32x128xf32, #tpu.memory_space<vmem>>
          %dma_start3A_305 = tpu.memref_squeeze %dma_start3A_304 : memref<1x32x128xf32, #tpu.memory_space<vmem>> -> memref<32x128xf32, #tpu.memory_space<vmem>>
          %dma_start3A_306 = tpu.memref_slice %arg6[%add3A_300] : memref<12672xi32, #tpu.memory_space<vmem>> -> memref<32xi32, #tpu.memory_space<vmem>>
          %dma_start3A_307 = arith.constant 0 : i32
          %dma_start3A_308 = arith.constant 0 : i32
          %dma_start3A_309 = tpu.memref_slice %arg2[%dma_start3A_307, %dma_start3A_308] : memref<200000x128xf32, #tpu.memory_space<hbm>> -> memref<200000x128xf32, #tpu.memory_space<hbm>>
          tpu.enqueue_indirect_dma source(%dma_start3A_309 : memref<200000x128xf32, #tpu.memory_space<hbm>>) target(%dma_start3A_305 : memref<32x128xf32, #tpu.memory_space<vmem>>) offsets(%dma_start3A_306 : memref<32xi32, #tpu.memory_space<vmem>>) semaphore(%arg10 : memref<!tpu.dma_semaphore, #tpu.memory_space<semaphore_mem>>)
          %mul3A_310 = arith.constant 32 : i32
          %mul3A_311 = arith.muli %sub3A_270, %mul3A_310 : i32
          %add3A_312 = arith.constant 9504 : i32
          %add3A_313 = arith.addi %add3A_312, %mul3A_311 : i32
          %dma_start3A_314 = arith.constant 2 : i32
          %dma_start3A_315 = arith.constant 96 : i32
          %dma_start3A_316 = arith.constant 0 : i32
          %dma_start3A_317 = tpu.memref_slice %arg7[%dma_start3A_314, %dma_start3A_315, %dma_start3A_316] : memref<3x128x128xf32, #tpu.memory_space<vmem>> -> memref<1x32x128xf32, #tpu.memory_space<vmem>>
          %dma_start3A_318 = tpu.memref_squeeze %dma_start3A_317 : memref<1x32x128xf32, #tpu.memory_space<vmem>> -> memref<32x128xf32, #tpu.memory_space<vmem>>
          %dma_start3A_319 = tpu.memref_slice %arg6[%add3A_313] : memref<12672xi32, #tpu.memory_space<vmem>> -> memref<32xi32, #tpu.memory_space<vmem>>
          %dma_start3A_320 = arith.constant 0 : i32
          %dma_start3A_321 = arith.constant 0 : i32
          %dma_start3A_322 = tpu.memref_slice %arg2[%dma_start3A_320, %dma_start3A_321] : memref<200000x128xf32, #tpu.memory_space<hbm>> -> memref<200000x128xf32, #tpu.memory_space<hbm>>
          tpu.enqueue_indirect_dma source(%dma_start3A_322 : memref<200000x128xf32, #tpu.memory_space<hbm>>) target(%dma_start3A_318 : memref<32x128xf32, #tpu.memory_space<vmem>>) offsets(%dma_start3A_319 : memref<32xi32, #tpu.memory_space<vmem>>) semaphore(%arg10 : memref<!tpu.dma_semaphore, #tpu.memory_space<semaphore_mem>>)
        } else {
        }
        %dma_wait3A_230 = arith.constant 0 : i32
        %dma_wait3A_231 = arith.constant 0 : i32
        %dma_wait3A_232 = arith.constant 0 : i32
        %dma_wait3A_233 = tpu.memref_slice %arg7[%dma_wait3A_230, %dma_wait3A_231, %dma_wait3A_232] : memref<3x128x128xf32, #tpu.memory_space<vmem>> -> memref<1x128x128xf32, #tpu.memory_space<vmem>>
        %dma_wait3A_234 = tpu.memref_squeeze %dma_wait3A_233 : memref<1x128x128xf32, #tpu.memory_space<vmem>> -> memref<128x128xf32, #tpu.memory_space<vmem>>
        %dma_wait3A_235 = arith.constant 0 : i32
        %dma_wait3A_236 = arith.constant 0 : i32
        %dma_wait3A_237 = tpu.memref_slice %arg2[%dma_wait3A_235, %dma_wait3A_236] : memref<200000x128xf32, #tpu.memory_space<hbm>> -> memref<128x128xf32, #tpu.memory_space<hbm>>
        %dma_wait3A_238 = arith.constant 0 : i32
        %dma_wait3A_239 = arith.constant 0 : i32
        %dma_wait3A_240 = tpu.memref_slice %arg7[%dma_wait3A_230, %dma_wait3A_238, %dma_wait3A_239] : memref<3x128x128xf32, #tpu.memory_space<vmem>> -> memref<1x128x128xf32, #tpu.memory_space<vmem>>
        %dma_wait3A_241 = tpu.memref_squeeze %dma_wait3A_240 : memref<1x128x128xf32, #tpu.memory_space<vmem>> -> memref<128x128xf32, #tpu.memory_space<vmem>>
        %dma_wait3A_242 = arith.constant 0 : i32
        %dma_wait3A_243 = arith.constant 0 : i32
        %dma_wait3A_244 = tpu.memref_slice %arg2[%dma_wait3A_242, %dma_wait3A_243] : memref<200000x128xf32, #tpu.memory_space<hbm>> -> memref<128x128xf32, #tpu.memory_space<hbm>>
        tpu.wait_dma2 semaphore(%arg10 : memref<!tpu.dma_semaphore, #tpu.memory_space<semaphore_mem>>) src(%dma_wait3A_244 : memref<128x128xf32, #tpu.memory_space<hbm>>) dst(%dma_wait3A_241 : memref<128x128xf32, #tpu.memory_space<vmem>>)
        %ge3A = arith.constant 3 : i32
        %ge3A_245 = arith.cmpi sge, %add3A_204, %ge3A : i32
        %convert_element_type3A_246 = arith.extui %ge3A_245 : i1 to i32
        %cond3A_247 = arith.constant 0 : i32
        %cond3A_248 = arith.cmpi ne, %convert_element_type3A_246, %cond3A_247 : i32
        scf.if %cond3A_248 {
          %dma_wait3A_267 = arith.constant 0 : i32
          %dma_wait3A_268 = arith.constant 0 : i32
          %dma_wait3A_269 = arith.constant 0 : i32
          %dma_wait3A_270 = tpu.memref_slice %arg8[%dma_wait3A_267, %dma_wait3A_268, %dma_wait3A_269] : memref<3x32x128xf32, #tpu.memory_space<vmem>> -> memref<1x32x128xf32, #tpu.memory_space<vmem>>
          %dma_wait3A_271 = tpu.memref_squeeze %dma_wait3A_270 : memref<1x32x128xf32, #tpu.memory_space<vmem>> -> memref<32x128xf32, #tpu.memory_space<vmem>>
          %dma_wait3A_272 = arith.constant 0 : i32
          %dma_wait3A_273 = arith.constant 0 : i32
          %dma_wait3A_274 = tpu.memref_slice %arg5[%dma_wait3A_272, %dma_wait3A_273] : memref<100000x128xf32, #tpu.memory_space<hbm>> -> memref<32x128xf32, #tpu.memory_space<hbm>>
          %dma_wait3A_275 = arith.constant 0 : i32
          %dma_wait3A_276 = arith.constant 0 : i32
          %dma_wait3A_277 = tpu.memref_slice %arg5[%dma_wait3A_275, %dma_wait3A_276] : memref<100000x128xf32, #tpu.memory_space<hbm>> -> memref<32x128xf32, #tpu.memory_space<hbm>>
          %dma_wait3A_278 = arith.constant 0 : i32
          %dma_wait3A_279 = arith.constant 0 : i32
          %dma_wait3A_280 = tpu.memref_slice %arg8[%dma_wait3A_267, %dma_wait3A_278, %dma_wait3A_279] : memref<3x32x128xf32, #tpu.memory_space<vmem>> -> memref<1x32x128xf32, #tpu.memory_space<vmem>>
          %dma_wait3A_281 = tpu.memref_squeeze %dma_wait3A_280 : memref<1x32x128xf32, #tpu.memory_space<vmem>> -> memref<32x128xf32, #tpu.memory_space<vmem>>
          tpu.wait_dma2 semaphore(%arg11 : memref<!tpu.dma_semaphore, #tpu.memory_space<semaphore_mem>>) src(%dma_wait3A_281 : memref<32x128xf32, #tpu.memory_space<vmem>>) dst(%dma_wait3A_277 : memref<32x128xf32, #tpu.memory_space<hbm>>)
        } else {
        }
        %parallel_loop3A = arith.constant 0 : i32
        %parallel_loop3A_249 = arith.constant 32 : i32
        %parallel_loop3A_250 = arith.constant 1 : i32
        scf.for %parallel_loop3A_267 = %parallel_loop3A to %parallel_loop3A_249 step %parallel_loop3A_250  : i32 {
          %parallel_loop3A_268 = arith.constant 0 : i32
          %parallel_loop3A_269 = arith.index_cast %parallel_loop3A_268 : i32 to index
          %parallel_loop3A_270 = arith.index_cast %parallel_loop3A_267 : i32 to index
          %parallel_loop3A_271 = arith.constant 0 : index
          %parallel_loop3A_272 = tpu.vector_load %arg7[%parallel_loop3A_269, %parallel_loop3A_270, %parallel_loop3A_271] {strides = array<i32>} : memref<3x128x128xf32, #tpu.memory_space<vmem>>, vector<1x1x16xf32>,
          %parallel_loop3A_273 = vector.shape_cast %parallel_loop3A_272 : vector<1x1x16xf32> to vector<16xf32>
          %parallel_loop3A_274 = arith.constant 32 : i32
          %parallel_loop3A_275 = arith.addi %parallel_loop3A_274, %parallel_loop3A_267 : i32
          %parallel_loop3A_276 = arith.constant 0 : i32
          %parallel_loop3A_277 = arith.index_cast %parallel_loop3A_276 : i32 to index
          %parallel_loop3A_278 = arith.index_cast %parallel_loop3A_275 : i32 to index
          %parallel_loop3A_279 = arith.constant 0 : index
          %parallel_loop3A_280 = tpu.vector_load %arg7[%parallel_loop3A_277, %parallel_loop3A_278, %parallel_loop3A_279] {strides = array<i32>} : memref<3x128x128xf32, #tpu.memory_space<vmem>>, vector<1x1x16xf32>,
          %parallel_loop3A_281 = vector.shape_cast %parallel_loop3A_280 : vector<1x1x16xf32> to vector<16xf32>
          %parallel_loop3A_282 = arith.addf %parallel_loop3A_273, %parallel_loop3A_281 : vector<16xf32>
          %parallel_loop3A_283 = arith.constant 64 : i32
          %parallel_loop3A_284 = arith.addi %parallel_loop3A_283, %parallel_loop3A_267 : i32
          %parallel_loop3A_285 = arith.constant 0 : i32
          %parallel_loop3A_286 = arith.index_cast %parallel_loop3A_285 : i32 to index
          %parallel_loop3A_287 = arith.index_cast %parallel_loop3A_284 : i32 to index
          %parallel_loop3A_288 = arith.constant 0 : index
          %parallel_loop3A_289 = tpu.vector_load %arg7[%parallel_loop3A_286, %parallel_loop3A_287, %parallel_loop3A_288] {strides = array<i32>} : memref<3x128x128xf32, #tpu.memory_space<vmem>>, vector<1x1x16xf32>,
          %parallel_loop3A_290 = vector.shape_cast %parallel_loop3A_289 : vector<1x1x16xf32> to vector<16xf32>
          %parallel_loop3A_291 = arith.addf %parallel_loop3A_282, %parallel_loop3A_290 : vector<16xf32>
          %parallel_loop3A_292 = arith.constant 96 : i32
          %parallel_loop3A_293 = arith.addi %parallel_loop3A_292, %parallel_loop3A_267 : i32
          %parallel_loop3A_294 = arith.constant 0 : i32
          %parallel_loop3A_295 = arith.index_cast %parallel_loop3A_294 : i32 to index
          %parallel_loop3A_296 = arith.index_cast %parallel_loop3A_293 : i32 to index
          %parallel_loop3A_297 = arith.constant 0 : index
          %parallel_loop3A_298 = tpu.vector_load %arg7[%parallel_loop3A_295, %parallel_loop3A_296, %parallel_loop3A_297] {strides = array<i32>} : memref<3x128x128xf32, #tpu.memory_space<vmem>>, vector<1x1x16xf32>,
          %parallel_loop3A_299 = vector.shape_cast %parallel_loop3A_298 : vector<1x1x16xf32> to vector<16xf32>
          %parallel_loop3A_300 = arith.addf %parallel_loop3A_291, %parallel_loop3A_299 : vector<16xf32>
          %parallel_loop3A_301 = arith.addf %parallel_loop3A_300, %get3A_48 : vector<16xf32>
          %parallel_loop3A_302 = arith.constant 0.000000e+00 : f32
          %parallel_loop3A_303 = vector.broadcast %parallel_loop3A_302 : f32 to vector<16xf32>
          %parallel_loop3A_304 = arith.maximumf %parallel_loop3A_301, %parallel_loop3A_303 : vector<16xf32>
          %parallel_loop3A_305 = arith.constant 0 : i32
          %parallel_loop3A_306 = arith.index_cast %parallel_loop3A_305 : i32 to index
          %parallel_loop3A_307 = arith.index_cast %parallel_loop3A_267 : i32 to index
          %parallel_loop3A_308 = arith.constant 0 : index
          %parallel_loop3A_309 = tpu.vector_load %arg8[%parallel_loop3A_306, %parallel_loop3A_307, %parallel_loop3A_308] {strides = array<i32>} : memref<3x32x128xf32, #tpu.memory_space<vmem>>, vector<1x1x16xf32>,
          %parallel_loop3A_310 = vector.shape_cast %parallel_loop3A_309 : vector<1x1x16xf32> to vector<16xf32>
          %parallel_loop3A_311 = vector.shape_cast %parallel_loop3A_304 : vector<16xf32> to vector<1x1x16xf32>
          tpu.vector_store %arg8[%parallel_loop3A_306, %parallel_loop3A_307, %parallel_loop3A_308], %parallel_loop3A_311 {strides = array<i32>} : memref<3x32x128xf32, #tpu.memory_space<vmem>>, vector<1x1x16xf32>,
          %parallel_loop3A_312 = arith.constant 0 : i32
          %parallel_loop3A_313 = arith.index_cast %parallel_loop3A_312 : i32 to index
          %parallel_loop3A_314 = arith.index_cast %parallel_loop3A_267 : i32 to index
          %parallel_loop3A_315 = arith.constant 16 : index
          %parallel_loop3A_316 = tpu.vector_load %arg7[%parallel_loop3A_313, %parallel_loop3A_314, %parallel_loop3A_315] {strides = array<i32>} : memref<3x128x128xf32, #tpu.memory_space<vmem>>, vector<1x1x16xf32>,
          %parallel_loop3A_317 = vector.shape_cast %parallel_loop3A_316 : vector<1x1x16xf32> to vector<16xf32>
          %parallel_loop3A_318 = arith.constant 32 : i32
          %parallel_loop3A_319 = arith.addi %parallel_loop3A_318, %parallel_loop3A_267 : i32
          %parallel_loop3A_320 = arith.constant 0 : i32
          %parallel_loop3A_321 = arith.index_cast %parallel_loop3A_320 : i32 to index
          %parallel_loop3A_322 = arith.index_cast %parallel_loop3A_319 : i32 to index
          %parallel_loop3A_323 = arith.constant 16 : index
          %parallel_loop3A_324 = tpu.vector_load %arg7[%parallel_loop3A_321, %parallel_loop3A_322, %parallel_loop3A_323] {strides = array<i32>} : memref<3x128x128xf32, #tpu.memory_space<vmem>>, vector<1x1x16xf32>,
          %parallel_loop3A_325 = vector.shape_cast %parallel_loop3A_324 : vector<1x1x16xf32> to vector<16xf32>
          %parallel_loop3A_326 = arith.addf %parallel_loop3A_317, %parallel_loop3A_325 : vector<16xf32>
          %parallel_loop3A_327 = arith.constant 64 : i32
          %parallel_loop3A_328 = arith.addi %parallel_loop3A_327, %parallel_loop3A_267 : i32
          %parallel_loop3A_329 = arith.constant 0 : i32
          %parallel_loop3A_330 = arith.index_cast %parallel_loop3A_329 : i32 to index
          %parallel_loop3A_331 = arith.index_cast %parallel_loop3A_328 : i32 to index
          %parallel_loop3A_332 = arith.constant 16 : index
          %parallel_loop3A_333 = tpu.vector_load %arg7[%parallel_loop3A_330, %parallel_loop3A_331, %parallel_loop3A_332] {strides = array<i32>} : memref<3x128x128xf32, #tpu.memory_space<vmem>>, vector<1x1x16xf32>,
          %parallel_loop3A_334 = vector.shape_cast %parallel_loop3A_333 : vector<1x1x16xf32> to vector<16xf32>
          %parallel_loop3A_335 = arith.addf %parallel_loop3A_326, %parallel_loop3A_334 : vector<16xf32>
          %parallel_loop3A_336 = arith.constant 96 : i32
          %parallel_loop3A_337 = arith.addi %parallel_loop3A_336, %parallel_loop3A_267 : i32
          %parallel_loop3A_338 = arith.constant 0 : i32
          %parallel_loop3A_339 = arith.index_cast %parallel_loop3A_338 : i32 to index
          %parallel_loop3A_340 = arith.index_cast %parallel_loop3A_337 : i32 to index
          %parallel_loop3A_341 = arith.constant 16 : index
          %parallel_loop3A_342 = tpu.vector_load %arg7[%parallel_loop3A_339, %parallel_loop3A_340, %parallel_loop3A_341] {strides = array<i32>} : memref<3x128x128xf32, #tpu.memory_space<vmem>>, vector<1x1x16xf32>,
          %parallel_loop3A_343 = vector.shape_cast %parallel_loop3A_342 : vector<1x1x16xf32> to vector<16xf32>
          %parallel_loop3A_344 = arith.addf %parallel_loop3A_335, %parallel_loop3A_343 : vector<16xf32>
          %parallel_loop3A_345 = arith.addf %parallel_loop3A_344, %get3A_51 : vector<16xf32>
          %parallel_loop3A_346 = arith.constant 0.000000e+00 : f32
          %parallel_loop3A_347 = vector.broadcast %parallel_loop3A_346 : f32 to vector<16xf32>
          %parallel_loop3A_348 = arith.maximumf %parallel_loop3A_345, %parallel_loop3A_347 : vector<16xf32>
          %parallel_loop3A_349 = arith.constant 0 : i32
          %parallel_loop3A_350 = arith.index_cast %parallel_loop3A_349 : i32 to index
          %parallel_loop3A_351 = arith.index_cast %parallel_loop3A_267 : i32 to index
          %parallel_loop3A_352 = arith.constant 16 : index
          %parallel_loop3A_353 = tpu.vector_load %arg8[%parallel_loop3A_350, %parallel_loop3A_351, %parallel_loop3A_352] {strides = array<i32>} : memref<3x32x128xf32, #tpu.memory_space<vmem>>, vector<1x1x16xf32>,
          %parallel_loop3A_354 = vector.shape_cast %parallel_loop3A_353 : vector<1x1x16xf32> to vector<16xf32>
          %parallel_loop3A_355 = vector.shape_cast %parallel_loop3A_348 : vector<16xf32> to vector<1x1x16xf32>
          tpu.vector_store %arg8[%parallel_loop3A_350, %parallel_loop3A_351, %parallel_loop3A_352], %parallel_loop3A_355 {strides = array<i32>} : memref<3x32x128xf32, #tpu.memory_space<vmem>>, vector<1x1x16xf32>,
          %parallel_loop3A_356 = arith.constant 0 : i32
          %parallel_loop3A_357 = arith.index_cast %parallel_loop3A_356 : i32 to index
          %parallel_loop3A_358 = arith.index_cast %parallel_loop3A_267 : i32 to index
          %parallel_loop3A_359 = arith.constant 32 : index
          %parallel_loop3A_360 = tpu.vector_load %arg7[%parallel_loop3A_357, %parallel_loop3A_358, %parallel_loop3A_359] {strides = array<i32>} : memref<3x128x128xf32, #tpu.memory_space<vmem>>, vector<1x1x16xf32>,
          %parallel_loop3A_361 = vector.shape_cast %parallel_loop3A_360 : vector<1x1x16xf32> to vector<16xf32>
          %parallel_loop3A_362 = arith.constant 32 : i32
          %parallel_loop3A_363 = arith.addi %parallel_loop3A_362, %parallel_loop3A_267 : i32
          %parallel_loop3A_364 = arith.constant 0 : i32
          %parallel_loop3A_365 = arith.index_cast %parallel_loop3A_364 : i32 to index
          %parallel_loop3A_366 = arith.index_cast %parallel_loop3A_363 : i32 to index
          %parallel_loop3A_367 = arith.constant 32 : index
          %parallel_loop3A_368 = tpu.vector_load %arg7[%parallel_loop3A_365, %parallel_loop3A_366, %parallel_loop3A_367] {strides = array<i32>} : memref<3x128x128xf32, #tpu.memory_space<vmem>>, vector<1x1x16xf32>,
          %parallel_loop3A_369 = vector.shape_cast %parallel_loop3A_368 : vector<1x1x16xf32> to vector<16xf32>
          %parallel_loop3A_370 = arith.addf %parallel_loop3A_361, %parallel_loop3A_369 : vector<16xf32>
          %parallel_loop3A_371 = arith.constant 64 : i32
          %parallel_loop3A_372 = arith.addi %parallel_loop3A_371, %parallel_loop3A_267 : i32
          %parallel_loop3A_373 = arith.constant 0 : i32
          %parallel_loop3A_374 = arith.index_cast %parallel_loop3A_373 : i32 to index
          %parallel_loop3A_375 = arith.index_cast %parallel_loop3A_372 : i32 to index
          %parallel_loop3A_376 = arith.constant 32 : index
          %parallel_loop3A_377 = tpu.vector_load %arg7[%parallel_loop3A_374, %parallel_loop3A_375, %parallel_loop3A_376] {strides = array<i32>} : memref<3x128x128xf32, #tpu.memory_space<vmem>>, vector<1x1x16xf32>,
          %parallel_loop3A_378 = vector.shape_cast %parallel_loop3A_377 : vector<1x1x16xf32> to vector<16xf32>
          %parallel_loop3A_379 = arith.addf %parallel_loop3A_370, %parallel_loop3A_378 : vector<16xf32>
          %parallel_loop3A_380 = arith.constant 96 : i32
          %parallel_loop3A_381 = arith.addi %parallel_loop3A_380, %parallel_loop3A_267 : i32
          %parallel_loop3A_382 = arith.constant 0 : i32
          %parallel_loop3A_383 = arith.index_cast %parallel_loop3A_382 : i32 to index
          %parallel_loop3A_384 = arith.index_cast %parallel_loop3A_381 : i32 to index
          %parallel_loop3A_385 = arith.constant 32 : index
          %parallel_loop3A_386 = tpu.vector_load %arg7[%parallel_loop3A_383, %parallel_loop3A_384, %parallel_loop3A_385] {strides = array<i32>} : memref<3x128x128xf32, #tpu.memory_space<vmem>>, vector<1x1x16xf32>,
          %parallel_loop3A_387 = vector.shape_cast %parallel_loop3A_386 : vector<1x1x16xf32> to vector<16xf32>
          %parallel_loop3A_388 = arith.addf %parallel_loop3A_379, %parallel_loop3A_387 : vector<16xf32>
          %parallel_loop3A_389 = arith.addf %parallel_loop3A_388, %get3A_54 : vector<16xf32>
          %parallel_loop3A_390 = arith.constant 0.000000e+00 : f32
          %parallel_loop3A_391 = vector.broadcast %parallel_loop3A_390 : f32 to vector<16xf32>
          %parallel_loop3A_392 = arith.maximumf %parallel_loop3A_389, %parallel_loop3A_391 : vector<16xf32>
          %parallel_loop3A_393 = arith.constant 0 : i32
          %parallel_loop3A_394 = arith.index_cast %parallel_loop3A_393 : i32 to index
          %parallel_loop3A_395 = arith.index_cast %parallel_loop3A_267 : i32 to index
          %parallel_loop3A_396 = arith.constant 32 : index
          %parallel_loop3A_397 = tpu.vector_load %arg8[%parallel_loop3A_394, %parallel_loop3A_395, %parallel_loop3A_396] {strides = array<i32>} : memref<3x32x128xf32, #tpu.memory_space<vmem>>, vector<1x1x16xf32>,
          %parallel_loop3A_398 = vector.shape_cast %parallel_loop3A_397 : vector<1x1x16xf32> to vector<16xf32>
          %parallel_loop3A_399 = vector.shape_cast %parallel_loop3A_392 : vector<16xf32> to vector<1x1x16xf32>
          tpu.vector_store %arg8[%parallel_loop3A_394, %parallel_loop3A_395, %parallel_loop3A_396], %parallel_loop3A_399 {strides = array<i32>} : memref<3x32x128xf32, #tpu.memory_space<vmem>>, vector<1x1x16xf32>,
          %parallel_loop3A_400 = arith.constant 0 : i32
          %parallel_loop3A_401 = arith.index_cast %parallel_loop3A_400 : i32 to index
          %parallel_loop3A_402 = arith.index_cast %parallel_loop3A_267 : i32 to index
          %parallel_loop3A_403 = arith.constant 48 : index
          %parallel_loop3A_404 = tpu.vector_load %arg7[%parallel_loop3A_401, %parallel_loop3A_402, %parallel_loop3A_403] {strides = array<i32>} : memref<3x128x128xf32, #tpu.memory_space<vmem>>, vector<1x1x16xf32>,
          %parallel_loop3A_405 = vector.shape_cast %parallel_loop3A_404 : vector<1x1x16xf32> to vector<16xf32>
          %parallel_loop3A_406 = arith.constant 32 : i32
          %parallel_loop3A_407 = arith.addi %parallel_loop3A_406, %parallel_loop3A_267 : i32
          %parallel_loop3A_408 = arith.constant 0 : i32
          %parallel_loop3A_409 = arith.index_cast %parallel_loop3A_408 : i32 to index
          %parallel_loop3A_410 = arith.index_cast %parallel_loop3A_407 : i32 to index
          %parallel_loop3A_411 = arith.constant 48 : index
          %parallel_loop3A_412 = tpu.vector_load %arg7[%parallel_loop3A_409, %parallel_loop3A_410, %parallel_loop3A_411] {strides = array<i32>} : memref<3x128x128xf32, #tpu.memory_space<vmem>>, vector<1x1x16xf32>,
          %parallel_loop3A_413 = vector.shape_cast %parallel_loop3A_412 : vector<1x1x16xf32> to vector<16xf32>
          %parallel_loop3A_414 = arith.addf %parallel_loop3A_405, %parallel_loop3A_413 : vector<16xf32>
          %parallel_loop3A_415 = arith.constant 64 : i32
          %parallel_loop3A_416 = arith.addi %parallel_loop3A_415, %parallel_loop3A_267 : i32
          %parallel_loop3A_417 = arith.constant 0 : i32
          %parallel_loop3A_418 = arith.index_cast %parallel_loop3A_417 : i32 to index
          %parallel_loop3A_419 = arith.index_cast %parallel_loop3A_416 : i32 to index
          %parallel_loop3A_420 = arith.constant 48 : index
          %parallel_loop3A_421 = tpu.vector_load %arg7[%parallel_loop3A_418, %parallel_loop3A_419, %parallel_loop3A_420] {strides = array<i32>} : memref<3x128x128xf32, #tpu.memory_space<vmem>>, vector<1x1x16xf32>,
          %parallel_loop3A_422 = vector.shape_cast %parallel_loop3A_421 : vector<1x1x16xf32> to vector<16xf32>
          %parallel_loop3A_423 = arith.addf %parallel_loop3A_414, %parallel_loop3A_422 : vector<16xf32>
          %parallel_loop3A_424 = arith.constant 96 : i32
          %parallel_loop3A_425 = arith.addi %parallel_loop3A_424, %parallel_loop3A_267 : i32
          %parallel_loop3A_426 = arith.constant 0 : i32
          %parallel_loop3A_427 = arith.index_cast %parallel_loop3A_426 : i32 to index
          %parallel_loop3A_428 = arith.index_cast %parallel_loop3A_425 : i32 to index
          %parallel_loop3A_429 = arith.constant 48 : index
          %parallel_loop3A_430 = tpu.vector_load %arg7[%parallel_loop3A_427, %parallel_loop3A_428, %parallel_loop3A_429] {strides = array<i32>} : memref<3x128x128xf32, #tpu.memory_space<vmem>>, vector<1x1x16xf32>,
          %parallel_loop3A_431 = vector.shape_cast %parallel_loop3A_430 : vector<1x1x16xf32> to vector<16xf32>
          %parallel_loop3A_432 = arith.addf %parallel_loop3A_423, %parallel_loop3A_431 : vector<16xf32>
          %parallel_loop3A_433 = arith.addf %parallel_loop3A_432, %get3A_57 : vector<16xf32>
          %parallel_loop3A_434 = arith.constant 0.000000e+00 : f32
          %parallel_loop3A_435 = vector.broadcast %parallel_loop3A_434 : f32 to vector<16xf32>
          %parallel_loop3A_436 = arith.maximumf %parallel_loop3A_433, %parallel_loop3A_435 : vector<16xf32>
          %parallel_loop3A_437 = arith.constant 0 : i32
          %parallel_loop3A_438 = arith.index_cast %parallel_loop3A_437 : i32 to index
          %parallel_loop3A_439 = arith.index_cast %parallel_loop3A_267 : i32 to index
          %parallel_loop3A_440 = arith.constant 48 : index
          %parallel_loop3A_441 = tpu.vector_load %arg8[%parallel_loop3A_438, %parallel_loop3A_439, %parallel_loop3A_440] {strides = array<i32>} : memref<3x32x128xf32, #tpu.memory_space<vmem>>, vector<1x1x16xf32>,
          %parallel_loop3A_442 = vector.shape_cast %parallel_loop3A_441 : vector<1x1x16xf32> to vector<16xf32>
          %parallel_loop3A_443 = vector.shape_cast %parallel_loop3A_436 : vector<16xf32> to vector<1x1x16xf32>
          tpu.vector_store %arg8[%parallel_loop3A_438, %parallel_loop3A_439, %parallel_loop3A_440], %parallel_loop3A_443 {strides = array<i32>} : memref<3x32x128xf32, #tpu.memory_space<vmem>>, vector<1x1x16xf32>,
          %parallel_loop3A_444 = arith.constant 0 : i32
          %parallel_loop3A_445 = arith.index_cast %parallel_loop3A_444 : i32 to index
          %parallel_loop3A_446 = arith.index_cast %parallel_loop3A_267 : i32 to index
          %parallel_loop3A_447 = arith.constant 64 : index
          %parallel_loop3A_448 = tpu.vector_load %arg7[%parallel_loop3A_445, %parallel_loop3A_446, %parallel_loop3A_447] {strides = array<i32>} : memref<3x128x128xf32, #tpu.memory_space<vmem>>, vector<1x1x16xf32>,
          %parallel_loop3A_449 = vector.shape_cast %parallel_loop3A_448 : vector<1x1x16xf32> to vector<16xf32>
          %parallel_loop3A_450 = arith.constant 32 : i32
          %parallel_loop3A_451 = arith.addi %parallel_loop3A_450, %parallel_loop3A_267 : i32
          %parallel_loop3A_452 = arith.constant 0 : i32
          %parallel_loop3A_453 = arith.index_cast %parallel_loop3A_452 : i32 to index
          %parallel_loop3A_454 = arith.index_cast %parallel_loop3A_451 : i32 to index
          %parallel_loop3A_455 = arith.constant 64 : index
          %parallel_loop3A_456 = tpu.vector_load %arg7[%parallel_loop3A_453, %parallel_loop3A_454, %parallel_loop3A_455] {strides = array<i32>} : memref<3x128x128xf32, #tpu.memory_space<vmem>>, vector<1x1x16xf32>,
          %parallel_loop3A_457 = vector.shape_cast %parallel_loop3A_456 : vector<1x1x16xf32> to vector<16xf32>
          %parallel_loop3A_458 = arith.addf %parallel_loop3A_449, %parallel_loop3A_457 : vector<16xf32>
          %parallel_loop3A_459 = arith.constant 64 : i32
          %parallel_loop3A_460 = arith.addi %parallel_loop3A_459, %parallel_loop3A_267 : i32
          %parallel_loop3A_461 = arith.constant 0 : i32
          %parallel_loop3A_462 = arith.index_cast %parallel_loop3A_461 : i32 to index
          %parallel_loop3A_463 = arith.index_cast %parallel_loop3A_460 : i32 to index
          %parallel_loop3A_464 = arith.constant 64 : index
          %parallel_loop3A_465 = tpu.vector_load %arg7[%parallel_loop3A_462, %parallel_loop3A_463, %parallel_loop3A_464] {strides = array<i32>} : memref<3x128x128xf32, #tpu.memory_space<vmem>>, vector<1x1x16xf32>,
          %parallel_loop3A_466 = vector.shape_cast %parallel_loop3A_465 : vector<1x1x16xf32> to vector<16xf32>
          %parallel_loop3A_467 = arith.addf %parallel_loop3A_458, %parallel_loop3A_466 : vector<16xf32>
          %parallel_loop3A_468 = arith.constant 96 : i32
          %parallel_loop3A_469 = arith.addi %parallel_loop3A_468, %parallel_loop3A_267 : i32
          %parallel_loop3A_470 = arith.constant 0 : i32
          %parallel_loop3A_471 = arith.index_cast %parallel_loop3A_470 : i32 to index
          %parallel_loop3A_472 = arith.index_cast %parallel_loop3A_469 : i32 to index
          %parallel_loop3A_473 = arith.constant 64 : index
          %parallel_loop3A_474 = tpu.vector_load %arg7[%parallel_loop3A_471, %parallel_loop3A_472, %parallel_loop3A_473] {strides = array<i32>} : memref<3x128x128xf32, #tpu.memory_space<vmem>>, vector<1x1x16xf32>,
          %parallel_loop3A_475 = vector.shape_cast %parallel_loop3A_474 : vector<1x1x16xf32> to vector<16xf32>
          %parallel_loop3A_476 = arith.addf %parallel_loop3A_467, %parallel_loop3A_475 : vector<16xf32>
          %parallel_loop3A_477 = arith.addf %parallel_loop3A_476, %get3A_60 : vector<16xf32>
          %parallel_loop3A_478 = arith.constant 0.000000e+00 : f32
          %parallel_loop3A_479 = vector.broadcast %parallel_loop3A_478 : f32 to vector<16xf32>
          %parallel_loop3A_480 = arith.maximumf %parallel_loop3A_477, %parallel_loop3A_479 : vector<16xf32>
          %parallel_loop3A_481 = arith.constant 0 : i32
          %parallel_loop3A_482 = arith.index_cast %parallel_loop3A_481 : i32 to index
          %parallel_loop3A_483 = arith.index_cast %parallel_loop3A_267 : i32 to index
          %parallel_loop3A_484 = arith.constant 64 : index
          %parallel_loop3A_485 = tpu.vector_load %arg8[%parallel_loop3A_482, %parallel_loop3A_483, %parallel_loop3A_484] {strides = array<i32>} : memref<3x32x128xf32, #tpu.memory_space<vmem>>, vector<1x1x16xf32>,
          %parallel_loop3A_486 = vector.shape_cast %parallel_loop3A_485 : vector<1x1x16xf32> to vector<16xf32>
          %parallel_loop3A_487 = vector.shape_cast %parallel_loop3A_480 : vector<16xf32> to vector<1x1x16xf32>
          tpu.vector_store %arg8[%parallel_loop3A_482, %parallel_loop3A_483, %parallel_loop3A_484], %parallel_loop3A_487 {strides = array<i32>} : memref<3x32x128xf32, #tpu.memory_space<vmem>>, vector<1x1x16xf32>,
          %parallel_loop3A_488 = arith.constant 0 : i32
          %parallel_loop3A_489 = arith.index_cast %parallel_loop3A_488 : i32 to index
          %parallel_loop3A_490 = arith.index_cast %parallel_loop3A_267 : i32 to index
          %parallel_loop3A_491 = arith.constant 80 : index
          %parallel_loop3A_492 = tpu.vector_load %arg7[%parallel_loop3A_489, %parallel_loop3A_490, %parallel_loop3A_491] {strides = array<i32>} : memref<3x128x128xf32, #tpu.memory_space<vmem>>, vector<1x1x16xf32>,
          %parallel_loop3A_493 = vector.shape_cast %parallel_loop3A_492 : vector<1x1x16xf32> to vector<16xf32>
          %parallel_loop3A_494 = arith.constant 32 : i32
          %parallel_loop3A_495 = arith.addi %parallel_loop3A_494, %parallel_loop3A_267 : i32
          %parallel_loop3A_496 = arith.constant 0 : i32
          %parallel_loop3A_497 = arith.index_cast %parallel_loop3A_496 : i32 to index
          %parallel_loop3A_498 = arith.index_cast %parallel_loop3A_495 : i32 to index
          %parallel_loop3A_499 = arith.constant 80 : index
          %parallel_loop3A_500 = tpu.vector_load %arg7[%parallel_loop3A_497, %parallel_loop3A_498, %parallel_loop3A_499] {strides = array<i32>} : memref<3x128x128xf32, #tpu.memory_space<vmem>>, vector<1x1x16xf32>,
          %parallel_loop3A_501 = vector.shape_cast %parallel_loop3A_500 : vector<1x1x16xf32> to vector<16xf32>
          %parallel_loop3A_502 = arith.addf %parallel_loop3A_493, %parallel_loop3A_501 : vector<16xf32>
          %parallel_loop3A_503 = arith.constant 64 : i32
          %parallel_loop3A_504 = arith.addi %parallel_loop3A_503, %parallel_loop3A_267 : i32
          %parallel_loop3A_505 = arith.constant 0 : i32
          %parallel_loop3A_506 = arith.index_cast %parallel_loop3A_505 : i32 to index
          %parallel_loop3A_507 = arith.index_cast %parallel_loop3A_504 : i32 to index
          %parallel_loop3A_508 = arith.constant 80 : index
          %parallel_loop3A_509 = tpu.vector_load %arg7[%parallel_loop3A_506, %parallel_loop3A_507, %parallel_loop3A_508] {strides = array<i32>} : memref<3x128x128xf32, #tpu.memory_space<vmem>>, vector<1x1x16xf32>,
          %parallel_loop3A_510 = vector.shape_cast %parallel_loop3A_509 : vector<1x1x16xf32> to vector<16xf32>
          %parallel_loop3A_511 = arith.addf %parallel_loop3A_502, %parallel_loop3A_510 : vector<16xf32>
          %parallel_loop3A_512 = arith.constant 96 : i32
          %parallel_loop3A_513 = arith.addi %parallel_loop3A_512, %parallel_loop3A_267 : i32
          %parallel_loop3A_514 = arith.constant 0 : i32
          %parallel_loop3A_515 = arith.index_cast %parallel_loop3A_514 : i32 to index
          %parallel_loop3A_516 = arith.index_cast %parallel_loop3A_513 : i32 to index
          %parallel_loop3A_517 = arith.constant 80 : index
          %parallel_loop3A_518 = tpu.vector_load %arg7[%parallel_loop3A_515, %parallel_loop3A_516, %parallel_loop3A_517] {strides = array<i32>} : memref<3x128x128xf32, #tpu.memory_space<vmem>>, vector<1x1x16xf32>,
          %parallel_loop3A_519 = vector.shape_cast %parallel_loop3A_518 : vector<1x1x16xf32> to vector<16xf32>
          %parallel_loop3A_520 = arith.addf %parallel_loop3A_511, %parallel_loop3A_519 : vector<16xf32>
          %parallel_loop3A_521 = arith.addf %parallel_loop3A_520, %get3A_63 : vector<16xf32>
          %parallel_loop3A_522 = arith.constant 0.000000e+00 : f32
          %parallel_loop3A_523 = vector.broadcast %parallel_loop3A_522 : f32 to vector<16xf32>
          %parallel_loop3A_524 = arith.maximumf %parallel_loop3A_521, %parallel_loop3A_523 : vector<16xf32>
          %parallel_loop3A_525 = arith.constant 0 : i32
          %parallel_loop3A_526 = arith.index_cast %parallel_loop3A_525 : i32 to index
          %parallel_loop3A_527 = arith.index_cast %parallel_loop3A_267 : i32 to index
          %parallel_loop3A_528 = arith.constant 80 : index
          %parallel_loop3A_529 = tpu.vector_load %arg8[%parallel_loop3A_526, %parallel_loop3A_527, %parallel_loop3A_528] {strides = array<i32>} : memref<3x32x128xf32, #tpu.memory_space<vmem>>, vector<1x1x16xf32>,
          %parallel_loop3A_530 = vector.shape_cast %parallel_loop3A_529 : vector<1x1x16xf32> to vector<16xf32>
          %parallel_loop3A_531 = vector.shape_cast %parallel_loop3A_524 : vector<16xf32> to vector<1x1x16xf32>
          tpu.vector_store %arg8[%parallel_loop3A_526, %parallel_loop3A_527, %parallel_loop3A_528], %parallel_loop3A_531 {strides = array<i32>} : memref<3x32x128xf32, #tpu.memory_space<vmem>>, vector<1x1x16xf32>,
          %parallel_loop3A_532 = arith.constant 0 : i32
          %parallel_loop3A_533 = arith.index_cast %parallel_loop3A_532 : i32 to index
          %parallel_loop3A_534 = arith.index_cast %parallel_loop3A_267 : i32 to index
          %parallel_loop3A_535 = arith.constant 96 : index
          %parallel_loop3A_536 = tpu.vector_load %arg7[%parallel_loop3A_533, %parallel_loop3A_534, %parallel_loop3A_535] {strides = array<i32>} : memref<3x128x128xf32, #tpu.memory_space<vmem>>, vector<1x1x16xf32>,
          %parallel_loop3A_537 = vector.shape_cast %parallel_loop3A_536 : vector<1x1x16xf32> to vector<16xf32>
          %parallel_loop3A_538 = arith.constant 32 : i32
          %parallel_loop3A_539 = arith.addi %parallel_loop3A_538, %parallel_loop3A_267 : i32
          %parallel_loop3A_540 = arith.constant 0 : i32
          %parallel_loop3A_541 = arith.index_cast %parallel_loop3A_540 : i32 to index
          %parallel_loop3A_542 = arith.index_cast %parallel_loop3A_539 : i32 to index
          %parallel_loop3A_543 = arith.constant 96 : index
          %parallel_loop3A_544 = tpu.vector_load %arg7[%parallel_loop3A_541, %parallel_loop3A_542, %parallel_loop3A_543] {strides = array<i32>} : memref<3x128x128xf32, #tpu.memory_space<vmem>>, vector<1x1x16xf32>,
          %parallel_loop3A_545 = vector.shape_cast %parallel_loop3A_544 : vector<1x1x16xf32> to vector<16xf32>
          %parallel_loop3A_546 = arith.addf %parallel_loop3A_537, %parallel_loop3A_545 : vector<16xf32>
          %parallel_loop3A_547 = arith.constant 64 : i32
          %parallel_loop3A_548 = arith.addi %parallel_loop3A_547, %parallel_loop3A_267 : i32
          %parallel_loop3A_549 = arith.constant 0 : i32
          %parallel_loop3A_550 = arith.index_cast %parallel_loop3A_549 : i32 to index
          %parallel_loop3A_551 = arith.index_cast %parallel_loop3A_548 : i32 to index
          %parallel_loop3A_552 = arith.constant 96 : index
          %parallel_loop3A_553 = tpu.vector_load %arg7[%parallel_loop3A_550, %parallel_loop3A_551, %parallel_loop3A_552] {strides = array<i32>} : memref<3x128x128xf32, #tpu.memory_space<vmem>>, vector<1x1x16xf32>,
          %parallel_loop3A_554 = vector.shape_cast %parallel_loop3A_553 : vector<1x1x16xf32> to vector<16xf32>
          %parallel_loop3A_555 = arith.addf %parallel_loop3A_546, %parallel_loop3A_554 : vector<16xf32>
          %parallel_loop3A_556 = arith.constant 96 : i32
          %parallel_loop3A_557 = arith.addi %parallel_loop3A_556, %parallel_loop3A_267 : i32
          %parallel_loop3A_558 = arith.constant 0 : i32
          %parallel_loop3A_559 = arith.index_cast %parallel_loop3A_558 : i32 to index
          %parallel_loop3A_560 = arith.index_cast %parallel_loop3A_557 : i32 to index
          %parallel_loop3A_561 = arith.constant 96 : index
          %parallel_loop3A_562 = tpu.vector_load %arg7[%parallel_loop3A_559, %parallel_loop3A_560, %parallel_loop3A_561] {strides = array<i32>} : memref<3x128x128xf32, #tpu.memory_space<vmem>>, vector<1x1x16xf32>,
          %parallel_loop3A_563 = vector.shape_cast %parallel_loop3A_562 : vector<1x1x16xf32> to vector<16xf32>
          %parallel_loop3A_564 = arith.addf %parallel_loop3A_555, %parallel_loop3A_563 : vector<16xf32>
          %parallel_loop3A_565 = arith.addf %parallel_loop3A_564, %get3A_66 : vector<16xf32>
          %parallel_loop3A_566 = arith.constant 0.000000e+00 : f32
          %parallel_loop3A_567 = vector.broadcast %parallel_loop3A_566 : f32 to vector<16xf32>
          %parallel_loop3A_568 = arith.maximumf %parallel_loop3A_565, %parallel_loop3A_567 : vector<16xf32>
          %parallel_loop3A_569 = arith.constant 0 : i32
          %parallel_loop3A_570 = arith.index_cast %parallel_loop3A_569 : i32 to index
          %parallel_loop3A_571 = arith.index_cast %parallel_loop3A_267 : i32 to index
          %parallel_loop3A_572 = arith.constant 96 : index
          %parallel_loop3A_573 = tpu.vector_load %arg8[%parallel_loop3A_570, %parallel_loop3A_571, %parallel_loop3A_572] {strides = array<i32>} : memref<3x32x128xf32, #tpu.memory_space<vmem>>, vector<1x1x16xf32>,
          %parallel_loop3A_574 = vector.shape_cast %parallel_loop3A_573 : vector<1x1x16xf32> to vector<16xf32>
          %parallel_loop3A_575 = vector.shape_cast %parallel_loop3A_568 : vector<16xf32> to vector<1x1x16xf32>
          tpu.vector_store %arg8[%parallel_loop3A_570, %parallel_loop3A_571, %parallel_loop3A_572], %parallel_loop3A_575 {strides = array<i32>} : memref<3x32x128xf32, #tpu.memory_space<vmem>>, vector<1x1x16xf32>,
          %parallel_loop3A_576 = arith.constant 0 : i32
          %parallel_loop3A_577 = arith.index_cast %parallel_loop3A_576 : i32 to index
          %parallel_loop3A_578 = arith.index_cast %parallel_loop3A_267 : i32 to index
          %parallel_loop3A_579 = arith.constant 112 : index
          %parallel_loop3A_580 = tpu.vector_load %arg7[%parallel_loop3A_577, %parallel_loop3A_578, %parallel_loop3A_579] {strides = array<i32>} : memref<3x128x128xf32, #tpu.memory_space<vmem>>, vector<1x1x16xf32>,
          %parallel_loop3A_581 = vector.shape_cast %parallel_loop3A_580 : vector<1x1x16xf32> to vector<16xf32>
          %parallel_loop3A_582 = arith.constant 32 : i32
          %parallel_loop3A_583 = arith.addi %parallel_loop3A_582, %parallel_loop3A_267 : i32
          %parallel_loop3A_584 = arith.constant 0 : i32
          %parallel_loop3A_585 = arith.index_cast %parallel_loop3A_584 : i32 to index
          %parallel_loop3A_586 = arith.index_cast %parallel_loop3A_583 : i32 to index
          %parallel_loop3A_587 = arith.constant 112 : index
          %parallel_loop3A_588 = tpu.vector_load %arg7[%parallel_loop3A_585, %parallel_loop3A_586, %parallel_loop3A_587] {strides = array<i32>} : memref<3x128x128xf32, #tpu.memory_space<vmem>>, vector<1x1x16xf32>,
          %parallel_loop3A_589 = vector.shape_cast %parallel_loop3A_588 : vector<1x1x16xf32> to vector<16xf32>
          %parallel_loop3A_590 = arith.addf %parallel_loop3A_581, %parallel_loop3A_589 : vector<16xf32>
          %parallel_loop3A_591 = arith.constant 64 : i32
          %parallel_loop3A_592 = arith.addi %parallel_loop3A_591, %parallel_loop3A_267 : i32
          %parallel_loop3A_593 = arith.constant 0 : i32
          %parallel_loop3A_594 = arith.index_cast %parallel_loop3A_593 : i32 to index
          %parallel_loop3A_595 = arith.index_cast %parallel_loop3A_592 : i32 to index
          %parallel_loop3A_596 = arith.constant 112 : index
          %parallel_loop3A_597 = tpu.vector_load %arg7[%parallel_loop3A_594, %parallel_loop3A_595, %parallel_loop3A_596] {strides = array<i32>} : memref<3x128x128xf32, #tpu.memory_space<vmem>>, vector<1x1x16xf32>,
          %parallel_loop3A_598 = vector.shape_cast %parallel_loop3A_597 : vector<1x1x16xf32> to vector<16xf32>
          %parallel_loop3A_599 = arith.addf %parallel_loop3A_590, %parallel_loop3A_598 : vector<16xf32>
          %parallel_loop3A_600 = arith.constant 96 : i32
          %parallel_loop3A_601 = arith.addi %parallel_loop3A_600, %parallel_loop3A_267 : i32
          %parallel_loop3A_602 = arith.constant 0 : i32
          %parallel_loop3A_603 = arith.index_cast %parallel_loop3A_602 : i32 to index
          %parallel_loop3A_604 = arith.index_cast %parallel_loop3A_601 : i32 to index
          %parallel_loop3A_605 = arith.constant 112 : index
          %parallel_loop3A_606 = tpu.vector_load %arg7[%parallel_loop3A_603, %parallel_loop3A_604, %parallel_loop3A_605] {strides = array<i32>} : memref<3x128x128xf32, #tpu.memory_space<vmem>>, vector<1x1x16xf32>,
          %parallel_loop3A_607 = vector.shape_cast %parallel_loop3A_606 : vector<1x1x16xf32> to vector<16xf32>
          %parallel_loop3A_608 = arith.addf %parallel_loop3A_599, %parallel_loop3A_607 : vector<16xf32>
          %parallel_loop3A_609 = arith.addf %parallel_loop3A_608, %get3A_69 : vector<16xf32>
          %parallel_loop3A_610 = arith.constant 0.000000e+00 : f32
          %parallel_loop3A_611 = vector.broadcast %parallel_loop3A_610 : f32 to vector<16xf32>
          %parallel_loop3A_612 = arith.maximumf %parallel_loop3A_609, %parallel_loop3A_611 : vector<16xf32>
          %parallel_loop3A_613 = arith.constant 0 : i32
          %parallel_loop3A_614 = arith.index_cast %parallel_loop3A_613 : i32 to index
          %parallel_loop3A_615 = arith.index_cast %parallel_loop3A_267 : i32 to index
          %parallel_loop3A_616 = arith.constant 112 : index
          %parallel_loop3A_617 = tpu.vector_load %arg8[%parallel_loop3A_614, %parallel_loop3A_615, %parallel_loop3A_616] {strides = array<i32>} : memref<3x32x128xf32, #tpu.memory_space<vmem>>, vector<1x1x16xf32>,
          %parallel_loop3A_618 = vector.shape_cast %parallel_loop3A_617 : vector<1x1x16xf32> to vector<16xf32>
          %parallel_loop3A_619 = vector.shape_cast %parallel_loop3A_612 : vector<16xf32> to vector<1x1x16xf32>
          tpu.vector_store %arg8[%parallel_loop3A_614, %parallel_loop3A_615, %parallel_loop3A_616], %parallel_loop3A_619 {strides = array<i32>} : memref<3x32x128xf32, #tpu.memory_space<vmem>>, vector<1x1x16xf32>,
        } {sc.loop_unroll_factor = 4 : i64, sc.parallel_access}
        %add3A_251 = arith.addi %mul3A_2, %add3A_204 : i32
        %mul3A_252 = arith.constant 32 : i32
        %mul3A_253 = arith.muli %add3A_251, %mul3A_252 : i32
        %dma_start3A_254 = arith.constant 0 : i32
        %dma_start3A_255 = arith.constant 0 : i32
        %dma_start3A_256 = arith.constant 0 : i32
        %dma_start3A_257 = tpu.memref_slice %arg8[%dma_start3A_254, %dma_start3A_255, %dma_start3A_256] : memref<3x32x128xf32, #tpu.memory_space<vmem>> -> memref<1x32x128xf32, #tpu.memory_space<vmem>>
        %dma_start3A_258 = tpu.memref_squeeze %dma_start3A_257 : memref<1x32x128xf32, #tpu.memory_space<vmem>> -> memref<32x128xf32, #tpu.memory_space<vmem>>
        %dma_start3A_259 = arith.constant 0 : i32
        %dma_start3A_260 = tpu.memref_slice %arg5[%mul3A_253, %dma_start3A_259] : memref<100000x128xf32, #tpu.memory_space<hbm>> -> memref<32x128xf32, #tpu.memory_space<hbm>>
        %dma_start3A_261 = arith.constant 0 : i32
        %dma_start3A_262 = tpu.memref_slice %arg5[%mul3A_253, %dma_start3A_261] : memref<100000x128xf32, #tpu.memory_space<hbm>> -> memref<32x128xf32, #tpu.memory_space<hbm>>
        %dma_start3A_263 = arith.constant 0 : i32
        %dma_start3A_264 = arith.constant 0 : i32
        %dma_start3A_265 = tpu.memref_slice %arg8[%dma_start3A_254, %dma_start3A_263, %dma_start3A_264] : memref<3x32x128xf32, #tpu.memory_space<vmem>> -> memref<1x32x128xf32, #tpu.memory_space<vmem>>
        %dma_start3A_266 = tpu.memref_squeeze %dma_start3A_265 : memref<1x32x128xf32, #tpu.memory_space<vmem>> -> memref<32x128xf32, #tpu.memory_space<vmem>>
        tpu.enqueue_dma source(%dma_start3A_266 : memref<32x128xf32, #tpu.memory_space<vmem>>) target(%dma_start3A_262 : memref<32x128xf32, #tpu.memory_space<hbm>>) target_semaphore(%arg11 : memref<!tpu.dma_semaphore, #tpu.memory_space<semaphore_mem>>)
      } else {
      }
      %mul3A_206 = arith.constant 3 : i32
      %mul3A_207 = arith.muli %scan3A_200, %mul3A_206 : i32
      %add3A_208 = arith.constant 1 : i32
      %add3A_209 = arith.addi %mul3A_207, %add3A_208 : i32
      %lt3A_210 = arith.cmpi slt, %add3A_209, %min3A_4 : i32
      %convert_element_type3A_211 = arith.extui %lt3A_210 : i1 to i32
      %cond3A_212 = arith.constant 0 : i32
      %cond3A_213 = arith.cmpi ne, %convert_element_type3A_211, %cond3A_212 : i32
      scf.if %cond3A_213 {
        %add3A_222 = arith.constant 3 : i32
        %add3A_223 = arith.addi %add3A_209, %add3A_222 : i32
        %sub3A_224 = arith.constant 1 : i32
        %sub3A_225 = arith.subi %add3A_223, %sub3A_224 : i32
        %lt3A_226 = arith.cmpi slt, %sub3A_225, %min3A_4 : i32
        %convert_element_type3A_227 = arith.extui %lt3A_226 : i1 to i32
        %cond3A_228 = arith.constant 0 : i32
        %cond3A_229 = arith.cmpi ne, %convert_element_type3A_227, %cond3A_228 : i32
        scf.if %cond3A_229 {
          %add3A_267 = arith.constant 3 : i32
          %add3A_268 = arith.addi %add3A_209, %add3A_267 : i32
          %sub3A_269 = arith.constant 1 : i32
          %sub3A_270 = arith.subi %add3A_268, %sub3A_269 : i32
          %mul3A_271 = arith.constant 32 : i32
          %mul3A_272 = arith.muli %sub3A_270, %mul3A_271 : i32
          %add3A_273 = arith.constant 0 : i32
          %add3A_274 = arith.addi %add3A_273, %mul3A_272 : i32
          %dma_start3A_275 = arith.constant 0 : i32
          %dma_start3A_276 = arith.constant 0 : i32
          %dma_start3A_277 = arith.constant 0 : i32
          %dma_start3A_278 = tpu.memref_slice %arg7[%dma_start3A_275, %dma_start3A_276, %dma_start3A_277] : memref<3x128x128xf32, #tpu.memory_space<vmem>> -> memref<1x32x128xf32, #tpu.memory_space<vmem>>
          %dma_start3A_279 = tpu.memref_squeeze %dma_start3A_278 : memref<1x32x128xf32, #tpu.memory_space<vmem>> -> memref<32x128xf32, #tpu.memory_space<vmem>>
          %dma_start3A_280 = tpu.memref_slice %arg6[%add3A_274] : memref<12672xi32, #tpu.memory_space<vmem>> -> memref<32xi32, #tpu.memory_space<vmem>>
          %dma_start3A_281 = arith.constant 0 : i32
          %dma_start3A_282 = arith.constant 0 : i32
          %dma_start3A_283 = tpu.memref_slice %arg2[%dma_start3A_281, %dma_start3A_282] : memref<200000x128xf32, #tpu.memory_space<hbm>> -> memref<200000x128xf32, #tpu.memory_space<hbm>>
          tpu.enqueue_indirect_dma source(%dma_start3A_283 : memref<200000x128xf32, #tpu.memory_space<hbm>>) target(%dma_start3A_279 : memref<32x128xf32, #tpu.memory_space<vmem>>) offsets(%dma_start3A_280 : memref<32xi32, #tpu.memory_space<vmem>>) semaphore(%arg10 : memref<!tpu.dma_semaphore, #tpu.memory_space<semaphore_mem>>)
          %mul3A_284 = arith.constant 32 : i32
          %mul3A_285 = arith.muli %sub3A_270, %mul3A_284 : i32
          %add3A_286 = arith.constant 3168 : i32
          %add3A_287 = arith.addi %add3A_286, %mul3A_285 : i32
          %dma_start3A_288 = arith.constant 0 : i32
          %dma_start3A_289 = arith.constant 32 : i32
          %dma_start3A_290 = arith.constant 0 : i32
          %dma_start3A_291 = tpu.memref_slice %arg7[%dma_start3A_288, %dma_start3A_289, %dma_start3A_290] : memref<3x128x128xf32, #tpu.memory_space<vmem>> -> memref<1x32x128xf32, #tpu.memory_space<vmem>>
          %dma_start3A_292 = tpu.memref_squeeze %dma_start3A_291 : memref<1x32x128xf32, #tpu.memory_space<vmem>> -> memref<32x128xf32, #tpu.memory_space<vmem>>
          %dma_start3A_293 = tpu.memref_slice %arg6[%add3A_287] : memref<12672xi32, #tpu.memory_space<vmem>> -> memref<32xi32, #tpu.memory_space<vmem>>
          %dma_start3A_294 = arith.constant 0 : i32
          %dma_start3A_295 = arith.constant 0 : i32
          %dma_start3A_296 = tpu.memref_slice %arg2[%dma_start3A_294, %dma_start3A_295] : memref<200000x128xf32, #tpu.memory_space<hbm>> -> memref<200000x128xf32, #tpu.memory_space<hbm>>
          tpu.enqueue_indirect_dma source(%dma_start3A_296 : memref<200000x128xf32, #tpu.memory_space<hbm>>) target(%dma_start3A_292 : memref<32x128xf32, #tpu.memory_space<vmem>>) offsets(%dma_start3A_293 : memref<32xi32, #tpu.memory_space<vmem>>) semaphore(%arg10 : memref<!tpu.dma_semaphore, #tpu.memory_space<semaphore_mem>>)
          %mul3A_297 = arith.constant 32 : i32
          %mul3A_298 = arith.muli %sub3A_270, %mul3A_297 : i32
          %add3A_299 = arith.constant 6336 : i32
          %add3A_300 = arith.addi %add3A_299, %mul3A_298 : i32
          %dma_start3A_301 = arith.constant 0 : i32
          %dma_start3A_302 = arith.constant 64 : i32
          %dma_start3A_303 = arith.constant 0 : i32
          %dma_start3A_304 = tpu.memref_slice %arg7[%dma_start3A_301, %dma_start3A_302, %dma_start3A_303] : memref<3x128x128xf32, #tpu.memory_space<vmem>> -> memref<1x32x128xf32, #tpu.memory_space<vmem>>
          %dma_start3A_305 = tpu.memref_squeeze %dma_start3A_304 : memref<1x32x128xf32, #tpu.memory_space<vmem>> -> memref<32x128xf32, #tpu.memory_space<vmem>>
          %dma_start3A_306 = tpu.memref_slice %arg6[%add3A_300] : memref<12672xi32, #tpu.memory_space<vmem>> -> memref<32xi32, #tpu.memory_space<vmem>>
          %dma_start3A_307 = arith.constant 0 : i32
          %dma_start3A_308 = arith.constant 0 : i32
          %dma_start3A_309 = tpu.memref_slice %arg2[%dma_start3A_307, %dma_start3A_308] : memref<200000x128xf32, #tpu.memory_space<hbm>> -> memref<200000x128xf32, #tpu.memory_space<hbm>>
          tpu.enqueue_indirect_dma source(%dma_start3A_309 : memref<200000x128xf32, #tpu.memory_space<hbm>>) target(%dma_start3A_305 : memref<32x128xf32, #tpu.memory_space<vmem>>) offsets(%dma_start3A_306 : memref<32xi32, #tpu.memory_space<vmem>>) semaphore(%arg10 : memref<!tpu.dma_semaphore, #tpu.memory_space<semaphore_mem>>)
          %mul3A_310 = arith.constant 32 : i32
          %mul3A_311 = arith.muli %sub3A_270, %mul3A_310 : i32
          %add3A_312 = arith.constant 9504 : i32
          %add3A_313 = arith.addi %add3A_312, %mul3A_311 : i32
          %dma_start3A_314 = arith.constant 0 : i32
          %dma_start3A_315 = arith.constant 96 : i32
          %dma_start3A_316 = arith.constant 0 : i32
          %dma_start3A_317 = tpu.memref_slice %arg7[%dma_start3A_314, %dma_start3A_315, %dma_start3A_316] : memref<3x128x128xf32, #tpu.memory_space<vmem>> -> memref<1x32x128xf32, #tpu.memory_space<vmem>>
          %dma_start3A_318 = tpu.memref_squeeze %dma_start3A_317 : memref<1x32x128xf32, #tpu.memory_space<vmem>> -> memref<32x128xf32, #tpu.memory_space<vmem>>
          %dma_start3A_319 = tpu.memref_slice %arg6[%add3A_313] : memref<12672xi32, #tpu.memory_space<vmem>> -> memref<32xi32, #tpu.memory_space<vmem>>
          %dma_start3A_320 = arith.constant 0 : i32
          %dma_start3A_321 = arith.constant 0 : i32
          %dma_start3A_322 = tpu.memref_slice %arg2[%dma_start3A_320, %dma_start3A_321] : memref<200000x128xf32, #tpu.memory_space<hbm>> -> memref<200000x128xf32, #tpu.memory_space<hbm>>
          tpu.enqueue_indirect_dma source(%dma_start3A_322 : memref<200000x128xf32, #tpu.memory_space<hbm>>) target(%dma_start3A_318 : memref<32x128xf32, #tpu.memory_space<vmem>>) offsets(%dma_start3A_319 : memref<32xi32, #tpu.memory_space<vmem>>) semaphore(%arg10 : memref<!tpu.dma_semaphore, #tpu.memory_space<semaphore_mem>>)
        } else {
        }
        %dma_wait3A_230 = arith.constant 1 : i32
        %dma_wait3A_231 = arith.constant 0 : i32
        %dma_wait3A_232 = arith.constant 0 : i32
        %dma_wait3A_233 = tpu.memref_slice %arg7[%dma_wait3A_230, %dma_wait3A_231, %dma_wait3A_232] : memref<3x128x128xf32, #tpu.memory_space<vmem>> -> memref<1x128x128xf32, #tpu.memory_space<vmem>>
        %dma_wait3A_234 = tpu.memref_squeeze %dma_wait3A_233 : memref<1x128x128xf32, #tpu.memory_space<vmem>> -> memref<128x128xf32, #tpu.memory_space<vmem>>
        %dma_wait3A_235 = arith.constant 0 : i32
        %dma_wait3A_236 = arith.constant 0 : i32
        %dma_wait3A_237 = tpu.memref_slice %arg2[%dma_wait3A_235, %dma_wait3A_236] : memref<200000x128xf32, #tpu.memory_space<hbm>> -> memref<128x128xf32, #tpu.memory_space<hbm>>
        %dma_wait3A_238 = arith.constant 0 : i32
        %dma_wait3A_239 = arith.constant 0 : i32
        %dma_wait3A_240 = tpu.memref_slice %arg7[%dma_wait3A_230, %dma_wait3A_238, %dma_wait3A_239] : memref<3x128x128xf32, #tpu.memory_space<vmem>> -> memref<1x128x128xf32, #tpu.memory_space<vmem>>
        %dma_wait3A_241 = tpu.memref_squeeze %dma_wait3A_240 : memref<1x128x128xf32, #tpu.memory_space<vmem>> -> memref<128x128xf32, #tpu.memory_space<vmem>>
        %dma_wait3A_242 = arith.constant 0 : i32
        %dma_wait3A_243 = arith.constant 0 : i32
        %dma_wait3A_244 = tpu.memref_slice %arg2[%dma_wait3A_242, %dma_wait3A_243] : memref<200000x128xf32, #tpu.memory_space<hbm>> -> memref<128x128xf32, #tpu.memory_space<hbm>>
        tpu.wait_dma2 semaphore(%arg10 : memref<!tpu.dma_semaphore, #tpu.memory_space<semaphore_mem>>) src(%dma_wait3A_244 : memref<128x128xf32, #tpu.memory_space<hbm>>) dst(%dma_wait3A_241 : memref<128x128xf32, #tpu.memory_space<vmem>>)
        %ge3A = arith.constant 3 : i32
        %ge3A_245 = arith.cmpi sge, %add3A_209, %ge3A : i32
        %convert_element_type3A_246 = arith.extui %ge3A_245 : i1 to i32
        %cond3A_247 = arith.constant 0 : i32
        %cond3A_248 = arith.cmpi ne, %convert_element_type3A_246, %cond3A_247 : i32
        scf.if %cond3A_248 {
          %dma_wait3A_267 = arith.constant 1 : i32
          %dma_wait3A_268 = arith.constant 0 : i32
          %dma_wait3A_269 = arith.constant 0 : i32
          %dma_wait3A_270 = tpu.memref_slice %arg8[%dma_wait3A_267, %dma_wait3A_268, %dma_wait3A_269] : memref<3x32x128xf32, #tpu.memory_space<vmem>> -> memref<1x32x128xf32, #tpu.memory_space<vmem>>
          %dma_wait3A_271 = tpu.memref_squeeze %dma_wait3A_270 : memref<1x32x128xf32, #tpu.memory_space<vmem>> -> memref<32x128xf32, #tpu.memory_space<vmem>>
          %dma_wait3A_272 = arith.constant 0 : i32
          %dma_wait3A_273 = arith.constant 0 : i32
          %dma_wait3A_274 = tpu.memref_slice %arg5[%dma_wait3A_272, %dma_wait3A_273] : memref<100000x128xf32, #tpu.memory_space<hbm>> -> memref<32x128xf32, #tpu.memory_space<hbm>>
          %dma_wait3A_275 = arith.constant 0 : i32
          %dma_wait3A_276 = arith.constant 0 : i32
          %dma_wait3A_277 = tpu.memref_slice %arg5[%dma_wait3A_275, %dma_wait3A_276] : memref<100000x128xf32, #tpu.memory_space<hbm>> -> memref<32x128xf32, #tpu.memory_space<hbm>>
          %dma_wait3A_278 = arith.constant 0 : i32
          %dma_wait3A_279 = arith.constant 0 : i32
          %dma_wait3A_280 = tpu.memref_slice %arg8[%dma_wait3A_267, %dma_wait3A_278, %dma_wait3A_279] : memref<3x32x128xf32, #tpu.memory_space<vmem>> -> memref<1x32x128xf32, #tpu.memory_space<vmem>>
          %dma_wait3A_281 = tpu.memref_squeeze %dma_wait3A_280 : memref<1x32x128xf32, #tpu.memory_space<vmem>> -> memref<32x128xf32, #tpu.memory_space<vmem>>
          tpu.wait_dma2 semaphore(%arg11 : memref<!tpu.dma_semaphore, #tpu.memory_space<semaphore_mem>>) src(%dma_wait3A_281 : memref<32x128xf32, #tpu.memory_space<vmem>>) dst(%dma_wait3A_277 : memref<32x128xf32, #tpu.memory_space<hbm>>)
        } else {
        }
        %parallel_loop3A = arith.constant 0 : i32
        %parallel_loop3A_249 = arith.constant 32 : i32
        %parallel_loop3A_250 = arith.constant 1 : i32
        scf.for %parallel_loop3A_267 = %parallel_loop3A to %parallel_loop3A_249 step %parallel_loop3A_250  : i32 {
          %parallel_loop3A_268 = arith.constant 1 : i32
          %parallel_loop3A_269 = arith.index_cast %parallel_loop3A_268 : i32 to index
          %parallel_loop3A_270 = arith.index_cast %parallel_loop3A_267 : i32 to index
          %parallel_loop3A_271 = arith.constant 0 : index
          %parallel_loop3A_272 = tpu.vector_load %arg7[%parallel_loop3A_269, %parallel_loop3A_270, %parallel_loop3A_271] {strides = array<i32>} : memref<3x128x128xf32, #tpu.memory_space<vmem>>, vector<1x1x16xf32>,
          %parallel_loop3A_273 = vector.shape_cast %parallel_loop3A_272 : vector<1x1x16xf32> to vector<16xf32>
          %parallel_loop3A_274 = arith.constant 32 : i32
          %parallel_loop3A_275 = arith.addi %parallel_loop3A_274, %parallel_loop3A_267 : i32
          %parallel_loop3A_276 = arith.constant 1 : i32
          %parallel_loop3A_277 = arith.index_cast %parallel_loop3A_276 : i32 to index
          %parallel_loop3A_278 = arith.index_cast %parallel_loop3A_275 : i32 to index
          %parallel_loop3A_279 = arith.constant 0 : index
          %parallel_loop3A_280 = tpu.vector_load %arg7[%parallel_loop3A_277, %parallel_loop3A_278, %parallel_loop3A_279] {strides = array<i32>} : memref<3x128x128xf32, #tpu.memory_space<vmem>>, vector<1x1x16xf32>,
          %parallel_loop3A_281 = vector.shape_cast %parallel_loop3A_280 : vector<1x1x16xf32> to vector<16xf32>
          %parallel_loop3A_282 = arith.addf %parallel_loop3A_273, %parallel_loop3A_281 : vector<16xf32>
          %parallel_loop3A_283 = arith.constant 64 : i32
          %parallel_loop3A_284 = arith.addi %parallel_loop3A_283, %parallel_loop3A_267 : i32
          %parallel_loop3A_285 = arith.constant 1 : i32
          %parallel_loop3A_286 = arith.index_cast %parallel_loop3A_285 : i32 to index
          %parallel_loop3A_287 = arith.index_cast %parallel_loop3A_284 : i32 to index
          %parallel_loop3A_288 = arith.constant 0 : index
          %parallel_loop3A_289 = tpu.vector_load %arg7[%parallel_loop3A_286, %parallel_loop3A_287, %parallel_loop3A_288] {strides = array<i32>} : memref<3x128x128xf32, #tpu.memory_space<vmem>>, vector<1x1x16xf32>,
          %parallel_loop3A_290 = vector.shape_cast %parallel_loop3A_289 : vector<1x1x16xf32> to vector<16xf32>
          %parallel_loop3A_291 = arith.addf %parallel_loop3A_282, %parallel_loop3A_290 : vector<16xf32>
          %parallel_loop3A_292 = arith.constant 96 : i32
          %parallel_loop3A_293 = arith.addi %parallel_loop3A_292, %parallel_loop3A_267 : i32
          %parallel_loop3A_294 = arith.constant 1 : i32
          %parallel_loop3A_295 = arith.index_cast %parallel_loop3A_294 : i32 to index
          %parallel_loop3A_296 = arith.index_cast %parallel_loop3A_293 : i32 to index
          %parallel_loop3A_297 = arith.constant 0 : index
          %parallel_loop3A_298 = tpu.vector_load %arg7[%parallel_loop3A_295, %parallel_loop3A_296, %parallel_loop3A_297] {strides = array<i32>} : memref<3x128x128xf32, #tpu.memory_space<vmem>>, vector<1x1x16xf32>,
          %parallel_loop3A_299 = vector.shape_cast %parallel_loop3A_298 : vector<1x1x16xf32> to vector<16xf32>
          %parallel_loop3A_300 = arith.addf %parallel_loop3A_291, %parallel_loop3A_299 : vector<16xf32>
          %parallel_loop3A_301 = arith.addf %parallel_loop3A_300, %get3A_48 : vector<16xf32>
          %parallel_loop3A_302 = arith.constant 0.000000e+00 : f32
          %parallel_loop3A_303 = vector.broadcast %parallel_loop3A_302 : f32 to vector<16xf32>
          %parallel_loop3A_304 = arith.maximumf %parallel_loop3A_301, %parallel_loop3A_303 : vector<16xf32>
          %parallel_loop3A_305 = arith.constant 1 : i32
          %parallel_loop3A_306 = arith.index_cast %parallel_loop3A_305 : i32 to index
          %parallel_loop3A_307 = arith.index_cast %parallel_loop3A_267 : i32 to index
          %parallel_loop3A_308 = arith.constant 0 : index
          %parallel_loop3A_309 = tpu.vector_load %arg8[%parallel_loop3A_306, %parallel_loop3A_307, %parallel_loop3A_308] {strides = array<i32>} : memref<3x32x128xf32, #tpu.memory_space<vmem>>, vector<1x1x16xf32>,
          %parallel_loop3A_310 = vector.shape_cast %parallel_loop3A_309 : vector<1x1x16xf32> to vector<16xf32>
          %parallel_loop3A_311 = vector.shape_cast %parallel_loop3A_304 : vector<16xf32> to vector<1x1x16xf32>
          tpu.vector_store %arg8[%parallel_loop3A_306, %parallel_loop3A_307, %parallel_loop3A_308], %parallel_loop3A_311 {strides = array<i32>} : memref<3x32x128xf32, #tpu.memory_space<vmem>>, vector<1x1x16xf32>,
          %parallel_loop3A_312 = arith.constant 1 : i32
          %parallel_loop3A_313 = arith.index_cast %parallel_loop3A_312 : i32 to index
          %parallel_loop3A_314 = arith.index_cast %parallel_loop3A_267 : i32 to index
          %parallel_loop3A_315 = arith.constant 16 : index
          %parallel_loop3A_316 = tpu.vector_load %arg7[%parallel_loop3A_313, %parallel_loop3A_314, %parallel_loop3A_315] {strides = array<i32>} : memref<3x128x128xf32, #tpu.memory_space<vmem>>, vector<1x1x16xf32>,
          %parallel_loop3A_317 = vector.shape_cast %parallel_loop3A_316 : vector<1x1x16xf32> to vector<16xf32>
          %parallel_loop3A_318 = arith.constant 32 : i32
          %parallel_loop3A_319 = arith.addi %parallel_loop3A_318, %parallel_loop3A_267 : i32
          %parallel_loop3A_320 = arith.constant 1 : i32
          %parallel_loop3A_321 = arith.index_cast %parallel_loop3A_320 : i32 to index
          %parallel_loop3A_322 = arith.index_cast %parallel_loop3A_319 : i32 to index
          %parallel_loop3A_323 = arith.constant 16 : index
          %parallel_loop3A_324 = tpu.vector_load %arg7[%parallel_loop3A_321, %parallel_loop3A_322, %parallel_loop3A_323] {strides = array<i32>} : memref<3x128x128xf32, #tpu.memory_space<vmem>>, vector<1x1x16xf32>,
          %parallel_loop3A_325 = vector.shape_cast %parallel_loop3A_324 : vector<1x1x16xf32> to vector<16xf32>
          %parallel_loop3A_326 = arith.addf %parallel_loop3A_317, %parallel_loop3A_325 : vector<16xf32>
          %parallel_loop3A_327 = arith.constant 64 : i32
          %parallel_loop3A_328 = arith.addi %parallel_loop3A_327, %parallel_loop3A_267 : i32
          %parallel_loop3A_329 = arith.constant 1 : i32
          %parallel_loop3A_330 = arith.index_cast %parallel_loop3A_329 : i32 to index
          %parallel_loop3A_331 = arith.index_cast %parallel_loop3A_328 : i32 to index
          %parallel_loop3A_332 = arith.constant 16 : index
          %parallel_loop3A_333 = tpu.vector_load %arg7[%parallel_loop3A_330, %parallel_loop3A_331, %parallel_loop3A_332] {strides = array<i32>} : memref<3x128x128xf32, #tpu.memory_space<vmem>>, vector<1x1x16xf32>,
          %parallel_loop3A_334 = vector.shape_cast %parallel_loop3A_333 : vector<1x1x16xf32> to vector<16xf32>
          %parallel_loop3A_335 = arith.addf %parallel_loop3A_326, %parallel_loop3A_334 : vector<16xf32>
          %parallel_loop3A_336 = arith.constant 96 : i32
          %parallel_loop3A_337 = arith.addi %parallel_loop3A_336, %parallel_loop3A_267 : i32
          %parallel_loop3A_338 = arith.constant 1 : i32
          %parallel_loop3A_339 = arith.index_cast %parallel_loop3A_338 : i32 to index
          %parallel_loop3A_340 = arith.index_cast %parallel_loop3A_337 : i32 to index
          %parallel_loop3A_341 = arith.constant 16 : index
          %parallel_loop3A_342 = tpu.vector_load %arg7[%parallel_loop3A_339, %parallel_loop3A_340, %parallel_loop3A_341] {strides = array<i32>} : memref<3x128x128xf32, #tpu.memory_space<vmem>>, vector<1x1x16xf32>,
          %parallel_loop3A_343 = vector.shape_cast %parallel_loop3A_342 : vector<1x1x16xf32> to vector<16xf32>
          %parallel_loop3A_344 = arith.addf %parallel_loop3A_335, %parallel_loop3A_343 : vector<16xf32>
          %parallel_loop3A_345 = arith.addf %parallel_loop3A_344, %get3A_51 : vector<16xf32>
          %parallel_loop3A_346 = arith.constant 0.000000e+00 : f32
          %parallel_loop3A_347 = vector.broadcast %parallel_loop3A_346 : f32 to vector<16xf32>
          %parallel_loop3A_348 = arith.maximumf %parallel_loop3A_345, %parallel_loop3A_347 : vector<16xf32>
          %parallel_loop3A_349 = arith.constant 1 : i32
          %parallel_loop3A_350 = arith.index_cast %parallel_loop3A_349 : i32 to index
          %parallel_loop3A_351 = arith.index_cast %parallel_loop3A_267 : i32 to index
          %parallel_loop3A_352 = arith.constant 16 : index
          %parallel_loop3A_353 = tpu.vector_load %arg8[%parallel_loop3A_350, %parallel_loop3A_351, %parallel_loop3A_352] {strides = array<i32>} : memref<3x32x128xf32, #tpu.memory_space<vmem>>, vector<1x1x16xf32>,
          %parallel_loop3A_354 = vector.shape_cast %parallel_loop3A_353 : vector<1x1x16xf32> to vector<16xf32>
          %parallel_loop3A_355 = vector.shape_cast %parallel_loop3A_348 : vector<16xf32> to vector<1x1x16xf32>
          tpu.vector_store %arg8[%parallel_loop3A_350, %parallel_loop3A_351, %parallel_loop3A_352], %parallel_loop3A_355 {strides = array<i32>} : memref<3x32x128xf32, #tpu.memory_space<vmem>>, vector<1x1x16xf32>,
          %parallel_loop3A_356 = arith.constant 1 : i32
          %parallel_loop3A_357 = arith.index_cast %parallel_loop3A_356 : i32 to index
          %parallel_loop3A_358 = arith.index_cast %parallel_loop3A_267 : i32 to index
          %parallel_loop3A_359 = arith.constant 32 : index
          %parallel_loop3A_360 = tpu.vector_load %arg7[%parallel_loop3A_357, %parallel_loop3A_358, %parallel_loop3A_359] {strides = array<i32>} : memref<3x128x128xf32, #tpu.memory_space<vmem>>, vector<1x1x16xf32>,
          %parallel_loop3A_361 = vector.shape_cast %parallel_loop3A_360 : vector<1x1x16xf32> to vector<16xf32>
          %parallel_loop3A_362 = arith.constant 32 : i32
          %parallel_loop3A_363 = arith.addi %parallel_loop3A_362, %parallel_loop3A_267 : i32
          %parallel_loop3A_364 = arith.constant 1 : i32
          %parallel_loop3A_365 = arith.index_cast %parallel_loop3A_364 : i32 to index
          %parallel_loop3A_366 = arith.index_cast %parallel_loop3A_363 : i32 to index
          %parallel_loop3A_367 = arith.constant 32 : index
          %parallel_loop3A_368 = tpu.vector_load %arg7[%parallel_loop3A_365, %parallel_loop3A_366, %parallel_loop3A_367] {strides = array<i32>} : memref<3x128x128xf32, #tpu.memory_space<vmem>>, vector<1x1x16xf32>,
          %parallel_loop3A_369 = vector.shape_cast %parallel_loop3A_368 : vector<1x1x16xf32> to vector<16xf32>
          %parallel_loop3A_370 = arith.addf %parallel_loop3A_361, %parallel_loop3A_369 : vector<16xf32>
          %parallel_loop3A_371 = arith.constant 64 : i32
          %parallel_loop3A_372 = arith.addi %parallel_loop3A_371, %parallel_loop3A_267 : i32
          %parallel_loop3A_373 = arith.constant 1 : i32
          %parallel_loop3A_374 = arith.index_cast %parallel_loop3A_373 : i32 to index
          %parallel_loop3A_375 = arith.index_cast %parallel_loop3A_372 : i32 to index
          %parallel_loop3A_376 = arith.constant 32 : index
          %parallel_loop3A_377 = tpu.vector_load %arg7[%parallel_loop3A_374, %parallel_loop3A_375, %parallel_loop3A_376] {strides = array<i32>} : memref<3x128x128xf32, #tpu.memory_space<vmem>>, vector<1x1x16xf32>,
          %parallel_loop3A_378 = vector.shape_cast %parallel_loop3A_377 : vector<1x1x16xf32> to vector<16xf32>
          %parallel_loop3A_379 = arith.addf %parallel_loop3A_370, %parallel_loop3A_378 : vector<16xf32>
          %parallel_loop3A_380 = arith.constant 96 : i32
          %parallel_loop3A_381 = arith.addi %parallel_loop3A_380, %parallel_loop3A_267 : i32
          %parallel_loop3A_382 = arith.constant 1 : i32
          %parallel_loop3A_383 = arith.index_cast %parallel_loop3A_382 : i32 to index
          %parallel_loop3A_384 = arith.index_cast %parallel_loop3A_381 : i32 to index
          %parallel_loop3A_385 = arith.constant 32 : index
          %parallel_loop3A_386 = tpu.vector_load %arg7[%parallel_loop3A_383, %parallel_loop3A_384, %parallel_loop3A_385] {strides = array<i32>} : memref<3x128x128xf32, #tpu.memory_space<vmem>>, vector<1x1x16xf32>,
          %parallel_loop3A_387 = vector.shape_cast %parallel_loop3A_386 : vector<1x1x16xf32> to vector<16xf32>
          %parallel_loop3A_388 = arith.addf %parallel_loop3A_379, %parallel_loop3A_387 : vector<16xf32>
          %parallel_loop3A_389 = arith.addf %parallel_loop3A_388, %get3A_54 : vector<16xf32>
          %parallel_loop3A_390 = arith.constant 0.000000e+00 : f32
          %parallel_loop3A_391 = vector.broadcast %parallel_loop3A_390 : f32 to vector<16xf32>
          %parallel_loop3A_392 = arith.maximumf %parallel_loop3A_389, %parallel_loop3A_391 : vector<16xf32>
          %parallel_loop3A_393 = arith.constant 1 : i32
          %parallel_loop3A_394 = arith.index_cast %parallel_loop3A_393 : i32 to index
          %parallel_loop3A_395 = arith.index_cast %parallel_loop3A_267 : i32 to index
          %parallel_loop3A_396 = arith.constant 32 : index
          %parallel_loop3A_397 = tpu.vector_load %arg8[%parallel_loop3A_394, %parallel_loop3A_395, %parallel_loop3A_396] {strides = array<i32>} : memref<3x32x128xf32, #tpu.memory_space<vmem>>, vector<1x1x16xf32>,
          %parallel_loop3A_398 = vector.shape_cast %parallel_loop3A_397 : vector<1x1x16xf32> to vector<16xf32>
          %parallel_loop3A_399 = vector.shape_cast %parallel_loop3A_392 : vector<16xf32> to vector<1x1x16xf32>
          tpu.vector_store %arg8[%parallel_loop3A_394, %parallel_loop3A_395, %parallel_loop3A_396], %parallel_loop3A_399 {strides = array<i32>} : memref<3x32x128xf32, #tpu.memory_space<vmem>>, vector<1x1x16xf32>,
          %parallel_loop3A_400 = arith.constant 1 : i32
          %parallel_loop3A_401 = arith.index_cast %parallel_loop3A_400 : i32 to index
          %parallel_loop3A_402 = arith.index_cast %parallel_loop3A_267 : i32 to index
          %parallel_loop3A_403 = arith.constant 48 : index
          %parallel_loop3A_404 = tpu.vector_load %arg7[%parallel_loop3A_401, %parallel_loop3A_402, %parallel_loop3A_403] {strides = array<i32>} : memref<3x128x128xf32, #tpu.memory_space<vmem>>, vector<1x1x16xf32>,
          %parallel_loop3A_405 = vector.shape_cast %parallel_loop3A_404 : vector<1x1x16xf32> to vector<16xf32>
          %parallel_loop3A_406 = arith.constant 32 : i32
          %parallel_loop3A_407 = arith.addi %parallel_loop3A_406, %parallel_loop3A_267 : i32
          %parallel_loop3A_408 = arith.constant 1 : i32
          %parallel_loop3A_409 = arith.index_cast %parallel_loop3A_408 : i32 to index
          %parallel_loop3A_410 = arith.index_cast %parallel_loop3A_407 : i32 to index
          %parallel_loop3A_411 = arith.constant 48 : index
          %parallel_loop3A_412 = tpu.vector_load %arg7[%parallel_loop3A_409, %parallel_loop3A_410, %parallel_loop3A_411] {strides = array<i32>} : memref<3x128x128xf32, #tpu.memory_space<vmem>>, vector<1x1x16xf32>,
          %parallel_loop3A_413 = vector.shape_cast %parallel_loop3A_412 : vector<1x1x16xf32> to vector<16xf32>
          %parallel_loop3A_414 = arith.addf %parallel_loop3A_405, %parallel_loop3A_413 : vector<16xf32>
          %parallel_loop3A_415 = arith.constant 64 : i32
          %parallel_loop3A_416 = arith.addi %parallel_loop3A_415, %parallel_loop3A_267 : i32
          %parallel_loop3A_417 = arith.constant 1 : i32
          %parallel_loop3A_418 = arith.index_cast %parallel_loop3A_417 : i32 to index
          %parallel_loop3A_419 = arith.index_cast %parallel_loop3A_416 : i32 to index
          %parallel_loop3A_420 = arith.constant 48 : index
          %parallel_loop3A_421 = tpu.vector_load %arg7[%parallel_loop3A_418, %parallel_loop3A_419, %parallel_loop3A_420] {strides = array<i32>} : memref<3x128x128xf32, #tpu.memory_space<vmem>>, vector<1x1x16xf32>,
          %parallel_loop3A_422 = vector.shape_cast %parallel_loop3A_421 : vector<1x1x16xf32> to vector<16xf32>
          %parallel_loop3A_423 = arith.addf %parallel_loop3A_414, %parallel_loop3A_422 : vector<16xf32>
          %parallel_loop3A_424 = arith.constant 96 : i32
          %parallel_loop3A_425 = arith.addi %parallel_loop3A_424, %parallel_loop3A_267 : i32
          %parallel_loop3A_426 = arith.constant 1 : i32
          %parallel_loop3A_427 = arith.index_cast %parallel_loop3A_426 : i32 to index
          %parallel_loop3A_428 = arith.index_cast %parallel_loop3A_425 : i32 to index
          %parallel_loop3A_429 = arith.constant 48 : index
          %parallel_loop3A_430 = tpu.vector_load %arg7[%parallel_loop3A_427, %parallel_loop3A_428, %parallel_loop3A_429] {strides = array<i32>} : memref<3x128x128xf32, #tpu.memory_space<vmem>>, vector<1x1x16xf32>,
          %parallel_loop3A_431 = vector.shape_cast %parallel_loop3A_430 : vector<1x1x16xf32> to vector<16xf32>
          %parallel_loop3A_432 = arith.addf %parallel_loop3A_423, %parallel_loop3A_431 : vector<16xf32>
          %parallel_loop3A_433 = arith.addf %parallel_loop3A_432, %get3A_57 : vector<16xf32>
          %parallel_loop3A_434 = arith.constant 0.000000e+00 : f32
          %parallel_loop3A_435 = vector.broadcast %parallel_loop3A_434 : f32 to vector<16xf32>
          %parallel_loop3A_436 = arith.maximumf %parallel_loop3A_433, %parallel_loop3A_435 : vector<16xf32>
          %parallel_loop3A_437 = arith.constant 1 : i32
          %parallel_loop3A_438 = arith.index_cast %parallel_loop3A_437 : i32 to index
          %parallel_loop3A_439 = arith.index_cast %parallel_loop3A_267 : i32 to index
          %parallel_loop3A_440 = arith.constant 48 : index
          %parallel_loop3A_441 = tpu.vector_load %arg8[%parallel_loop3A_438, %parallel_loop3A_439, %parallel_loop3A_440] {strides = array<i32>} : memref<3x32x128xf32, #tpu.memory_space<vmem>>, vector<1x1x16xf32>,
          %parallel_loop3A_442 = vector.shape_cast %parallel_loop3A_441 : vector<1x1x16xf32> to vector<16xf32>
          %parallel_loop3A_443 = vector.shape_cast %parallel_loop3A_436 : vector<16xf32> to vector<1x1x16xf32>
          tpu.vector_store %arg8[%parallel_loop3A_438, %parallel_loop3A_439, %parallel_loop3A_440], %parallel_loop3A_443 {strides = array<i32>} : memref<3x32x128xf32, #tpu.memory_space<vmem>>, vector<1x1x16xf32>,
          %parallel_loop3A_444 = arith.constant 1 : i32
          %parallel_loop3A_445 = arith.index_cast %parallel_loop3A_444 : i32 to index
          %parallel_loop3A_446 = arith.index_cast %parallel_loop3A_267 : i32 to index
          %parallel_loop3A_447 = arith.constant 64 : index
          %parallel_loop3A_448 = tpu.vector_load %arg7[%parallel_loop3A_445, %parallel_loop3A_446, %parallel_loop3A_447] {strides = array<i32>} : memref<3x128x128xf32, #tpu.memory_space<vmem>>, vector<1x1x16xf32>,
          %parallel_loop3A_449 = vector.shape_cast %parallel_loop3A_448 : vector<1x1x16xf32> to vector<16xf32>
          %parallel_loop3A_450 = arith.constant 32 : i32
          %parallel_loop3A_451 = arith.addi %parallel_loop3A_450, %parallel_loop3A_267 : i32
          %parallel_loop3A_452 = arith.constant 1 : i32
          %parallel_loop3A_453 = arith.index_cast %parallel_loop3A_452 : i32 to index
          %parallel_loop3A_454 = arith.index_cast %parallel_loop3A_451 : i32 to index
          %parallel_loop3A_455 = arith.constant 64 : index
          %parallel_loop3A_456 = tpu.vector_load %arg7[%parallel_loop3A_453, %parallel_loop3A_454, %parallel_loop3A_455] {strides = array<i32>} : memref<3x128x128xf32, #tpu.memory_space<vmem>>, vector<1x1x16xf32>,
          %parallel_loop3A_457 = vector.shape_cast %parallel_loop3A_456 : vector<1x1x16xf32> to vector<16xf32>
          %parallel_loop3A_458 = arith.addf %parallel_loop3A_449, %parallel_loop3A_457 : vector<16xf32>
          %parallel_loop3A_459 = arith.constant 64 : i32
          %parallel_loop3A_460 = arith.addi %parallel_loop3A_459, %parallel_loop3A_267 : i32
          %parallel_loop3A_461 = arith.constant 1 : i32
          %parallel_loop3A_462 = arith.index_cast %parallel_loop3A_461 : i32 to index
          %parallel_loop3A_463 = arith.index_cast %parallel_loop3A_460 : i32 to index
          %parallel_loop3A_464 = arith.constant 64 : index
          %parallel_loop3A_465 = tpu.vector_load %arg7[%parallel_loop3A_462, %parallel_loop3A_463, %parallel_loop3A_464] {strides = array<i32>} : memref<3x128x128xf32, #tpu.memory_space<vmem>>, vector<1x1x16xf32>,
          %parallel_loop3A_466 = vector.shape_cast %parallel_loop3A_465 : vector<1x1x16xf32> to vector<16xf32>
          %parallel_loop3A_467 = arith.addf %parallel_loop3A_458, %parallel_loop3A_466 : vector<16xf32>
          %parallel_loop3A_468 = arith.constant 96 : i32
          %parallel_loop3A_469 = arith.addi %parallel_loop3A_468, %parallel_loop3A_267 : i32
          %parallel_loop3A_470 = arith.constant 1 : i32
          %parallel_loop3A_471 = arith.index_cast %parallel_loop3A_470 : i32 to index
          %parallel_loop3A_472 = arith.index_cast %parallel_loop3A_469 : i32 to index
          %parallel_loop3A_473 = arith.constant 64 : index
          %parallel_loop3A_474 = tpu.vector_load %arg7[%parallel_loop3A_471, %parallel_loop3A_472, %parallel_loop3A_473] {strides = array<i32>} : memref<3x128x128xf32, #tpu.memory_space<vmem>>, vector<1x1x16xf32>,
          %parallel_loop3A_475 = vector.shape_cast %parallel_loop3A_474 : vector<1x1x16xf32> to vector<16xf32>
          %parallel_loop3A_476 = arith.addf %parallel_loop3A_467, %parallel_loop3A_475 : vector<16xf32>
          %parallel_loop3A_477 = arith.addf %parallel_loop3A_476, %get3A_60 : vector<16xf32>
          %parallel_loop3A_478 = arith.constant 0.000000e+00 : f32
          %parallel_loop3A_479 = vector.broadcast %parallel_loop3A_478 : f32 to vector<16xf32>
          %parallel_loop3A_480 = arith.maximumf %parallel_loop3A_477, %parallel_loop3A_479 : vector<16xf32>
          %parallel_loop3A_481 = arith.constant 1 : i32
          %parallel_loop3A_482 = arith.index_cast %parallel_loop3A_481 : i32 to index
          %parallel_loop3A_483 = arith.index_cast %parallel_loop3A_267 : i32 to index
          %parallel_loop3A_484 = arith.constant 64 : index
          %parallel_loop3A_485 = tpu.vector_load %arg8[%parallel_loop3A_482, %parallel_loop3A_483, %parallel_loop3A_484] {strides = array<i32>} : memref<3x32x128xf32, #tpu.memory_space<vmem>>, vector<1x1x16xf32>,
          %parallel_loop3A_486 = vector.shape_cast %parallel_loop3A_485 : vector<1x1x16xf32> to vector<16xf32>
          %parallel_loop3A_487 = vector.shape_cast %parallel_loop3A_480 : vector<16xf32> to vector<1x1x16xf32>
          tpu.vector_store %arg8[%parallel_loop3A_482, %parallel_loop3A_483, %parallel_loop3A_484], %parallel_loop3A_487 {strides = array<i32>} : memref<3x32x128xf32, #tpu.memory_space<vmem>>, vector<1x1x16xf32>,
          %parallel_loop3A_488 = arith.constant 1 : i32
          %parallel_loop3A_489 = arith.index_cast %parallel_loop3A_488 : i32 to index
          %parallel_loop3A_490 = arith.index_cast %parallel_loop3A_267 : i32 to index
          %parallel_loop3A_491 = arith.constant 80 : index
          %parallel_loop3A_492 = tpu.vector_load %arg7[%parallel_loop3A_489, %parallel_loop3A_490, %parallel_loop3A_491] {strides = array<i32>} : memref<3x128x128xf32, #tpu.memory_space<vmem>>, vector<1x1x16xf32>,
          %parallel_loop3A_493 = vector.shape_cast %parallel_loop3A_492 : vector<1x1x16xf32> to vector<16xf32>
          %parallel_loop3A_494 = arith.constant 32 : i32
          %parallel_loop3A_495 = arith.addi %parallel_loop3A_494, %parallel_loop3A_267 : i32
          %parallel_loop3A_496 = arith.constant 1 : i32
          %parallel_loop3A_497 = arith.index_cast %parallel_loop3A_496 : i32 to index
          %parallel_loop3A_498 = arith.index_cast %parallel_loop3A_495 : i32 to index
          %parallel_loop3A_499 = arith.constant 80 : index
          %parallel_loop3A_500 = tpu.vector_load %arg7[%parallel_loop3A_497, %parallel_loop3A_498, %parallel_loop3A_499] {strides = array<i32>} : memref<3x128x128xf32, #tpu.memory_space<vmem>>, vector<1x1x16xf32>,
          %parallel_loop3A_501 = vector.shape_cast %parallel_loop3A_500 : vector<1x1x16xf32> to vector<16xf32>
          %parallel_loop3A_502 = arith.addf %parallel_loop3A_493, %parallel_loop3A_501 : vector<16xf32>
          %parallel_loop3A_503 = arith.constant 64 : i32
          %parallel_loop3A_504 = arith.addi %parallel_loop3A_503, %parallel_loop3A_267 : i32
          %parallel_loop3A_505 = arith.constant 1 : i32
          %parallel_loop3A_506 = arith.index_cast %parallel_loop3A_505 : i32 to index
          %parallel_loop3A_507 = arith.index_cast %parallel_loop3A_504 : i32 to index
          %parallel_loop3A_508 = arith.constant 80 : index
          %parallel_loop3A_509 = tpu.vector_load %arg7[%parallel_loop3A_506, %parallel_loop3A_507, %parallel_loop3A_508] {strides = array<i32>} : memref<3x128x128xf32, #tpu.memory_space<vmem>>, vector<1x1x16xf32>,
          %parallel_loop3A_510 = vector.shape_cast %parallel_loop3A_509 : vector<1x1x16xf32> to vector<16xf32>
          %parallel_loop3A_511 = arith.addf %parallel_loop3A_502, %parallel_loop3A_510 : vector<16xf32>
          %parallel_loop3A_512 = arith.constant 96 : i32
          %parallel_loop3A_513 = arith.addi %parallel_loop3A_512, %parallel_loop3A_267 : i32
          %parallel_loop3A_514 = arith.constant 1 : i32
          %parallel_loop3A_515 = arith.index_cast %parallel_loop3A_514 : i32 to index
          %parallel_loop3A_516 = arith.index_cast %parallel_loop3A_513 : i32 to index
          %parallel_loop3A_517 = arith.constant 80 : index
          %parallel_loop3A_518 = tpu.vector_load %arg7[%parallel_loop3A_515, %parallel_loop3A_516, %parallel_loop3A_517] {strides = array<i32>} : memref<3x128x128xf32, #tpu.memory_space<vmem>>, vector<1x1x16xf32>,
          %parallel_loop3A_519 = vector.shape_cast %parallel_loop3A_518 : vector<1x1x16xf32> to vector<16xf32>
          %parallel_loop3A_520 = arith.addf %parallel_loop3A_511, %parallel_loop3A_519 : vector<16xf32>
          %parallel_loop3A_521 = arith.addf %parallel_loop3A_520, %get3A_63 : vector<16xf32>
          %parallel_loop3A_522 = arith.constant 0.000000e+00 : f32
          %parallel_loop3A_523 = vector.broadcast %parallel_loop3A_522 : f32 to vector<16xf32>
          %parallel_loop3A_524 = arith.maximumf %parallel_loop3A_521, %parallel_loop3A_523 : vector<16xf32>
          %parallel_loop3A_525 = arith.constant 1 : i32
          %parallel_loop3A_526 = arith.index_cast %parallel_loop3A_525 : i32 to index
          %parallel_loop3A_527 = arith.index_cast %parallel_loop3A_267 : i32 to index
          %parallel_loop3A_528 = arith.constant 80 : index
          %parallel_loop3A_529 = tpu.vector_load %arg8[%parallel_loop3A_526, %parallel_loop3A_527, %parallel_loop3A_528] {strides = array<i32>} : memref<3x32x128xf32, #tpu.memory_space<vmem>>, vector<1x1x16xf32>,
          %parallel_loop3A_530 = vector.shape_cast %parallel_loop3A_529 : vector<1x1x16xf32> to vector<16xf32>
          %parallel_loop3A_531 = vector.shape_cast %parallel_loop3A_524 : vector<16xf32> to vector<1x1x16xf32>
          tpu.vector_store %arg8[%parallel_loop3A_526, %parallel_loop3A_527, %parallel_loop3A_528], %parallel_loop3A_531 {strides = array<i32>} : memref<3x32x128xf32, #tpu.memory_space<vmem>>, vector<1x1x16xf32>,
          %parallel_loop3A_532 = arith.constant 1 : i32
          %parallel_loop3A_533 = arith.index_cast %parallel_loop3A_532 : i32 to index
          %parallel_loop3A_534 = arith.index_cast %parallel_loop3A_267 : i32 to index
          %parallel_loop3A_535 = arith.constant 96 : index
          %parallel_loop3A_536 = tpu.vector_load %arg7[%parallel_loop3A_533, %parallel_loop3A_534, %parallel_loop3A_535] {strides = array<i32>} : memref<3x128x128xf32, #tpu.memory_space<vmem>>, vector<1x1x16xf32>,
          %parallel_loop3A_537 = vector.shape_cast %parallel_loop3A_536 : vector<1x1x16xf32> to vector<16xf32>
          %parallel_loop3A_538 = arith.constant 32 : i32
          %parallel_loop3A_539 = arith.addi %parallel_loop3A_538, %parallel_loop3A_267 : i32
          %parallel_loop3A_540 = arith.constant 1 : i32
          %parallel_loop3A_541 = arith.index_cast %parallel_loop3A_540 : i32 to index
          %parallel_loop3A_542 = arith.index_cast %parallel_loop3A_539 : i32 to index
          %parallel_loop3A_543 = arith.constant 96 : index
          %parallel_loop3A_544 = tpu.vector_load %arg7[%parallel_loop3A_541, %parallel_loop3A_542, %parallel_loop3A_543] {strides = array<i32>} : memref<3x128x128xf32, #tpu.memory_space<vmem>>, vector<1x1x16xf32>,
          %parallel_loop3A_545 = vector.shape_cast %parallel_loop3A_544 : vector<1x1x16xf32> to vector<16xf32>
          %parallel_loop3A_546 = arith.addf %parallel_loop3A_537, %parallel_loop3A_545 : vector<16xf32>
          %parallel_loop3A_547 = arith.constant 64 : i32
          %parallel_loop3A_548 = arith.addi %parallel_loop3A_547, %parallel_loop3A_267 : i32
          %parallel_loop3A_549 = arith.constant 1 : i32
          %parallel_loop3A_550 = arith.index_cast %parallel_loop3A_549 : i32 to index
          %parallel_loop3A_551 = arith.index_cast %parallel_loop3A_548 : i32 to index
          %parallel_loop3A_552 = arith.constant 96 : index
          %parallel_loop3A_553 = tpu.vector_load %arg7[%parallel_loop3A_550, %parallel_loop3A_551, %parallel_loop3A_552] {strides = array<i32>} : memref<3x128x128xf32, #tpu.memory_space<vmem>>, vector<1x1x16xf32>,
          %parallel_loop3A_554 = vector.shape_cast %parallel_loop3A_553 : vector<1x1x16xf32> to vector<16xf32>
          %parallel_loop3A_555 = arith.addf %parallel_loop3A_546, %parallel_loop3A_554 : vector<16xf32>
          %parallel_loop3A_556 = arith.constant 96 : i32
          %parallel_loop3A_557 = arith.addi %parallel_loop3A_556, %parallel_loop3A_267 : i32
          %parallel_loop3A_558 = arith.constant 1 : i32
          %parallel_loop3A_559 = arith.index_cast %parallel_loop3A_558 : i32 to index
          %parallel_loop3A_560 = arith.index_cast %parallel_loop3A_557 : i32 to index
          %parallel_loop3A_561 = arith.constant 96 : index
          %parallel_loop3A_562 = tpu.vector_load %arg7[%parallel_loop3A_559, %parallel_loop3A_560, %parallel_loop3A_561] {strides = array<i32>} : memref<3x128x128xf32, #tpu.memory_space<vmem>>, vector<1x1x16xf32>,
          %parallel_loop3A_563 = vector.shape_cast %parallel_loop3A_562 : vector<1x1x16xf32> to vector<16xf32>
          %parallel_loop3A_564 = arith.addf %parallel_loop3A_555, %parallel_loop3A_563 : vector<16xf32>
          %parallel_loop3A_565 = arith.addf %parallel_loop3A_564, %get3A_66 : vector<16xf32>
          %parallel_loop3A_566 = arith.constant 0.000000e+00 : f32
          %parallel_loop3A_567 = vector.broadcast %parallel_loop3A_566 : f32 to vector<16xf32>
          %parallel_loop3A_568 = arith.maximumf %parallel_loop3A_565, %parallel_loop3A_567 : vector<16xf32>
          %parallel_loop3A_569 = arith.constant 1 : i32
          %parallel_loop3A_570 = arith.index_cast %parallel_loop3A_569 : i32 to index
          %parallel_loop3A_571 = arith.index_cast %parallel_loop3A_267 : i32 to index
          %parallel_loop3A_572 = arith.constant 96 : index
          %parallel_loop3A_573 = tpu.vector_load %arg8[%parallel_loop3A_570, %parallel_loop3A_571, %parallel_loop3A_572] {strides = array<i32>} : memref<3x32x128xf32, #tpu.memory_space<vmem>>, vector<1x1x16xf32>,
          %parallel_loop3A_574 = vector.shape_cast %parallel_loop3A_573 : vector<1x1x16xf32> to vector<16xf32>
          %parallel_loop3A_575 = vector.shape_cast %parallel_loop3A_568 : vector<16xf32> to vector<1x1x16xf32>
          tpu.vector_store %arg8[%parallel_loop3A_570, %parallel_loop3A_571, %parallel_loop3A_572], %parallel_loop3A_575 {strides = array<i32>} : memref<3x32x128xf32, #tpu.memory_space<vmem>>, vector<1x1x16xf32>,
          %parallel_loop3A_576 = arith.constant 1 : i32
          %parallel_loop3A_577 = arith.index_cast %parallel_loop3A_576 : i32 to index
          %parallel_loop3A_578 = arith.index_cast %parallel_loop3A_267 : i32 to index
          %parallel_loop3A_579 = arith.constant 112 : index
          %parallel_loop3A_580 = tpu.vector_load %arg7[%parallel_loop3A_577, %parallel_loop3A_578, %parallel_loop3A_579] {strides = array<i32>} : memref<3x128x128xf32, #tpu.memory_space<vmem>>, vector<1x1x16xf32>,
          %parallel_loop3A_581 = vector.shape_cast %parallel_loop3A_580 : vector<1x1x16xf32> to vector<16xf32>
          %parallel_loop3A_582 = arith.constant 32 : i32
          %parallel_loop3A_583 = arith.addi %parallel_loop3A_582, %parallel_loop3A_267 : i32
          %parallel_loop3A_584 = arith.constant 1 : i32
          %parallel_loop3A_585 = arith.index_cast %parallel_loop3A_584 : i32 to index
          %parallel_loop3A_586 = arith.index_cast %parallel_loop3A_583 : i32 to index
          %parallel_loop3A_587 = arith.constant 112 : index
          %parallel_loop3A_588 = tpu.vector_load %arg7[%parallel_loop3A_585, %parallel_loop3A_586, %parallel_loop3A_587] {strides = array<i32>} : memref<3x128x128xf32, #tpu.memory_space<vmem>>, vector<1x1x16xf32>,
          %parallel_loop3A_589 = vector.shape_cast %parallel_loop3A_588 : vector<1x1x16xf32> to vector<16xf32>
          %parallel_loop3A_590 = arith.addf %parallel_loop3A_581, %parallel_loop3A_589 : vector<16xf32>
          %parallel_loop3A_591 = arith.constant 64 : i32
          %parallel_loop3A_592 = arith.addi %parallel_loop3A_591, %parallel_loop3A_267 : i32
          %parallel_loop3A_593 = arith.constant 1 : i32
          %parallel_loop3A_594 = arith.index_cast %parallel_loop3A_593 : i32 to index
          %parallel_loop3A_595 = arith.index_cast %parallel_loop3A_592 : i32 to index
          %parallel_loop3A_596 = arith.constant 112 : index
          %parallel_loop3A_597 = tpu.vector_load %arg7[%parallel_loop3A_594, %parallel_loop3A_595, %parallel_loop3A_596] {strides = array<i32>} : memref<3x128x128xf32, #tpu.memory_space<vmem>>, vector<1x1x16xf32>,
          %parallel_loop3A_598 = vector.shape_cast %parallel_loop3A_597 : vector<1x1x16xf32> to vector<16xf32>
          %parallel_loop3A_599 = arith.addf %parallel_loop3A_590, %parallel_loop3A_598 : vector<16xf32>
          %parallel_loop3A_600 = arith.constant 96 : i32
          %parallel_loop3A_601 = arith.addi %parallel_loop3A_600, %parallel_loop3A_267 : i32
          %parallel_loop3A_602 = arith.constant 1 : i32
          %parallel_loop3A_603 = arith.index_cast %parallel_loop3A_602 : i32 to index
          %parallel_loop3A_604 = arith.index_cast %parallel_loop3A_601 : i32 to index
          %parallel_loop3A_605 = arith.constant 112 : index
          %parallel_loop3A_606 = tpu.vector_load %arg7[%parallel_loop3A_603, %parallel_loop3A_604, %parallel_loop3A_605] {strides = array<i32>} : memref<3x128x128xf32, #tpu.memory_space<vmem>>, vector<1x1x16xf32>,
          %parallel_loop3A_607 = vector.shape_cast %parallel_loop3A_606 : vector<1x1x16xf32> to vector<16xf32>
          %parallel_loop3A_608 = arith.addf %parallel_loop3A_599, %parallel_loop3A_607 : vector<16xf32>
          %parallel_loop3A_609 = arith.addf %parallel_loop3A_608, %get3A_69 : vector<16xf32>
          %parallel_loop3A_610 = arith.constant 0.000000e+00 : f32
          %parallel_loop3A_611 = vector.broadcast %parallel_loop3A_610 : f32 to vector<16xf32>
          %parallel_loop3A_612 = arith.maximumf %parallel_loop3A_609, %parallel_loop3A_611 : vector<16xf32>
          %parallel_loop3A_613 = arith.constant 1 : i32
          %parallel_loop3A_614 = arith.index_cast %parallel_loop3A_613 : i32 to index
          %parallel_loop3A_615 = arith.index_cast %parallel_loop3A_267 : i32 to index
          %parallel_loop3A_616 = arith.constant 112 : index
          %parallel_loop3A_617 = tpu.vector_load %arg8[%parallel_loop3A_614, %parallel_loop3A_615, %parallel_loop3A_616] {strides = array<i32>} : memref<3x32x128xf32, #tpu.memory_space<vmem>>, vector<1x1x16xf32>,
          %parallel_loop3A_618 = vector.shape_cast %parallel_loop3A_617 : vector<1x1x16xf32> to vector<16xf32>
          %parallel_loop3A_619 = vector.shape_cast %parallel_loop3A_612 : vector<16xf32> to vector<1x1x16xf32>
          tpu.vector_store %arg8[%parallel_loop3A_614, %parallel_loop3A_615, %parallel_loop3A_616], %parallel_loop3A_619 {strides = array<i32>} : memref<3x32x128xf32, #tpu.memory_space<vmem>>, vector<1x1x16xf32>,
        } {sc.loop_unroll_factor = 4 : i64, sc.parallel_access}
        %add3A_251 = arith.addi %mul3A_2, %add3A_209 : i32
        %mul3A_252 = arith.constant 32 : i32
        %mul3A_253 = arith.muli %add3A_251, %mul3A_252 : i32
        %dma_start3A_254 = arith.constant 1 : i32
        %dma_start3A_255 = arith.constant 0 : i32
        %dma_start3A_256 = arith.constant 0 : i32
        %dma_start3A_257 = tpu.memref_slice %arg8[%dma_start3A_254, %dma_start3A_255, %dma_start3A_256] : memref<3x32x128xf32, #tpu.memory_space<vmem>> -> memref<1x32x128xf32, #tpu.memory_space<vmem>>
        %dma_start3A_258 = tpu.memref_squeeze %dma_start3A_257 : memref<1x32x128xf32, #tpu.memory_space<vmem>> -> memref<32x128xf32, #tpu.memory_space<vmem>>
        %dma_start3A_259 = arith.constant 0 : i32
        %dma_start3A_260 = tpu.memref_slice %arg5[%mul3A_253, %dma_start3A_259] : memref<100000x128xf32, #tpu.memory_space<hbm>> -> memref<32x128xf32, #tpu.memory_space<hbm>>
        %dma_start3A_261 = arith.constant 0 : i32
        %dma_start3A_262 = tpu.memref_slice %arg5[%mul3A_253, %dma_start3A_261] : memref<100000x128xf32, #tpu.memory_space<hbm>> -> memref<32x128xf32, #tpu.memory_space<hbm>>
        %dma_start3A_263 = arith.constant 0 : i32
        %dma_start3A_264 = arith.constant 0 : i32
        %dma_start3A_265 = tpu.memref_slice %arg8[%dma_start3A_254, %dma_start3A_263, %dma_start3A_264] : memref<3x32x128xf32, #tpu.memory_space<vmem>> -> memref<1x32x128xf32, #tpu.memory_space<vmem>>
        %dma_start3A_266 = tpu.memref_squeeze %dma_start3A_265 : memref<1x32x128xf32, #tpu.memory_space<vmem>> -> memref<32x128xf32, #tpu.memory_space<vmem>>
        tpu.enqueue_dma source(%dma_start3A_266 : memref<32x128xf32, #tpu.memory_space<vmem>>) target(%dma_start3A_262 : memref<32x128xf32, #tpu.memory_space<hbm>>) target_semaphore(%arg11 : memref<!tpu.dma_semaphore, #tpu.memory_space<semaphore_mem>>)
      } else {
      }
      %mul3A_214 = arith.constant 3 : i32
      %mul3A_215 = arith.muli %scan3A_200, %mul3A_214 : i32
      %add3A_216 = arith.constant 2 : i32
      %add3A_217 = arith.addi %mul3A_215, %add3A_216 : i32
      %lt3A_218 = arith.cmpi slt, %add3A_217, %min3A_4 : i32
      %convert_element_type3A_219 = arith.extui %lt3A_218 : i1 to i32
      %cond3A_220 = arith.constant 0 : i32
      %cond3A_221 = arith.cmpi ne, %convert_element_type3A_219, %cond3A_220 : i32
      scf.if %cond3A_221 {
        %add3A_222 = arith.constant 3 : i32
        %add3A_223 = arith.addi %add3A_217, %add3A_222 : i32
        %sub3A_224 = arith.constant 1 : i32
        %sub3A_225 = arith.subi %add3A_223, %sub3A_224 : i32
        %lt3A_226 = arith.cmpi slt, %sub3A_225, %min3A_4 : i32
        %convert_element_type3A_227 = arith.extui %lt3A_226 : i1 to i32
        %cond3A_228 = arith.constant 0 : i32
        %cond3A_229 = arith.cmpi ne, %convert_element_type3A_227, %cond3A_228 : i32
        scf.if %cond3A_229 {
          %add3A_267 = arith.constant 3 : i32
          %add3A_268 = arith.addi %add3A_217, %add3A_267 : i32
          %sub3A_269 = arith.constant 1 : i32
          %sub3A_270 = arith.subi %add3A_268, %sub3A_269 : i32
          %mul3A_271 = arith.constant 32 : i32
          %mul3A_272 = arith.muli %sub3A_270, %mul3A_271 : i32
          %add3A_273 = arith.constant 0 : i32
          %add3A_274 = arith.addi %add3A_273, %mul3A_272 : i32
          %dma_start3A_275 = arith.constant 1 : i32
          %dma_start3A_276 = arith.constant 0 : i32
          %dma_start3A_277 = arith.constant 0 : i32
          %dma_start3A_278 = tpu.memref_slice %arg7[%dma_start3A_275, %dma_start3A_276, %dma_start3A_277] : memref<3x128x128xf32, #tpu.memory_space<vmem>> -> memref<1x32x128xf32, #tpu.memory_space<vmem>>
          %dma_start3A_279 = tpu.memref_squeeze %dma_start3A_278 : memref<1x32x128xf32, #tpu.memory_space<vmem>> -> memref<32x128xf32, #tpu.memory_space<vmem>>
          %dma_start3A_280 = tpu.memref_slice %arg6[%add3A_274] : memref<12672xi32, #tpu.memory_space<vmem>> -> memref<32xi32, #tpu.memory_space<vmem>>
          %dma_start3A_281 = arith.constant 0 : i32
          %dma_start3A_282 = arith.constant 0 : i32
          %dma_start3A_283 = tpu.memref_slice %arg2[%dma_start3A_281, %dma_start3A_282] : memref<200000x128xf32, #tpu.memory_space<hbm>> -> memref<200000x128xf32, #tpu.memory_space<hbm>>
          tpu.enqueue_indirect_dma source(%dma_start3A_283 : memref<200000x128xf32, #tpu.memory_space<hbm>>) target(%dma_start3A_279 : memref<32x128xf32, #tpu.memory_space<vmem>>) offsets(%dma_start3A_280 : memref<32xi32, #tpu.memory_space<vmem>>) semaphore(%arg10 : memref<!tpu.dma_semaphore, #tpu.memory_space<semaphore_mem>>)
          %mul3A_284 = arith.constant 32 : i32
          %mul3A_285 = arith.muli %sub3A_270, %mul3A_284 : i32
          %add3A_286 = arith.constant 3168 : i32
          %add3A_287 = arith.addi %add3A_286, %mul3A_285 : i32
          %dma_start3A_288 = arith.constant 1 : i32
          %dma_start3A_289 = arith.constant 32 : i32
          %dma_start3A_290 = arith.constant 0 : i32
          %dma_start3A_291 = tpu.memref_slice %arg7[%dma_start3A_288, %dma_start3A_289, %dma_start3A_290] : memref<3x128x128xf32, #tpu.memory_space<vmem>> -> memref<1x32x128xf32, #tpu.memory_space<vmem>>
          %dma_start3A_292 = tpu.memref_squeeze %dma_start3A_291 : memref<1x32x128xf32, #tpu.memory_space<vmem>> -> memref<32x128xf32, #tpu.memory_space<vmem>>
          %dma_start3A_293 = tpu.memref_slice %arg6[%add3A_287] : memref<12672xi32, #tpu.memory_space<vmem>> -> memref<32xi32, #tpu.memory_space<vmem>>
          %dma_start3A_294 = arith.constant 0 : i32
          %dma_start3A_295 = arith.constant 0 : i32
          %dma_start3A_296 = tpu.memref_slice %arg2[%dma_start3A_294, %dma_start3A_295] : memref<200000x128xf32, #tpu.memory_space<hbm>> -> memref<200000x128xf32, #tpu.memory_space<hbm>>
          tpu.enqueue_indirect_dma source(%dma_start3A_296 : memref<200000x128xf32, #tpu.memory_space<hbm>>) target(%dma_start3A_292 : memref<32x128xf32, #tpu.memory_space<vmem>>) offsets(%dma_start3A_293 : memref<32xi32, #tpu.memory_space<vmem>>) semaphore(%arg10 : memref<!tpu.dma_semaphore, #tpu.memory_space<semaphore_mem>>)
          %mul3A_297 = arith.constant 32 : i32
          %mul3A_298 = arith.muli %sub3A_270, %mul3A_297 : i32
          %add3A_299 = arith.constant 6336 : i32
          %add3A_300 = arith.addi %add3A_299, %mul3A_298 : i32
          %dma_start3A_301 = arith.constant 1 : i32
          %dma_start3A_302 = arith.constant 64 : i32
          %dma_start3A_303 = arith.constant 0 : i32
          %dma_start3A_304 = tpu.memref_slice %arg7[%dma_start3A_301, %dma_start3A_302, %dma_start3A_303] : memref<3x128x128xf32, #tpu.memory_space<vmem>> -> memref<1x32x128xf32, #tpu.memory_space<vmem>>
          %dma_start3A_305 = tpu.memref_squeeze %dma_start3A_304 : memref<1x32x128xf32, #tpu.memory_space<vmem>> -> memref<32x128xf32, #tpu.memory_space<vmem>>
          %dma_start3A_306 = tpu.memref_slice %arg6[%add3A_300] : memref<12672xi32, #tpu.memory_space<vmem>> -> memref<32xi32, #tpu.memory_space<vmem>>
          %dma_start3A_307 = arith.constant 0 : i32
          %dma_start3A_308 = arith.constant 0 : i32
          %dma_start3A_309 = tpu.memref_slice %arg2[%dma_start3A_307, %dma_start3A_308] : memref<200000x128xf32, #tpu.memory_space<hbm>> -> memref<200000x128xf32, #tpu.memory_space<hbm>>
          tpu.enqueue_indirect_dma source(%dma_start3A_309 : memref<200000x128xf32, #tpu.memory_space<hbm>>) target(%dma_start3A_305 : memref<32x128xf32, #tpu.memory_space<vmem>>) offsets(%dma_start3A_306 : memref<32xi32, #tpu.memory_space<vmem>>) semaphore(%arg10 : memref<!tpu.dma_semaphore, #tpu.memory_space<semaphore_mem>>)
          %mul3A_310 = arith.constant 32 : i32
          %mul3A_311 = arith.muli %sub3A_270, %mul3A_310 : i32
          %add3A_312 = arith.constant 9504 : i32
          %add3A_313 = arith.addi %add3A_312, %mul3A_311 : i32
          %dma_start3A_314 = arith.constant 1 : i32
          %dma_start3A_315 = arith.constant 96 : i32
          %dma_start3A_316 = arith.constant 0 : i32
          %dma_start3A_317 = tpu.memref_slice %arg7[%dma_start3A_314, %dma_start3A_315, %dma_start3A_316] : memref<3x128x128xf32, #tpu.memory_space<vmem>> -> memref<1x32x128xf32, #tpu.memory_space<vmem>>
          %dma_start3A_318 = tpu.memref_squeeze %dma_start3A_317 : memref<1x32x128xf32, #tpu.memory_space<vmem>> -> memref<32x128xf32, #tpu.memory_space<vmem>>
          %dma_start3A_319 = tpu.memref_slice %arg6[%add3A_313] : memref<12672xi32, #tpu.memory_space<vmem>> -> memref<32xi32, #tpu.memory_space<vmem>>
          %dma_start3A_320 = arith.constant 0 : i32
          %dma_start3A_321 = arith.constant 0 : i32
          %dma_start3A_322 = tpu.memref_slice %arg2[%dma_start3A_320, %dma_start3A_321] : memref<200000x128xf32, #tpu.memory_space<hbm>> -> memref<200000x128xf32, #tpu.memory_space<hbm>>
          tpu.enqueue_indirect_dma source(%dma_start3A_322 : memref<200000x128xf32, #tpu.memory_space<hbm>>) target(%dma_start3A_318 : memref<32x128xf32, #tpu.memory_space<vmem>>) offsets(%dma_start3A_319 : memref<32xi32, #tpu.memory_space<vmem>>) semaphore(%arg10 : memref<!tpu.dma_semaphore, #tpu.memory_space<semaphore_mem>>)
        } else {
        }
        %dma_wait3A_230 = arith.constant 2 : i32
        %dma_wait3A_231 = arith.constant 0 : i32
        %dma_wait3A_232 = arith.constant 0 : i32
        %dma_wait3A_233 = tpu.memref_slice %arg7[%dma_wait3A_230, %dma_wait3A_231, %dma_wait3A_232] : memref<3x128x128xf32, #tpu.memory_space<vmem>> -> memref<1x128x128xf32, #tpu.memory_space<vmem>>
        %dma_wait3A_234 = tpu.memref_squeeze %dma_wait3A_233 : memref<1x128x128xf32, #tpu.memory_space<vmem>> -> memref<128x128xf32, #tpu.memory_space<vmem>>
        %dma_wait3A_235 = arith.constant 0 : i32
        %dma_wait3A_236 = arith.constant 0 : i32
        %dma_wait3A_237 = tpu.memref_slice %arg2[%dma_wait3A_235, %dma_wait3A_236] : memref<200000x128xf32, #tpu.memory_space<hbm>> -> memref<128x128xf32, #tpu.memory_space<hbm>>
        %dma_wait3A_238 = arith.constant 0 : i32
        %dma_wait3A_239 = arith.constant 0 : i32
        %dma_wait3A_240 = tpu.memref_slice %arg7[%dma_wait3A_230, %dma_wait3A_238, %dma_wait3A_239] : memref<3x128x128xf32, #tpu.memory_space<vmem>> -> memref<1x128x128xf32, #tpu.memory_space<vmem>>
        %dma_wait3A_241 = tpu.memref_squeeze %dma_wait3A_240 : memref<1x128x128xf32, #tpu.memory_space<vmem>> -> memref<128x128xf32, #tpu.memory_space<vmem>>
        %dma_wait3A_242 = arith.constant 0 : i32
        %dma_wait3A_243 = arith.constant 0 : i32
        %dma_wait3A_244 = tpu.memref_slice %arg2[%dma_wait3A_242, %dma_wait3A_243] : memref<200000x128xf32, #tpu.memory_space<hbm>> -> memref<128x128xf32, #tpu.memory_space<hbm>>
        tpu.wait_dma2 semaphore(%arg10 : memref<!tpu.dma_semaphore, #tpu.memory_space<semaphore_mem>>) src(%dma_wait3A_244 : memref<128x128xf32, #tpu.memory_space<hbm>>) dst(%dma_wait3A_241 : memref<128x128xf32, #tpu.memory_space<vmem>>)
        %ge3A = arith.constant 3 : i32
        %ge3A_245 = arith.cmpi sge, %add3A_217, %ge3A : i32
        %convert_element_type3A_246 = arith.extui %ge3A_245 : i1 to i32
        %cond3A_247 = arith.constant 0 : i32
        %cond3A_248 = arith.cmpi ne, %convert_element_type3A_246, %cond3A_247 : i32
        scf.if %cond3A_248 {
          %dma_wait3A_267 = arith.constant 2 : i32
          %dma_wait3A_268 = arith.constant 0 : i32
          %dma_wait3A_269 = arith.constant 0 : i32
          %dma_wait3A_270 = tpu.memref_slice %arg8[%dma_wait3A_267, %dma_wait3A_268, %dma_wait3A_269] : memref<3x32x128xf32, #tpu.memory_space<vmem>> -> memref<1x32x128xf32, #tpu.memory_space<vmem>>
          %dma_wait3A_271 = tpu.memref_squeeze %dma_wait3A_270 : memref<1x32x128xf32, #tpu.memory_space<vmem>> -> memref<32x128xf32, #tpu.memory_space<vmem>>
          %dma_wait3A_272 = arith.constant 0 : i32
          %dma_wait3A_273 = arith.constant 0 : i32
          %dma_wait3A_274 = tpu.memref_slice %arg5[%dma_wait3A_272, %dma_wait3A_273] : memref<100000x128xf32, #tpu.memory_space<hbm>> -> memref<32x128xf32, #tpu.memory_space<hbm>>
          %dma_wait3A_275 = arith.constant 0 : i32
          %dma_wait3A_276 = arith.constant 0 : i32
          %dma_wait3A_277 = tpu.memref_slice %arg5[%dma_wait3A_275, %dma_wait3A_276] : memref<100000x128xf32, #tpu.memory_space<hbm>> -> memref<32x128xf32, #tpu.memory_space<hbm>>
          %dma_wait3A_278 = arith.constant 0 : i32
          %dma_wait3A_279 = arith.constant 0 : i32
          %dma_wait3A_280 = tpu.memref_slice %arg8[%dma_wait3A_267, %dma_wait3A_278, %dma_wait3A_279] : memref<3x32x128xf32, #tpu.memory_space<vmem>> -> memref<1x32x128xf32, #tpu.memory_space<vmem>>
          %dma_wait3A_281 = tpu.memref_squeeze %dma_wait3A_280 : memref<1x32x128xf32, #tpu.memory_space<vmem>> -> memref<32x128xf32, #tpu.memory_space<vmem>>
          tpu.wait_dma2 semaphore(%arg11 : memref<!tpu.dma_semaphore, #tpu.memory_space<semaphore_mem>>) src(%dma_wait3A_281 : memref<32x128xf32, #tpu.memory_space<vmem>>) dst(%dma_wait3A_277 : memref<32x128xf32, #tpu.memory_space<hbm>>)
        } else {
        }
        %parallel_loop3A = arith.constant 0 : i32
        %parallel_loop3A_249 = arith.constant 32 : i32
        %parallel_loop3A_250 = arith.constant 1 : i32
        scf.for %parallel_loop3A_267 = %parallel_loop3A to %parallel_loop3A_249 step %parallel_loop3A_250  : i32 {
          %parallel_loop3A_268 = arith.constant 2 : i32
          %parallel_loop3A_269 = arith.index_cast %parallel_loop3A_268 : i32 to index
          %parallel_loop3A_270 = arith.index_cast %parallel_loop3A_267 : i32 to index
          %parallel_loop3A_271 = arith.constant 0 : index
          %parallel_loop3A_272 = tpu.vector_load %arg7[%parallel_loop3A_269, %parallel_loop3A_270, %parallel_loop3A_271] {strides = array<i32>} : memref<3x128x128xf32, #tpu.memory_space<vmem>>, vector<1x1x16xf32>,
          %parallel_loop3A_273 = vector.shape_cast %parallel_loop3A_272 : vector<1x1x16xf32> to vector<16xf32>
          %parallel_loop3A_274 = arith.constant 32 : i32
          %parallel_loop3A_275 = arith.addi %parallel_loop3A_274, %parallel_loop3A_267 : i32
          %parallel_loop3A_276 = arith.constant 2 : i32
          %parallel_loop3A_277 = arith.index_cast %parallel_loop3A_276 : i32 to index
          %parallel_loop3A_278 = arith.index_cast %parallel_loop3A_275 : i32 to index
          %parallel_loop3A_279 = arith.constant 0 : index
          %parallel_loop3A_280 = tpu.vector_load %arg7[%parallel_loop3A_277, %parallel_loop3A_278, %parallel_loop3A_279] {strides = array<i32>} : memref<3x128x128xf32, #tpu.memory_space<vmem>>, vector<1x1x16xf32>,
          %parallel_loop3A_281 = vector.shape_cast %parallel_loop3A_280 : vector<1x1x16xf32> to vector<16xf32>
          %parallel_loop3A_282 = arith.addf %parallel_loop3A_273, %parallel_loop3A_281 : vector<16xf32>
          %parallel_loop3A_283 = arith.constant 64 : i32
          %parallel_loop3A_284 = arith.addi %parallel_loop3A_283, %parallel_loop3A_267 : i32
          %parallel_loop3A_285 = arith.constant 2 : i32
          %parallel_loop3A_286 = arith.index_cast %parallel_loop3A_285 : i32 to index
          %parallel_loop3A_287 = arith.index_cast %parallel_loop3A_284 : i32 to index
          %parallel_loop3A_288 = arith.constant 0 : index
          %parallel_loop3A_289 = tpu.vector_load %arg7[%parallel_loop3A_286, %parallel_loop3A_287, %parallel_loop3A_288] {strides = array<i32>} : memref<3x128x128xf32, #tpu.memory_space<vmem>>, vector<1x1x16xf32>,
          %parallel_loop3A_290 = vector.shape_cast %parallel_loop3A_289 : vector<1x1x16xf32> to vector<16xf32>
          %parallel_loop3A_291 = arith.addf %parallel_loop3A_282, %parallel_loop3A_290 : vector<16xf32>
          %parallel_loop3A_292 = arith.constant 96 : i32
          %parallel_loop3A_293 = arith.addi %parallel_loop3A_292, %parallel_loop3A_267 : i32
          %parallel_loop3A_294 = arith.constant 2 : i32
          %parallel_loop3A_295 = arith.index_cast %parallel_loop3A_294 : i32 to index
          %parallel_loop3A_296 = arith.index_cast %parallel_loop3A_293 : i32 to index
          %parallel_loop3A_297 = arith.constant 0 : index
          %parallel_loop3A_298 = tpu.vector_load %arg7[%parallel_loop3A_295, %parallel_loop3A_296, %parallel_loop3A_297] {strides = array<i32>} : memref<3x128x128xf32, #tpu.memory_space<vmem>>, vector<1x1x16xf32>,
          %parallel_loop3A_299 = vector.shape_cast %parallel_loop3A_298 : vector<1x1x16xf32> to vector<16xf32>
          %parallel_loop3A_300 = arith.addf %parallel_loop3A_291, %parallel_loop3A_299 : vector<16xf32>
          %parallel_loop3A_301 = arith.addf %parallel_loop3A_300, %get3A_48 : vector<16xf32>
          %parallel_loop3A_302 = arith.constant 0.000000e+00 : f32
          %parallel_loop3A_303 = vector.broadcast %parallel_loop3A_302 : f32 to vector<16xf32>
          %parallel_loop3A_304 = arith.maximumf %parallel_loop3A_301, %parallel_loop3A_303 : vector<16xf32>
          %parallel_loop3A_305 = arith.constant 2 : i32
          %parallel_loop3A_306 = arith.index_cast %parallel_loop3A_305 : i32 to index
          %parallel_loop3A_307 = arith.index_cast %parallel_loop3A_267 : i32 to index
          %parallel_loop3A_308 = arith.constant 0 : index
          %parallel_loop3A_309 = tpu.vector_load %arg8[%parallel_loop3A_306, %parallel_loop3A_307, %parallel_loop3A_308] {strides = array<i32>} : memref<3x32x128xf32, #tpu.memory_space<vmem>>, vector<1x1x16xf32>,
          %parallel_loop3A_310 = vector.shape_cast %parallel_loop3A_309 : vector<1x1x16xf32> to vector<16xf32>
          %parallel_loop3A_311 = vector.shape_cast %parallel_loop3A_304 : vector<16xf32> to vector<1x1x16xf32>
          tpu.vector_store %arg8[%parallel_loop3A_306, %parallel_loop3A_307, %parallel_loop3A_308], %parallel_loop3A_311 {strides = array<i32>} : memref<3x32x128xf32, #tpu.memory_space<vmem>>, vector<1x1x16xf32>,
          %parallel_loop3A_312 = arith.constant 2 : i32
          %parallel_loop3A_313 = arith.index_cast %parallel_loop3A_312 : i32 to index
          %parallel_loop3A_314 = arith.index_cast %parallel_loop3A_267 : i32 to index
          %parallel_loop3A_315 = arith.constant 16 : index
          %parallel_loop3A_316 = tpu.vector_load %arg7[%parallel_loop3A_313, %parallel_loop3A_314, %parallel_loop3A_315] {strides = array<i32>} : memref<3x128x128xf32, #tpu.memory_space<vmem>>, vector<1x1x16xf32>,
          %parallel_loop3A_317 = vector.shape_cast %parallel_loop3A_316 : vector<1x1x16xf32> to vector<16xf32>
          %parallel_loop3A_318 = arith.constant 32 : i32
          %parallel_loop3A_319 = arith.addi %parallel_loop3A_318, %parallel_loop3A_267 : i32
          %parallel_loop3A_320 = arith.constant 2 : i32
          %parallel_loop3A_321 = arith.index_cast %parallel_loop3A_320 : i32 to index
          %parallel_loop3A_322 = arith.index_cast %parallel_loop3A_319 : i32 to index
          %parallel_loop3A_323 = arith.constant 16 : index
          %parallel_loop3A_324 = tpu.vector_load %arg7[%parallel_loop3A_321, %parallel_loop3A_322, %parallel_loop3A_323] {strides = array<i32>} : memref<3x128x128xf32, #tpu.memory_space<vmem>>, vector<1x1x16xf32>,
          %parallel_loop3A_325 = vector.shape_cast %parallel_loop3A_324 : vector<1x1x16xf32> to vector<16xf32>
          %parallel_loop3A_326 = arith.addf %parallel_loop3A_317, %parallel_loop3A_325 : vector<16xf32>
          %parallel_loop3A_327 = arith.constant 64 : i32
          %parallel_loop3A_328 = arith.addi %parallel_loop3A_327, %parallel_loop3A_267 : i32
          %parallel_loop3A_329 = arith.constant 2 : i32
          %parallel_loop3A_330 = arith.index_cast %parallel_loop3A_329 : i32 to index
          %parallel_loop3A_331 = arith.index_cast %parallel_loop3A_328 : i32 to index
          %parallel_loop3A_332 = arith.constant 16 : index
          %parallel_loop3A_333 = tpu.vector_load %arg7[%parallel_loop3A_330, %parallel_loop3A_331, %parallel_loop3A_332] {strides = array<i32>} : memref<3x128x128xf32, #tpu.memory_space<vmem>>, vector<1x1x16xf32>,
          %parallel_loop3A_334 = vector.shape_cast %parallel_loop3A_333 : vector<1x1x16xf32> to vector<16xf32>
          %parallel_loop3A_335 = arith.addf %parallel_loop3A_326, %parallel_loop3A_334 : vector<16xf32>
          %parallel_loop3A_336 = arith.constant 96 : i32
          %parallel_loop3A_337 = arith.addi %parallel_loop3A_336, %parallel_loop3A_267 : i32
          %parallel_loop3A_338 = arith.constant 2 : i32
          %parallel_loop3A_339 = arith.index_cast %parallel_loop3A_338 : i32 to index
          %parallel_loop3A_340 = arith.index_cast %parallel_loop3A_337 : i32 to index
          %parallel_loop3A_341 = arith.constant 16 : index
          %parallel_loop3A_342 = tpu.vector_load %arg7[%parallel_loop3A_339, %parallel_loop3A_340, %parallel_loop3A_341] {strides = array<i32>} : memref<3x128x128xf32, #tpu.memory_space<vmem>>, vector<1x1x16xf32>,
          %parallel_loop3A_343 = vector.shape_cast %parallel_loop3A_342 : vector<1x1x16xf32> to vector<16xf32>
          %parallel_loop3A_344 = arith.addf %parallel_loop3A_335, %parallel_loop3A_343 : vector<16xf32>
          %parallel_loop3A_345 = arith.addf %parallel_loop3A_344, %get3A_51 : vector<16xf32>
          %parallel_loop3A_346 = arith.constant 0.000000e+00 : f32
          %parallel_loop3A_347 = vector.broadcast %parallel_loop3A_346 : f32 to vector<16xf32>
          %parallel_loop3A_348 = arith.maximumf %parallel_loop3A_345, %parallel_loop3A_347 : vector<16xf32>
          %parallel_loop3A_349 = arith.constant 2 : i32
          %parallel_loop3A_350 = arith.index_cast %parallel_loop3A_349 : i32 to index
          %parallel_loop3A_351 = arith.index_cast %parallel_loop3A_267 : i32 to index
          %parallel_loop3A_352 = arith.constant 16 : index
          %parallel_loop3A_353 = tpu.vector_load %arg8[%parallel_loop3A_350, %parallel_loop3A_351, %parallel_loop3A_352] {strides = array<i32>} : memref<3x32x128xf32, #tpu.memory_space<vmem>>, vector<1x1x16xf32>,
          %parallel_loop3A_354 = vector.shape_cast %parallel_loop3A_353 : vector<1x1x16xf32> to vector<16xf32>
          %parallel_loop3A_355 = vector.shape_cast %parallel_loop3A_348 : vector<16xf32> to vector<1x1x16xf32>
          tpu.vector_store %arg8[%parallel_loop3A_350, %parallel_loop3A_351, %parallel_loop3A_352], %parallel_loop3A_355 {strides = array<i32>} : memref<3x32x128xf32, #tpu.memory_space<vmem>>, vector<1x1x16xf32>,
          %parallel_loop3A_356 = arith.constant 2 : i32
          %parallel_loop3A_357 = arith.index_cast %parallel_loop3A_356 : i32 to index
          %parallel_loop3A_358 = arith.index_cast %parallel_loop3A_267 : i32 to index
          %parallel_loop3A_359 = arith.constant 32 : index
          %parallel_loop3A_360 = tpu.vector_load %arg7[%parallel_loop3A_357, %parallel_loop3A_358, %parallel_loop3A_359] {strides = array<i32>} : memref<3x128x128xf32, #tpu.memory_space<vmem>>, vector<1x1x16xf32>,
          %parallel_loop3A_361 = vector.shape_cast %parallel_loop3A_360 : vector<1x1x16xf32> to vector<16xf32>
          %parallel_loop3A_362 = arith.constant 32 : i32
          %parallel_loop3A_363 = arith.addi %parallel_loop3A_362, %parallel_loop3A_267 : i32
          %parallel_loop3A_364 = arith.constant 2 : i32
          %parallel_loop3A_365 = arith.index_cast %parallel_loop3A_364 : i32 to index
          %parallel_loop3A_366 = arith.index_cast %parallel_loop3A_363 : i32 to index
          %parallel_loop3A_367 = arith.constant 32 : index
          %parallel_loop3A_368 = tpu.vector_load %arg7[%parallel_loop3A_365, %parallel_loop3A_366, %parallel_loop3A_367] {strides = array<i32>} : memref<3x128x128xf32, #tpu.memory_space<vmem>>, vector<1x1x16xf32>,
          %parallel_loop3A_369 = vector.shape_cast %parallel_loop3A_368 : vector<1x1x16xf32> to vector<16xf32>
          %parallel_loop3A_370 = arith.addf %parallel_loop3A_361, %parallel_loop3A_369 : vector<16xf32>
          %parallel_loop3A_371 = arith.constant 64 : i32
          %parallel_loop3A_372 = arith.addi %parallel_loop3A_371, %parallel_loop3A_267 : i32
          %parallel_loop3A_373 = arith.constant 2 : i32
          %parallel_loop3A_374 = arith.index_cast %parallel_loop3A_373 : i32 to index
          %parallel_loop3A_375 = arith.index_cast %parallel_loop3A_372 : i32 to index
          %parallel_loop3A_376 = arith.constant 32 : index
          %parallel_loop3A_377 = tpu.vector_load %arg7[%parallel_loop3A_374, %parallel_loop3A_375, %parallel_loop3A_376] {strides = array<i32>} : memref<3x128x128xf32, #tpu.memory_space<vmem>>, vector<1x1x16xf32>,
          %parallel_loop3A_378 = vector.shape_cast %parallel_loop3A_377 : vector<1x1x16xf32> to vector<16xf32>
          %parallel_loop3A_379 = arith.addf %parallel_loop3A_370, %parallel_loop3A_378 : vector<16xf32>
          %parallel_loop3A_380 = arith.constant 96 : i32
          %parallel_loop3A_381 = arith.addi %parallel_loop3A_380, %parallel_loop3A_267 : i32
          %parallel_loop3A_382 = arith.constant 2 : i32
          %parallel_loop3A_383 = arith.index_cast %parallel_loop3A_382 : i32 to index
          %parallel_loop3A_384 = arith.index_cast %parallel_loop3A_381 : i32 to index
          %parallel_loop3A_385 = arith.constant 32 : index
          %parallel_loop3A_386 = tpu.vector_load %arg7[%parallel_loop3A_383, %parallel_loop3A_384, %parallel_loop3A_385] {strides = array<i32>} : memref<3x128x128xf32, #tpu.memory_space<vmem>>, vector<1x1x16xf32>,
          %parallel_loop3A_387 = vector.shape_cast %parallel_loop3A_386 : vector<1x1x16xf32> to vector<16xf32>
          %parallel_loop3A_388 = arith.addf %parallel_loop3A_379, %parallel_loop3A_387 : vector<16xf32>
          %parallel_loop3A_389 = arith.addf %parallel_loop3A_388, %get3A_54 : vector<16xf32>
          %parallel_loop3A_390 = arith.constant 0.000000e+00 : f32
          %parallel_loop3A_391 = vector.broadcast %parallel_loop3A_390 : f32 to vector<16xf32>
          %parallel_loop3A_392 = arith.maximumf %parallel_loop3A_389, %parallel_loop3A_391 : vector<16xf32>
          %parallel_loop3A_393 = arith.constant 2 : i32
          %parallel_loop3A_394 = arith.index_cast %parallel_loop3A_393 : i32 to index
          %parallel_loop3A_395 = arith.index_cast %parallel_loop3A_267 : i32 to index
          %parallel_loop3A_396 = arith.constant 32 : index
          %parallel_loop3A_397 = tpu.vector_load %arg8[%parallel_loop3A_394, %parallel_loop3A_395, %parallel_loop3A_396] {strides = array<i32>} : memref<3x32x128xf32, #tpu.memory_space<vmem>>, vector<1x1x16xf32>,
          %parallel_loop3A_398 = vector.shape_cast %parallel_loop3A_397 : vector<1x1x16xf32> to vector<16xf32>
          %parallel_loop3A_399 = vector.shape_cast %parallel_loop3A_392 : vector<16xf32> to vector<1x1x16xf32>
          tpu.vector_store %arg8[%parallel_loop3A_394, %parallel_loop3A_395, %parallel_loop3A_396], %parallel_loop3A_399 {strides = array<i32>} : memref<3x32x128xf32, #tpu.memory_space<vmem>>, vector<1x1x16xf32>,
          %parallel_loop3A_400 = arith.constant 2 : i32
          %parallel_loop3A_401 = arith.index_cast %parallel_loop3A_400 : i32 to index
          %parallel_loop3A_402 = arith.index_cast %parallel_loop3A_267 : i32 to index
          %parallel_loop3A_403 = arith.constant 48 : index
          %parallel_loop3A_404 = tpu.vector_load %arg7[%parallel_loop3A_401, %parallel_loop3A_402, %parallel_loop3A_403] {strides = array<i32>} : memref<3x128x128xf32, #tpu.memory_space<vmem>>, vector<1x1x16xf32>,
          %parallel_loop3A_405 = vector.shape_cast %parallel_loop3A_404 : vector<1x1x16xf32> to vector<16xf32>
          %parallel_loop3A_406 = arith.constant 32 : i32
          %parallel_loop3A_407 = arith.addi %parallel_loop3A_406, %parallel_loop3A_267 : i32
          %parallel_loop3A_408 = arith.constant 2 : i32
          %parallel_loop3A_409 = arith.index_cast %parallel_loop3A_408 : i32 to index
          %parallel_loop3A_410 = arith.index_cast %parallel_loop3A_407 : i32 to index
          %parallel_loop3A_411 = arith.constant 48 : index
          %parallel_loop3A_412 = tpu.vector_load %arg7[%parallel_loop3A_409, %parallel_loop3A_410, %parallel_loop3A_411] {strides = array<i32>} : memref<3x128x128xf32, #tpu.memory_space<vmem>>, vector<1x1x16xf32>,
          %parallel_loop3A_413 = vector.shape_cast %parallel_loop3A_412 : vector<1x1x16xf32> to vector<16xf32>
          %parallel_loop3A_414 = arith.addf %parallel_loop3A_405, %parallel_loop3A_413 : vector<16xf32>
          %parallel_loop3A_415 = arith.constant 64 : i32
          %parallel_loop3A_416 = arith.addi %parallel_loop3A_415, %parallel_loop3A_267 : i32
          %parallel_loop3A_417 = arith.constant 2 : i32
          %parallel_loop3A_418 = arith.index_cast %parallel_loop3A_417 : i32 to index
          %parallel_loop3A_419 = arith.index_cast %parallel_loop3A_416 : i32 to index
          %parallel_loop3A_420 = arith.constant 48 : index
          %parallel_loop3A_421 = tpu.vector_load %arg7[%parallel_loop3A_418, %parallel_loop3A_419, %parallel_loop3A_420] {strides = array<i32>} : memref<3x128x128xf32, #tpu.memory_space<vmem>>, vector<1x1x16xf32>,
          %parallel_loop3A_422 = vector.shape_cast %parallel_loop3A_421 : vector<1x1x16xf32> to vector<16xf32>
          %parallel_loop3A_423 = arith.addf %parallel_loop3A_414, %parallel_loop3A_422 : vector<16xf32>
          %parallel_loop3A_424 = arith.constant 96 : i32
          %parallel_loop3A_425 = arith.addi %parallel_loop3A_424, %parallel_loop3A_267 : i32
          %parallel_loop3A_426 = arith.constant 2 : i32
          %parallel_loop3A_427 = arith.index_cast %parallel_loop3A_426 : i32 to index
          %parallel_loop3A_428 = arith.index_cast %parallel_loop3A_425 : i32 to index
          %parallel_loop3A_429 = arith.constant 48 : index
          %parallel_loop3A_430 = tpu.vector_load %arg7[%parallel_loop3A_427, %parallel_loop3A_428, %parallel_loop3A_429] {strides = array<i32>} : memref<3x128x128xf32, #tpu.memory_space<vmem>>, vector<1x1x16xf32>,
          %parallel_loop3A_431 = vector.shape_cast %parallel_loop3A_430 : vector<1x1x16xf32> to vector<16xf32>
          %parallel_loop3A_432 = arith.addf %parallel_loop3A_423, %parallel_loop3A_431 : vector<16xf32>
          %parallel_loop3A_433 = arith.addf %parallel_loop3A_432, %get3A_57 : vector<16xf32>
          %parallel_loop3A_434 = arith.constant 0.000000e+00 : f32
          %parallel_loop3A_435 = vector.broadcast %parallel_loop3A_434 : f32 to vector<16xf32>
          %parallel_loop3A_436 = arith.maximumf %parallel_loop3A_433, %parallel_loop3A_435 : vector<16xf32>
          %parallel_loop3A_437 = arith.constant 2 : i32
          %parallel_loop3A_438 = arith.index_cast %parallel_loop3A_437 : i32 to index
          %parallel_loop3A_439 = arith.index_cast %parallel_loop3A_267 : i32 to index
          %parallel_loop3A_440 = arith.constant 48 : index
          %parallel_loop3A_441 = tpu.vector_load %arg8[%parallel_loop3A_438, %parallel_loop3A_439, %parallel_loop3A_440] {strides = array<i32>} : memref<3x32x128xf32, #tpu.memory_space<vmem>>, vector<1x1x16xf32>,
          %parallel_loop3A_442 = vector.shape_cast %parallel_loop3A_441 : vector<1x1x16xf32> to vector<16xf32>
          %parallel_loop3A_443 = vector.shape_cast %parallel_loop3A_436 : vector<16xf32> to vector<1x1x16xf32>
          tpu.vector_store %arg8[%parallel_loop3A_438, %parallel_loop3A_439, %parallel_loop3A_440], %parallel_loop3A_443 {strides = array<i32>} : memref<3x32x128xf32, #tpu.memory_space<vmem>>, vector<1x1x16xf32>,
          %parallel_loop3A_444 = arith.constant 2 : i32
          %parallel_loop3A_445 = arith.index_cast %parallel_loop3A_444 : i32 to index
          %parallel_loop3A_446 = arith.index_cast %parallel_loop3A_267 : i32 to index
          %parallel_loop3A_447 = arith.constant 64 : index
          %parallel_loop3A_448 = tpu.vector_load %arg7[%parallel_loop3A_445, %parallel_loop3A_446, %parallel_loop3A_447] {strides = array<i32>} : memref<3x128x128xf32, #tpu.memory_space<vmem>>, vector<1x1x16xf32>,
          %parallel_loop3A_449 = vector.shape_cast %parallel_loop3A_448 : vector<1x1x16xf32> to vector<16xf32>
          %parallel_loop3A_450 = arith.constant 32 : i32
          %parallel_loop3A_451 = arith.addi %parallel_loop3A_450, %parallel_loop3A_267 : i32
          %parallel_loop3A_452 = arith.constant 2 : i32
          %parallel_loop3A_453 = arith.index_cast %parallel_loop3A_452 : i32 to index
          %parallel_loop3A_454 = arith.index_cast %parallel_loop3A_451 : i32 to index
          %parallel_loop3A_455 = arith.constant 64 : index
          %parallel_loop3A_456 = tpu.vector_load %arg7[%parallel_loop3A_453, %parallel_loop3A_454, %parallel_loop3A_455] {strides = array<i32>} : memref<3x128x128xf32, #tpu.memory_space<vmem>>, vector<1x1x16xf32>,
          %parallel_loop3A_457 = vector.shape_cast %parallel_loop3A_456 : vector<1x1x16xf32> to vector<16xf32>
          %parallel_loop3A_458 = arith.addf %parallel_loop3A_449, %parallel_loop3A_457 : vector<16xf32>
          %parallel_loop3A_459 = arith.constant 64 : i32
          %parallel_loop3A_460 = arith.addi %parallel_loop3A_459, %parallel_loop3A_267 : i32
          %parallel_loop3A_461 = arith.constant 2 : i32
          %parallel_loop3A_462 = arith.index_cast %parallel_loop3A_461 : i32 to index
          %parallel_loop3A_463 = arith.index_cast %parallel_loop3A_460 : i32 to index
          %parallel_loop3A_464 = arith.constant 64 : index
          %parallel_loop3A_465 = tpu.vector_load %arg7[%parallel_loop3A_462, %parallel_loop3A_463, %parallel_loop3A_464] {strides = array<i32>} : memref<3x128x128xf32, #tpu.memory_space<vmem>>, vector<1x1x16xf32>,
          %parallel_loop3A_466 = vector.shape_cast %parallel_loop3A_465 : vector<1x1x16xf32> to vector<16xf32>
          %parallel_loop3A_467 = arith.addf %parallel_loop3A_458, %parallel_loop3A_466 : vector<16xf32>
          %parallel_loop3A_468 = arith.constant 96 : i32
          %parallel_loop3A_469 = arith.addi %parallel_loop3A_468, %parallel_loop3A_267 : i32
          %parallel_loop3A_470 = arith.constant 2 : i32
          %parallel_loop3A_471 = arith.index_cast %parallel_loop3A_470 : i32 to index
          %parallel_loop3A_472 = arith.index_cast %parallel_loop3A_469 : i32 to index
          %parallel_loop3A_473 = arith.constant 64 : index
          %parallel_loop3A_474 = tpu.vector_load %arg7[%parallel_loop3A_471, %parallel_loop3A_472, %parallel_loop3A_473] {strides = array<i32>} : memref<3x128x128xf32, #tpu.memory_space<vmem>>, vector<1x1x16xf32>,
          %parallel_loop3A_475 = vector.shape_cast %parallel_loop3A_474 : vector<1x1x16xf32> to vector<16xf32>
          %parallel_loop3A_476 = arith.addf %parallel_loop3A_467, %parallel_loop3A_475 : vector<16xf32>
          %parallel_loop3A_477 = arith.addf %parallel_loop3A_476, %get3A_60 : vector<16xf32>
          %parallel_loop3A_478 = arith.constant 0.000000e+00 : f32
          %parallel_loop3A_479 = vector.broadcast %parallel_loop3A_478 : f32 to vector<16xf32>
          %parallel_loop3A_480 = arith.maximumf %parallel_loop3A_477, %parallel_loop3A_479 : vector<16xf32>
          %parallel_loop3A_481 = arith.constant 2 : i32
          %parallel_loop3A_482 = arith.index_cast %parallel_loop3A_481 : i32 to index
          %parallel_loop3A_483 = arith.index_cast %parallel_loop3A_267 : i32 to index
          %parallel_loop3A_484 = arith.constant 64 : index
          %parallel_loop3A_485 = tpu.vector_load %arg8[%parallel_loop3A_482, %parallel_loop3A_483, %parallel_loop3A_484] {strides = array<i32>} : memref<3x32x128xf32, #tpu.memory_space<vmem>>, vector<1x1x16xf32>,
          %parallel_loop3A_486 = vector.shape_cast %parallel_loop3A_485 : vector<1x1x16xf32> to vector<16xf32>
          %parallel_loop3A_487 = vector.shape_cast %parallel_loop3A_480 : vector<16xf32> to vector<1x1x16xf32>
          tpu.vector_store %arg8[%parallel_loop3A_482, %parallel_loop3A_483, %parallel_loop3A_484], %parallel_loop3A_487 {strides = array<i32>} : memref<3x32x128xf32, #tpu.memory_space<vmem>>, vector<1x1x16xf32>,
          %parallel_loop3A_488 = arith.constant 2 : i32
          %parallel_loop3A_489 = arith.index_cast %parallel_loop3A_488 : i32 to index
          %parallel_loop3A_490 = arith.index_cast %parallel_loop3A_267 : i32 to index
          %parallel_loop3A_491 = arith.constant 80 : index
          %parallel_loop3A_492 = tpu.vector_load %arg7[%parallel_loop3A_489, %parallel_loop3A_490, %parallel_loop3A_491] {strides = array<i32>} : memref<3x128x128xf32, #tpu.memory_space<vmem>>, vector<1x1x16xf32>,
          %parallel_loop3A_493 = vector.shape_cast %parallel_loop3A_492 : vector<1x1x16xf32> to vector<16xf32>
          %parallel_loop3A_494 = arith.constant 32 : i32
          %parallel_loop3A_495 = arith.addi %parallel_loop3A_494, %parallel_loop3A_267 : i32
          %parallel_loop3A_496 = arith.constant 2 : i32
          %parallel_loop3A_497 = arith.index_cast %parallel_loop3A_496 : i32 to index
          %parallel_loop3A_498 = arith.index_cast %parallel_loop3A_495 : i32 to index
          %parallel_loop3A_499 = arith.constant 80 : index
          %parallel_loop3A_500 = tpu.vector_load %arg7[%parallel_loop3A_497, %parallel_loop3A_498, %parallel_loop3A_499] {strides = array<i32>} : memref<3x128x128xf32, #tpu.memory_space<vmem>>, vector<1x1x16xf32>,
          %parallel_loop3A_501 = vector.shape_cast %parallel_loop3A_500 : vector<1x1x16xf32> to vector<16xf32>
          %parallel_loop3A_502 = arith.addf %parallel_loop3A_493, %parallel_loop3A_501 : vector<16xf32>
          %parallel_loop3A_503 = arith.constant 64 : i32
          %parallel_loop3A_504 = arith.addi %parallel_loop3A_503, %parallel_loop3A_267 : i32
          %parallel_loop3A_505 = arith.constant 2 : i32
          %parallel_loop3A_506 = arith.index_cast %parallel_loop3A_505 : i32 to index
          %parallel_loop3A_507 = arith.index_cast %parallel_loop3A_504 : i32 to index
          %parallel_loop3A_508 = arith.constant 80 : index
          %parallel_loop3A_509 = tpu.vector_load %arg7[%parallel_loop3A_506, %parallel_loop3A_507, %parallel_loop3A_508] {strides = array<i32>} : memref<3x128x128xf32, #tpu.memory_space<vmem>>, vector<1x1x16xf32>,
          %parallel_loop3A_510 = vector.shape_cast %parallel_loop3A_509 : vector<1x1x16xf32> to vector<16xf32>
          %parallel_loop3A_511 = arith.addf %parallel_loop3A_502, %parallel_loop3A_510 : vector<16xf32>
          %parallel_loop3A_512 = arith.constant 96 : i32
          %parallel_loop3A_513 = arith.addi %parallel_loop3A_512, %parallel_loop3A_267 : i32
          %parallel_loop3A_514 = arith.constant 2 : i32
          %parallel_loop3A_515 = arith.index_cast %parallel_loop3A_514 : i32 to index
          %parallel_loop3A_516 = arith.index_cast %parallel_loop3A_513 : i32 to index
          %parallel_loop3A_517 = arith.constant 80 : index
          %parallel_loop3A_518 = tpu.vector_load %arg7[%parallel_loop3A_515, %parallel_loop3A_516, %parallel_loop3A_517] {strides = array<i32>} : memref<3x128x128xf32, #tpu.memory_space<vmem>>, vector<1x1x16xf32>,
          %parallel_loop3A_519 = vector.shape_cast %parallel_loop3A_518 : vector<1x1x16xf32> to vector<16xf32>
          %parallel_loop3A_520 = arith.addf %parallel_loop3A_511, %parallel_loop3A_519 : vector<16xf32>
          %parallel_loop3A_521 = arith.addf %parallel_loop3A_520, %get3A_63 : vector<16xf32>
          %parallel_loop3A_522 = arith.constant 0.000000e+00 : f32
          %parallel_loop3A_523 = vector.broadcast %parallel_loop3A_522 : f32 to vector<16xf32>
          %parallel_loop3A_524 = arith.maximumf %parallel_loop3A_521, %parallel_loop3A_523 : vector<16xf32>
          %parallel_loop3A_525 = arith.constant 2 : i32
          %parallel_loop3A_526 = arith.index_cast %parallel_loop3A_525 : i32 to index
          %parallel_loop3A_527 = arith.index_cast %parallel_loop3A_267 : i32 to index
          %parallel_loop3A_528 = arith.constant 80 : index
          %parallel_loop3A_529 = tpu.vector_load %arg8[%parallel_loop3A_526, %parallel_loop3A_527, %parallel_loop3A_528] {strides = array<i32>} : memref<3x32x128xf32, #tpu.memory_space<vmem>>, vector<1x1x16xf32>,
          %parallel_loop3A_530 = vector.shape_cast %parallel_loop3A_529 : vector<1x1x16xf32> to vector<16xf32>
          %parallel_loop3A_531 = vector.shape_cast %parallel_loop3A_524 : vector<16xf32> to vector<1x1x16xf32>
          tpu.vector_store %arg8[%parallel_loop3A_526, %parallel_loop3A_527, %parallel_loop3A_528], %parallel_loop3A_531 {strides = array<i32>} : memref<3x32x128xf32, #tpu.memory_space<vmem>>, vector<1x1x16xf32>,
          %parallel_loop3A_532 = arith.constant 2 : i32
          %parallel_loop3A_533 = arith.index_cast %parallel_loop3A_532 : i32 to index
          %parallel_loop3A_534 = arith.index_cast %parallel_loop3A_267 : i32 to index
          %parallel_loop3A_535 = arith.constant 96 : index
          %parallel_loop3A_536 = tpu.vector_load %arg7[%parallel_loop3A_533, %parallel_loop3A_534, %parallel_loop3A_535] {strides = array<i32>} : memref<3x128x128xf32, #tpu.memory_space<vmem>>, vector<1x1x16xf32>,
          %parallel_loop3A_537 = vector.shape_cast %parallel_loop3A_536 : vector<1x1x16xf32> to vector<16xf32>
          %parallel_loop3A_538 = arith.constant 32 : i32
          %parallel_loop3A_539 = arith.addi %parallel_loop3A_538, %parallel_loop3A_267 : i32
          %parallel_loop3A_540 = arith.constant 2 : i32
          %parallel_loop3A_541 = arith.index_cast %parallel_loop3A_540 : i32 to index
          %parallel_loop3A_542 = arith.index_cast %parallel_loop3A_539 : i32 to index
          %parallel_loop3A_543 = arith.constant 96 : index
          %parallel_loop3A_544 = tpu.vector_load %arg7[%parallel_loop3A_541, %parallel_loop3A_542, %parallel_loop3A_543] {strides = array<i32>} : memref<3x128x128xf32, #tpu.memory_space<vmem>>, vector<1x1x16xf32>,
          %parallel_loop3A_545 = vector.shape_cast %parallel_loop3A_544 : vector<1x1x16xf32> to vector<16xf32>
          %parallel_loop3A_546 = arith.addf %parallel_loop3A_537, %parallel_loop3A_545 : vector<16xf32>
          %parallel_loop3A_547 = arith.constant 64 : i32
          %parallel_loop3A_548 = arith.addi %parallel_loop3A_547, %parallel_loop3A_267 : i32
          %parallel_loop3A_549 = arith.constant 2 : i32
          %parallel_loop3A_550 = arith.index_cast %parallel_loop3A_549 : i32 to index
          %parallel_loop3A_551 = arith.index_cast %parallel_loop3A_548 : i32 to index
          %parallel_loop3A_552 = arith.constant 96 : index
          %parallel_loop3A_553 = tpu.vector_load %arg7[%parallel_loop3A_550, %parallel_loop3A_551, %parallel_loop3A_552] {strides = array<i32>} : memref<3x128x128xf32, #tpu.memory_space<vmem>>, vector<1x1x16xf32>,
          %parallel_loop3A_554 = vector.shape_cast %parallel_loop3A_553 : vector<1x1x16xf32> to vector<16xf32>
          %parallel_loop3A_555 = arith.addf %parallel_loop3A_546, %parallel_loop3A_554 : vector<16xf32>
          %parallel_loop3A_556 = arith.constant 96 : i32
          %parallel_loop3A_557 = arith.addi %parallel_loop3A_556, %parallel_loop3A_267 : i32
          %parallel_loop3A_558 = arith.constant 2 : i32
          %parallel_loop3A_559 = arith.index_cast %parallel_loop3A_558 : i32 to index
          %parallel_loop3A_560 = arith.index_cast %parallel_loop3A_557 : i32 to index
          %parallel_loop3A_561 = arith.constant 96 : index
          %parallel_loop3A_562 = tpu.vector_load %arg7[%parallel_loop3A_559, %parallel_loop3A_560, %parallel_loop3A_561] {strides = array<i32>} : memref<3x128x128xf32, #tpu.memory_space<vmem>>, vector<1x1x16xf32>,
          %parallel_loop3A_563 = vector.shape_cast %parallel_loop3A_562 : vector<1x1x16xf32> to vector<16xf32>
          %parallel_loop3A_564 = arith.addf %parallel_loop3A_555, %parallel_loop3A_563 : vector<16xf32>
          %parallel_loop3A_565 = arith.addf %parallel_loop3A_564, %get3A_66 : vector<16xf32>
          %parallel_loop3A_566 = arith.constant 0.000000e+00 : f32
          %parallel_loop3A_567 = vector.broadcast %parallel_loop3A_566 : f32 to vector<16xf32>
          %parallel_loop3A_568 = arith.maximumf %parallel_loop3A_565, %parallel_loop3A_567 : vector<16xf32>
          %parallel_loop3A_569 = arith.constant 2 : i32
          %parallel_loop3A_570 = arith.index_cast %parallel_loop3A_569 : i32 to index
          %parallel_loop3A_571 = arith.index_cast %parallel_loop3A_267 : i32 to index
          %parallel_loop3A_572 = arith.constant 96 : index
          %parallel_loop3A_573 = tpu.vector_load %arg8[%parallel_loop3A_570, %parallel_loop3A_571, %parallel_loop3A_572] {strides = array<i32>} : memref<3x32x128xf32, #tpu.memory_space<vmem>>, vector<1x1x16xf32>,
          %parallel_loop3A_574 = vector.shape_cast %parallel_loop3A_573 : vector<1x1x16xf32> to vector<16xf32>
          %parallel_loop3A_575 = vector.shape_cast %parallel_loop3A_568 : vector<16xf32> to vector<1x1x16xf32>
          tpu.vector_store %arg8[%parallel_loop3A_570, %parallel_loop3A_571, %parallel_loop3A_572], %parallel_loop3A_575 {strides = array<i32>} : memref<3x32x128xf32, #tpu.memory_space<vmem>>, vector<1x1x16xf32>,
          %parallel_loop3A_576 = arith.constant 2 : i32
          %parallel_loop3A_577 = arith.index_cast %parallel_loop3A_576 : i32 to index
          %parallel_loop3A_578 = arith.index_cast %parallel_loop3A_267 : i32 to index
          %parallel_loop3A_579 = arith.constant 112 : index
          %parallel_loop3A_580 = tpu.vector_load %arg7[%parallel_loop3A_577, %parallel_loop3A_578, %parallel_loop3A_579] {strides = array<i32>} : memref<3x128x128xf32, #tpu.memory_space<vmem>>, vector<1x1x16xf32>,
          %parallel_loop3A_581 = vector.shape_cast %parallel_loop3A_580 : vector<1x1x16xf32> to vector<16xf32>
          %parallel_loop3A_582 = arith.constant 32 : i32
          %parallel_loop3A_583 = arith.addi %parallel_loop3A_582, %parallel_loop3A_267 : i32
          %parallel_loop3A_584 = arith.constant 2 : i32
          %parallel_loop3A_585 = arith.index_cast %parallel_loop3A_584 : i32 to index
          %parallel_loop3A_586 = arith.index_cast %parallel_loop3A_583 : i32 to index
          %parallel_loop3A_587 = arith.constant 112 : index
          %parallel_loop3A_588 = tpu.vector_load %arg7[%parallel_loop3A_585, %parallel_loop3A_586, %parallel_loop3A_587] {strides = array<i32>} : memref<3x128x128xf32, #tpu.memory_space<vmem>>, vector<1x1x16xf32>,
          %parallel_loop3A_589 = vector.shape_cast %parallel_loop3A_588 : vector<1x1x16xf32> to vector<16xf32>
          %parallel_loop3A_590 = arith.addf %parallel_loop3A_581, %parallel_loop3A_589 : vector<16xf32>
          %parallel_loop3A_591 = arith.constant 64 : i32
          %parallel_loop3A_592 = arith.addi %parallel_loop3A_591, %parallel_loop3A_267 : i32
          %parallel_loop3A_593 = arith.constant 2 : i32
          %parallel_loop3A_594 = arith.index_cast %parallel_loop3A_593 : i32 to index
          %parallel_loop3A_595 = arith.index_cast %parallel_loop3A_592 : i32 to index
          %parallel_loop3A_596 = arith.constant 112 : index
          %parallel_loop3A_597 = tpu.vector_load %arg7[%parallel_loop3A_594, %parallel_loop3A_595, %parallel_loop3A_596] {strides = array<i32>} : memref<3x128x128xf32, #tpu.memory_space<vmem>>, vector<1x1x16xf32>,
          %parallel_loop3A_598 = vector.shape_cast %parallel_loop3A_597 : vector<1x1x16xf32> to vector<16xf32>
          %parallel_loop3A_599 = arith.addf %parallel_loop3A_590, %parallel_loop3A_598 : vector<16xf32>
          %parallel_loop3A_600 = arith.constant 96 : i32
          %parallel_loop3A_601 = arith.addi %parallel_loop3A_600, %parallel_loop3A_267 : i32
          %parallel_loop3A_602 = arith.constant 2 : i32
          %parallel_loop3A_603 = arith.index_cast %parallel_loop3A_602 : i32 to index
          %parallel_loop3A_604 = arith.index_cast %parallel_loop3A_601 : i32 to index
          %parallel_loop3A_605 = arith.constant 112 : index
          %parallel_loop3A_606 = tpu.vector_load %arg7[%parallel_loop3A_603, %parallel_loop3A_604, %parallel_loop3A_605] {strides = array<i32>} : memref<3x128x128xf32, #tpu.memory_space<vmem>>, vector<1x1x16xf32>,
          %parallel_loop3A_607 = vector.shape_cast %parallel_loop3A_606 : vector<1x1x16xf32> to vector<16xf32>
          %parallel_loop3A_608 = arith.addf %parallel_loop3A_599, %parallel_loop3A_607 : vector<16xf32>
          %parallel_loop3A_609 = arith.addf %parallel_loop3A_608, %get3A_69 : vector<16xf32>
          %parallel_loop3A_610 = arith.constant 0.000000e+00 : f32
          %parallel_loop3A_611 = vector.broadcast %parallel_loop3A_610 : f32 to vector<16xf32>
          %parallel_loop3A_612 = arith.maximumf %parallel_loop3A_609, %parallel_loop3A_611 : vector<16xf32>
          %parallel_loop3A_613 = arith.constant 2 : i32
          %parallel_loop3A_614 = arith.index_cast %parallel_loop3A_613 : i32 to index
          %parallel_loop3A_615 = arith.index_cast %parallel_loop3A_267 : i32 to index
          %parallel_loop3A_616 = arith.constant 112 : index
          %parallel_loop3A_617 = tpu.vector_load %arg8[%parallel_loop3A_614, %parallel_loop3A_615, %parallel_loop3A_616] {strides = array<i32>} : memref<3x32x128xf32, #tpu.memory_space<vmem>>, vector<1x1x16xf32>,
          %parallel_loop3A_618 = vector.shape_cast %parallel_loop3A_617 : vector<1x1x16xf32> to vector<16xf32>
          %parallel_loop3A_619 = vector.shape_cast %parallel_loop3A_612 : vector<16xf32> to vector<1x1x16xf32>
          tpu.vector_store %arg8[%parallel_loop3A_614, %parallel_loop3A_615, %parallel_loop3A_616], %parallel_loop3A_619 {strides = array<i32>} : memref<3x32x128xf32, #tpu.memory_space<vmem>>, vector<1x1x16xf32>,
        } {sc.loop_unroll_factor = 4 : i64, sc.parallel_access}
        %add3A_251 = arith.addi %mul3A_2, %add3A_217 : i32
        %mul3A_252 = arith.constant 32 : i32
        %mul3A_253 = arith.muli %add3A_251, %mul3A_252 : i32
        %dma_start3A_254 = arith.constant 2 : i32
        %dma_start3A_255 = arith.constant 0 : i32
        %dma_start3A_256 = arith.constant 0 : i32
        %dma_start3A_257 = tpu.memref_slice %arg8[%dma_start3A_254, %dma_start3A_255, %dma_start3A_256] : memref<3x32x128xf32, #tpu.memory_space<vmem>> -> memref<1x32x128xf32, #tpu.memory_space<vmem>>
        %dma_start3A_258 = tpu.memref_squeeze %dma_start3A_257 : memref<1x32x128xf32, #tpu.memory_space<vmem>> -> memref<32x128xf32, #tpu.memory_space<vmem>>
        %dma_start3A_259 = arith.constant 0 : i32
        %dma_start3A_260 = tpu.memref_slice %arg5[%mul3A_253, %dma_start3A_259] : memref<100000x128xf32, #tpu.memory_space<hbm>> -> memref<32x128xf32, #tpu.memory_space<hbm>>
        %dma_start3A_261 = arith.constant 0 : i32
        %dma_start3A_262 = tpu.memref_slice %arg5[%mul3A_253, %dma_start3A_261] : memref<100000x128xf32, #tpu.memory_space<hbm>> -> memref<32x128xf32, #tpu.memory_space<hbm>>
        %dma_start3A_263 = arith.constant 0 : i32
        %dma_start3A_264 = arith.constant 0 : i32
        %dma_start3A_265 = tpu.memref_slice %arg8[%dma_start3A_254, %dma_start3A_263, %dma_start3A_264] : memref<3x32x128xf32, #tpu.memory_space<vmem>> -> memref<1x32x128xf32, #tpu.memory_space<vmem>>
        %dma_start3A_266 = tpu.memref_squeeze %dma_start3A_265 : memref<1x32x128xf32, #tpu.memory_space<vmem>> -> memref<32x128xf32, #tpu.memory_space<vmem>>
        tpu.enqueue_dma source(%dma_start3A_266 : memref<32x128xf32, #tpu.memory_space<vmem>>) target(%dma_start3A_262 : memref<32x128xf32, #tpu.memory_space<hbm>>) target_semaphore(%arg11 : memref<!tpu.dma_semaphore, #tpu.memory_space<semaphore_mem>>)
      } else {
      }
    }
    %scan3A_154 = arith.constant 33 : i32
    %dma_wait3A_155 = arith.constant 0 : i32
    %dma_wait3A_156 = arith.constant 0 : i32
    %dma_wait3A_157 = arith.constant 0 : i32
    %dma_wait3A_158 = tpu.memref_slice %arg8[%dma_wait3A_155, %dma_wait3A_156, %dma_wait3A_157] : memref<3x32x128xf32, #tpu.memory_space<vmem>> -> memref<1x32x128xf32, #tpu.memory_space<vmem>>
    %dma_wait3A_159 = tpu.memref_squeeze %dma_wait3A_158 : memref<1x32x128xf32, #tpu.memory_space<vmem>> -> memref<32x128xf32, #tpu.memory_space<vmem>>
    %dma_wait3A_160 = arith.constant 0 : i32
    %dma_wait3A_161 = arith.constant 0 : i32
    %dma_wait3A_162 = tpu.memref_slice %arg5[%dma_wait3A_160, %dma_wait3A_161] : memref<100000x128xf32, #tpu.memory_space<hbm>> -> memref<32x128xf32, #tpu.memory_space<hbm>>
    %dma_wait3A_163 = arith.constant 0 : i32
    %dma_wait3A_164 = arith.constant 0 : i32
    %dma_wait3A_165 = tpu.memref_slice %arg5[%dma_wait3A_163, %dma_wait3A_164] : memref<100000x128xf32, #tpu.memory_space<hbm>> -> memref<32x128xf32, #tpu.memory_space<hbm>>
    %dma_wait3A_166 = arith.constant 0 : i32
    %dma_wait3A_167 = arith.constant 0 : i32
    %dma_wait3A_168 = tpu.memref_slice %arg8[%dma_wait3A_155, %dma_wait3A_166, %dma_wait3A_167] : memref<3x32x128xf32, #tpu.memory_space<vmem>> -> memref<1x32x128xf32, #tpu.memory_space<vmem>>
    %dma_wait3A_169 = tpu.memref_squeeze %dma_wait3A_168 : memref<1x32x128xf32, #tpu.memory_space<vmem>> -> memref<32x128xf32, #tpu.memory_space<vmem>>
    tpu.wait_dma2 semaphore(%arg11 : memref<!tpu.dma_semaphore, #tpu.memory_space<semaphore_mem>>) src(%dma_wait3A_169 : memref<32x128xf32, #tpu.memory_space<vmem>>) dst(%dma_wait3A_165 : memref<32x128xf32, #tpu.memory_space<hbm>>)
    %dma_wait3A_170 = arith.constant 0 : i32
    %dma_wait3A_171 = arith.constant 0 : i32
    %dma_wait3A_172 = arith.constant 0 : i32
    %dma_wait3A_173 = tpu.memref_slice %arg8[%dma_wait3A_170, %dma_wait3A_171, %dma_wait3A_172] : memref<3x32x128xf32, #tpu.memory_space<vmem>> -> memref<1x32x128xf32, #tpu.memory_space<vmem>>
    %dma_wait3A_174 = tpu.memref_squeeze %dma_wait3A_173 : memref<1x32x128xf32, #tpu.memory_space<vmem>> -> memref<32x128xf32, #tpu.memory_space<vmem>>
    %dma_wait3A_175 = arith.constant 0 : i32
    %dma_wait3A_176 = arith.constant 0 : i32
    %dma_wait3A_177 = tpu.memref_slice %arg5[%dma_wait3A_175, %dma_wait3A_176] : memref<100000x128xf32, #tpu.memory_space<hbm>> -> memref<32x128xf32, #tpu.memory_space<hbm>>
    %dma_wait3A_178 = arith.constant 0 : i32
    %dma_wait3A_179 = arith.constant 0 : i32
    %dma_wait3A_180 = tpu.memref_slice %arg5[%dma_wait3A_178, %dma_wait3A_179] : memref<100000x128xf32, #tpu.memory_space<hbm>> -> memref<32x128xf32, #tpu.memory_space<hbm>>
    %dma_wait3A_181 = arith.constant 0 : i32
    %dma_wait3A_182 = arith.constant 0 : i32
    %dma_wait3A_183 = tpu.memref_slice %arg8[%dma_wait3A_170, %dma_wait3A_181, %dma_wait3A_182] : memref<3x32x128xf32, #tpu.memory_space<vmem>> -> memref<1x32x128xf32, #tpu.memory_space<vmem>>
    %dma_wait3A_184 = tpu.memref_squeeze %dma_wait3A_183 : memref<1x32x128xf32, #tpu.memory_space<vmem>> -> memref<32x128xf32, #tpu.memory_space<vmem>>
    tpu.wait_dma2 semaphore(%arg11 : memref<!tpu.dma_semaphore, #tpu.memory_space<semaphore_mem>>) src(%dma_wait3A_184 : memref<32x128xf32, #tpu.memory_space<vmem>>) dst(%dma_wait3A_180 : memref<32x128xf32, #tpu.memory_space<hbm>>)
    %dma_wait3A_185 = arith.constant 0 : i32
    %dma_wait3A_186 = arith.constant 0 : i32
    %dma_wait3A_187 = arith.constant 0 : i32
    %dma_wait3A_188 = tpu.memref_slice %arg8[%dma_wait3A_185, %dma_wait3A_186, %dma_wait3A_187] : memref<3x32x128xf32, #tpu.memory_space<vmem>> -> memref<1x32x128xf32, #tpu.memory_space<vmem>>
    %dma_wait3A_189 = tpu.memref_squeeze %dma_wait3A_188 : memref<1x32x128xf32, #tpu.memory_space<vmem>> -> memref<32x128xf32, #tpu.memory_space<vmem>>
    %dma_wait3A_190 = arith.constant 0 : i32
    %dma_wait3A_191 = arith.constant 0 : i32
    %dma_wait3A_192 = tpu.memref_slice %arg5[%dma_wait3A_190, %dma_wait3A_191] : memref<100000x128xf32, #tpu.memory_space<hbm>> -> memref<32x128xf32, #tpu.memory_space<hbm>>
    %dma_wait3A_193 = arith.constant 0 : i32
    %dma_wait3A_194 = arith.constant 0 : i32
    %dma_wait3A_195 = tpu.memref_slice %arg5[%dma_wait3A_193, %dma_wait3A_194] : memref<100000x128xf32, #tpu.memory_space<hbm>> -> memref<32x128xf32, #tpu.memory_space<hbm>>
    %dma_wait3A_196 = arith.constant 0 : i32
    %dma_wait3A_197 = arith.constant 0 : i32
    %dma_wait3A_198 = tpu.memref_slice %arg8[%dma_wait3A_185, %dma_wait3A_196, %dma_wait3A_197] : memref<3x32x128xf32, #tpu.memory_space<vmem>> -> memref<1x32x128xf32, #tpu.memory_space<vmem>>
    %dma_wait3A_199 = tpu.memref_squeeze %dma_wait3A_198 : memref<1x32x128xf32, #tpu.memory_space<vmem>> -> memref<32x128xf32, #tpu.memory_space<vmem>>
    tpu.wait_dma2 semaphore(%arg11 : memref<!tpu.dma_semaphore, #tpu.memory_space<semaphore_mem>>) src(%dma_wait3A_199 : memref<32x128xf32, #tpu.memory_space<vmem>>) dst(%dma_wait3A_195 : memref<32x128xf32, #tpu.memory_space<hbm>>)
    return
  }
}

module attributes {stable_mosaic.version = 14 : i64} {
  func.func @body(%arg0: i32, %arg1: memref<2000x128xf32, #tpu.memory_space<vmem>>, %arg2: memref<4x128x128xf32, #tpu.memory_space<vmem>>, %arg3: memref<4x2000x128xf32, #tpu.memory_space<vmem>>) attributes {dimension_semantics = [#tpu.dimension_semantics<arbitrary>], iteration_bounds = array<i64: 25>, scalar_prefetch = 0 : i64, scratch_operands = 0 : i64, tpu.core_type = #tpu.core_type<tc>, window_params = [{transform_indices = @transform_0, window_bounds = array<i64: 2000, 128>}, {pipeline_mode = #tpu.pipeline_mode<synchronous>, transform_indices = @transform_1, window_bounds = array<i64: 4, 128, 128>}, {transform_indices = @transform_2, window_bounds = array<i64: 4, 2000, 128>}]} {
    %get3A = arith.constant 0 : index
    %get3A_0 = arith.constant 0 : index
    %get3A_1 = vector.load %arg1[%get3A, %get3A_0] : memref<2000x128xf32, #tpu.memory_space<vmem>>, vector<2000x128xf32>
    %get3A_2 = arith.constant 0 : index
    %get3A_3 = arith.constant 0 : index
    %get3A_4 = arith.constant 0 : index
    %get3A_5 = vector.load %arg2[%get3A_2, %get3A_3, %get3A_4] : memref<4x128x128xf32, #tpu.memory_space<vmem>>, vector<1x128x128xf32>
    %get3A_6 = vector.shape_cast %get3A_5 : vector<1x128x128xf32> to vector<128x128xf32>
    %dot_general3A = arith.constant dense<0.000000e+00> : vector<2000x128xf32>
    %dot_general3A_7 = tpu.matmul %get3A_1, %get3A_6, %dot_general3A {dimension_numbers = #tpu.dot_dimension_numbers<[1], [0], [0], [1], [0, 0, 1, 1], [], []>, transpose_lhs_hint = false} : vector<2000x128xf32>, vector<128x128xf32>, vector<2000x128xf32> -> vector<2000x128xf32>
    %swap3A = arith.constant 0 : index
    %swap3A_8 = arith.constant 0 : index
    %swap3A_9 = arith.constant 0 : index
    %swap3A_10 = vector.load %arg3[%swap3A, %swap3A_8, %swap3A_9] : memref<4x2000x128xf32, #tpu.memory_space<vmem>>, vector<1x2000x128xf32>
    %swap3A_11 = vector.shape_cast %swap3A_10 : vector<1x2000x128xf32> to vector<2000x128xf32>
    %swap3A_12 = vector.shape_cast %dot_general3A_7 : vector<2000x128xf32> to vector<1x2000x128xf32>
    tpu.vector_store %arg3[%swap3A, %swap3A_8, %swap3A_9], %swap3A_12 {strides = array<i32>} : memref<4x2000x128xf32, #tpu.memory_space<vmem>>, vector<1x2000x128xf32>,
    %get3A_13 = arith.constant 1 : index
    %get3A_14 = arith.constant 0 : index
    %get3A_15 = arith.constant 0 : index
    %get3A_16 = vector.load %arg2[%get3A_13, %get3A_14, %get3A_15] : memref<4x128x128xf32, #tpu.memory_space<vmem>>, vector<1x128x128xf32>
    %get3A_17 = vector.shape_cast %get3A_16 : vector<1x128x128xf32> to vector<128x128xf32>
    %dot_general3A_18 = arith.constant dense<0.000000e+00> : vector<2000x128xf32>
    %dot_general3A_19 = tpu.matmul %get3A_1, %get3A_17, %dot_general3A_18 {dimension_numbers = #tpu.dot_dimension_numbers<[1], [0], [0], [1], [0, 0, 1, 1], [], []>, transpose_lhs_hint = false} : vector<2000x128xf32>, vector<128x128xf32>, vector<2000x128xf32> -> vector<2000x128xf32>
    %swap3A_20 = arith.constant 1 : index
    %swap3A_21 = arith.constant 0 : index
    %swap3A_22 = arith.constant 0 : index
    %swap3A_23 = vector.load %arg3[%swap3A_20, %swap3A_21, %swap3A_22] : memref<4x2000x128xf32, #tpu.memory_space<vmem>>, vector<1x2000x128xf32>
    %swap3A_24 = vector.shape_cast %swap3A_23 : vector<1x2000x128xf32> to vector<2000x128xf32>
    %swap3A_25 = vector.shape_cast %dot_general3A_19 : vector<2000x128xf32> to vector<1x2000x128xf32>
    tpu.vector_store %arg3[%swap3A_20, %swap3A_21, %swap3A_22], %swap3A_25 {strides = array<i32>} : memref<4x2000x128xf32, #tpu.memory_space<vmem>>, vector<1x2000x128xf32>,
    %get3A_26 = arith.constant 2 : index
    %get3A_27 = arith.constant 0 : index
    %get3A_28 = arith.constant 0 : index
    %get3A_29 = vector.load %arg2[%get3A_26, %get3A_27, %get3A_28] : memref<4x128x128xf32, #tpu.memory_space<vmem>>, vector<1x128x128xf32>
    %get3A_30 = vector.shape_cast %get3A_29 : vector<1x128x128xf32> to vector<128x128xf32>
    %dot_general3A_31 = arith.constant dense<0.000000e+00> : vector<2000x128xf32>
    %dot_general3A_32 = tpu.matmul %get3A_1, %get3A_30, %dot_general3A_31 {dimension_numbers = #tpu.dot_dimension_numbers<[1], [0], [0], [1], [0, 0, 1, 1], [], []>, transpose_lhs_hint = false} : vector<2000x128xf32>, vector<128x128xf32>, vector<2000x128xf32> -> vector<2000x128xf32>
    %swap3A_33 = arith.constant 2 : index
    %swap3A_34 = arith.constant 0 : index
    %swap3A_35 = arith.constant 0 : index
    %swap3A_36 = vector.load %arg3[%swap3A_33, %swap3A_34, %swap3A_35] : memref<4x2000x128xf32, #tpu.memory_space<vmem>>, vector<1x2000x128xf32>
    %swap3A_37 = vector.shape_cast %swap3A_36 : vector<1x2000x128xf32> to vector<2000x128xf32>
    %swap3A_38 = vector.shape_cast %dot_general3A_32 : vector<2000x128xf32> to vector<1x2000x128xf32>
    tpu.vector_store %arg3[%swap3A_33, %swap3A_34, %swap3A_35], %swap3A_38 {strides = array<i32>} : memref<4x2000x128xf32, #tpu.memory_space<vmem>>, vector<1x2000x128xf32>,
    %get3A_39 = arith.constant 3 : index
    %get3A_40 = arith.constant 0 : index
    %get3A_41 = arith.constant 0 : index
    %get3A_42 = vector.load %arg2[%get3A_39, %get3A_40, %get3A_41] : memref<4x128x128xf32, #tpu.memory_space<vmem>>, vector<1x128x128xf32>
    %get3A_43 = vector.shape_cast %get3A_42 : vector<1x128x128xf32> to vector<128x128xf32>
    %dot_general3A_44 = arith.constant dense<0.000000e+00> : vector<2000x128xf32>
    %dot_general3A_45 = tpu.matmul %get3A_1, %get3A_43, %dot_general3A_44 {dimension_numbers = #tpu.dot_dimension_numbers<[1], [0], [0], [1], [0, 0, 1, 1], [], []>, transpose_lhs_hint = false} : vector<2000x128xf32>, vector<128x128xf32>, vector<2000x128xf32> -> vector<2000x128xf32>
    %swap3A_46 = arith.constant 3 : index
    %swap3A_47 = arith.constant 0 : index
    %swap3A_48 = arith.constant 0 : index
    %swap3A_49 = vector.load %arg3[%swap3A_46, %swap3A_47, %swap3A_48] : memref<4x2000x128xf32, #tpu.memory_space<vmem>>, vector<1x2000x128xf32>
    %swap3A_50 = vector.shape_cast %swap3A_49 : vector<1x2000x128xf32> to vector<2000x128xf32>
    %swap3A_51 = vector.shape_cast %dot_general3A_45 : vector<2000x128xf32> to vector<1x2000x128xf32>
    tpu.vector_store %arg3[%swap3A_46, %swap3A_47, %swap3A_48], %swap3A_51 {strides = array<i32>} : memref<4x2000x128xf32, #tpu.memory_space<vmem>>, vector<1x2000x128xf32>,
    return
  }
  func.func @transform_0(%arg0: i32) -> (i32, i32) {
    %c0_i32 = arith.constant 0 : i32
    %c0_i32_0 = arith.constant 0 : i32
    return %arg0, %c0_i32 : i32, i32
  }
  func.func @transform_1(%arg0: i32) -> (i32, i32, i32) {
    %c0_i32 = arith.constant 0 : i32
    %c0_i32_0 = arith.constant 0 : i32
    %c0_i32_1 = arith.constant 0 : i32
    %c0_i32_2 = arith.constant 0 : i32
    return %c0_i32, %c0_i32_0, %c0_i32_1 : i32, i32, i32
  }
  func.func @transform_2(%arg0: i32) -> (i32, i32, i32) {
    %c0_i32 = arith.constant 0 : i32
    %c0_i32_0 = arith.constant 0 : i32
    %c0_i32_1 = arith.constant 0 : i32
    return %c0_i32, %arg0, %c0_i32_0 : i32, i32, i32
  }
}

</mosaic_0001>

<sc_bundles>
// kernel: kernel.4.cloned.1.call-start
scs
__scs_entry_jumppad:
0x0: {  	(pc) =	sbr.rel $0x88, $3  }
0x1: {  	(tag) =	ssettag $0x0;
	lr =	simm.s32 $0x1  }
0x2: {  	[smem:$0x3F9D] =	sst lr;
	_ =	strace $0xD0000000  }
0x3: {  	_ = 	snop  }
0x4: {  	_ = 	snop  }
0x5: {  	_ = 	snop  }
0x6: {  	_ = 	snop  }
0x7: {  	_ = 	snop  }
__scs_overlays_trampoline_lowered:
0x8: {  	[smem:$0x3FAC] =	sst s0  }
0x9: {  	[smem:$0x3FAD] =	sst s1  }
0xa: {  	[smem:$0x3FAE] =	sst s2  }
0xb: {  	[smem:$0x3FAF] =	sst s3  }
0xc: {  	[smem:$0x3FB0] =	sst s4  }
0xd: {  	[smem:$0x3FB1] =	sst s5  }
0xe: {  	[smem:$0x3FB2] =	sst s6  }
0xf: {  	[smem:$0x3FB3] =	sst s7  }
0x10: {  	[smem:$0x3FB4] =	sst s8  }
0x11: {  	[smem:$0x3FB5] =	sst s9;
	s0 =	simm.s32 @!p0 $0x0  }
0x12: {  	s1 =	sld [smem:$0x3F9B];
	s0 =	simm.s32 @p0 $0x1  }
0x13: {  	[smem:$0x3FB6] =	sst s0;
	s0 =	simm.s32 @!p1 $0x0  }
0x14: {  	s2 =	sld [smem:$0x3F9A];
	s0 =	simm.s32 @p1 $0x1  }
0x15: {  	[smem:$0x3FB7] =	sst s0;
	s0 =	simm.s32 @!p2 $0x0  }
0x16: {  	s3 =	sld [smem:$0x3FDB];
	s0 =	simm.s32 @p2 $0x1  }
0x17: {  	s4 =	simm.s32 $0x1BF5;
	[smem:$0x3FB9] =	sst s0  }
0x18: {  	s0 =	sld [smem:$0x3F9C];
	_ =	swait.ge [sflag:s4], $0x0  }
0x19: {  	s7 =	sld [smem:$0x3F9D]  }
0x1a: {  	s8 =	sadd.s32 $0xFFFFE003, lr  }
0x1b: {  	s9 =	sadd.s32 $0xFFFFFEF7, lr;
	s5 =	simm.s32 $0xFFFFFFFF;
	p2 =	slt.u32 s8, $0xFFFFF086  }
0x1c: {  	p1 =	slt.u32 s9, $0xF7A;
	s5 =	simm.s32 @!p2 $0x0  }
0x1d: {  	s5 =	simm.s32 @p1 $0x1;
	p0 =	seq.s32 s7, s2  }
0x1e: {  	s7 =	smul.u32 @!p0 $0xF7A, s2;
	p2 =	seq.s32 @!p0 s5, $0x0  }
0x1f: {  	s9 =	smul.u32 $0xF7A, s1;
	s8 =	simm.s32 @!p0 $0x1BF5;
	p2 =	por !p2, p0  }
0x20: {  	[sflag:s8] =	ssyncset.s32 @!p0 $0xFFFFF086;
	s6 =	sadd.s32 @!p0 s3, s7;
	s7 =	simm.s32 @!p0 $0x108  }
0x21: {  	s3 =	sadd.s32 s3, s9;
	s6 =	sadd.s32 @!p0 $0x88, s6;
	s7 =	simm.s32 @p2 $0x1082  }
0x22: {  	[simem:s7], [sflag:s8] =	dma.local @!p0 [hbm:s6], $0xF7A  }
0x23: {  	s9 =	sor.u32 $0xD0000000, s2;
	s6 =	simm.s32 $0x108;
	_ =	swait.ge @!p0 [sflag:s8], $0x0  }
0x24: {  	s3 =	sadd.s32 $0x88, s3;
	s6 =	simm.s32 @!p1 $0x1082;
	[sflag:s4] =	ssyncset.s32 $0xFFFFF086  }
0x25: {  	[simem:s6], [sflag:s4] =	dma.local [hbm:s3], $0xF7A  }
0x26: {  	[smem:$0x3F9D] =	sst s1;
	(tag) =	ssettag s2;
	_ =	strace s9  }
0x27: {  	s1 =	sld [smem:$0x3FAD]  }
0x28: {  	s2 =	sld [smem:$0x3FAE]  }
0x29: {  	s4 =	sld [smem:$0x3FB0]  }
0x2a: {  	p0 =	seq.s32 s5, $0x0;
	s5 =	sld [smem:$0x3FB1]  }
0x2b: {  	s6 =	sld [smem:$0x3FB2]  }
0x2c: {  	s7 =	sld [smem:$0x3FB3]  }
0x2d: {  	s3 =	simm.s32 $0x108;
	s8 =	sld [smem:$0x3FB4]  }
0x2e: {  	s3 =	simm.s32 @!p0 $0x1082;
	s9 =	sld [smem:$0x3FB5]  }
0x2f: {  	lr =	sadd.s32 s0, s3;
	s0 =	sld [smem:$0x3FAC]  }
0x30: {  	s3 =	sld [smem:$0x3FAF]  }
0x31: {  	[smem:$0x3FB8] =	sst s10  }
0x32: {  	s10 =	sld [smem:$0x3FB6];
	_ =	sdelay $0x3  }
0x33: {  	p0 =	seq.s32 s10, $0x1;
	s10 =	sld [smem:$0x3FB8];
	_ =	sdelay $0x3  }
0x34: {  	[smem:$0x3FB8] =	sst s10  }
0x35: {  	s10 =	sld [smem:$0x3FB7];
	_ =	sdelay $0x3  }
0x36: {  	p1 =	seq.s32 s10, $0x1;
	s10 =	sld [smem:$0x3FB8];
	_ =	sdelay $0x3  }
0x37: {  	[smem:$0x3FB8] =	sst s10  }
0x38: {  	s10 =	sld [smem:$0x3FB9]  }
0x39: {  	_ = 	snop;
	(pc) =	sbr.ind lr, $3  }
0x3a: {  	_ = 	snop  }
0x3b: {  	_ = 	snop  }
0x3c: {  	p2 =	seq.s32 s10, $0x1;
	s10 =	sld [smem:$0x3FB8]  }
0x3d: {  	_ =	shalt  }
0x3e: {  	_ =	shalt  }
0x3f: {  	_ =	shalt  }
0x40: {  	_ =	shalt  }
0x41: {  	_ =	shalt  }
0x42: {  	_ =	shalt  }
0x43: {  	_ =	shalt  }
0x44: {  	_ =	shalt  }
0x45: {  	_ =	shalt  }
0x46: {  	_ =	shalt  }
0x47: {  	_ =	shalt  }
0x48: {  	_ =	shalt  }
0x49: {  	_ =	shalt  }
0x4a: {  	_ =	shalt  }
0x4b: {  	_ =	shalt  }
0x4c: {  	_ =	shalt  }
0x4d: {  	_ =	shalt  }
0x4e: {  	_ =	shalt  }
0x4f: {  	_ =	shalt  }
0x50: {  	_ =	shalt  }
0x51: {  	_ =	shalt  }
0x52: {  	_ =	shalt  }
0x53: {  	_ =	shalt  }
0x54: {  	_ =	shalt  }
0x55: {  	_ =	shalt  }
0x56: {  	_ =	shalt  }
0x57: {  	_ =	shalt  }
0x58: {  	_ =	shalt  }
0x59: {  	_ =	shalt  }
0x5a: {  	_ =	shalt  }
0x5b: {  	_ =	shalt  }
0x5c: {  	_ =	shalt  }
0x5d: {  	_ =	shalt  }
0x5e: {  	_ =	shalt  }
0x5f: {  	_ =	shalt  }
0x60: {  	_ =	shalt  }
0x61: {  	_ =	shalt  }
0x62: {  	_ =	shalt  }
0x63: {  	_ =	shalt  }
0x64: {  	_ =	shalt  }
0x65: {  	_ =	shalt  }
0x66: {  	_ =	shalt  }
0x67: {  	_ =	shalt  }
0x68: {  	_ =	shalt  }
0x69: {  	_ =	shalt  }
0x6a: {  	_ =	shalt  }
0x6b: {  	_ =	shalt  }
0x6c: {  	_ =	shalt  }
0x6d: {  	_ =	shalt  }
0x6e: {  	_ =	shalt  }
0x6f: {  	_ =	shalt  }
0x70: {  	_ =	shalt  }
0x71: {  	_ =	shalt  }
0x72: {  	_ =	shalt  }
0x73: {  	_ =	shalt  }
0x74: {  	_ =	shalt  }
0x75: {  	_ =	shalt  }
0x76: {  	_ =	shalt  }
0x77: {  	_ =	shalt  }
0x78: {  	_ =	shalt  }
0x79: {  	_ =	shalt  }
0x7a: {  	_ =	shalt  }
0x7b: {  	_ =	shalt  }
0x7c: {  	_ =	shalt  }
0x7d: {  	_ =	shalt  }
0x7e: {  	_ =	shalt  }
0x7f: {  	_ =	shalt  }
0x80: {  	_ =	shalt  }
0x81: {  	_ =	shalt  }
0x82: {  	_ =	shalt  }
0x83: {  	_ =	shalt  }
0x84: {  	_ =	shalt  }
0x85: {  	_ =	shalt  }
0x86: {  	_ =	shalt  }
0x87: {  	_ =	shalt  }
.Lfunc_end0:
.L_simem_size_0:
called_computation_lowered:
.L_overlay_start_0:
0x88: {  	s2 =	sld [smem:$0x3FD9]  }
0x89: {  	s3 =	sld [smem:$0x3FFE];
	_ =	sdelay $0x1  }
0x8a: {  	s1 =	srdreg.scid  }
0x8b: {  	s0 =	sand.u32 $0x1, s1  }
0x8c: {  	s17 =	sshll.u32 s0, $0xA;
	s2 =	sadd.s32 s3, s2  }
0x8d: {  	s2 =	sadd.s32 s2, s17  }
0x8e: {  	[smem:$0x3FC4] =	sst s2  }
0x8f: {  	_ = 	snop  }
0x90: {  	s2 =	sld [smem:$0x3FC6]  }
0x91: {  	s18 =	sld [smem:$0x3FD0];
	(tm) =	ssettm $0x1  }
0x92: {  	s4 =	sld [smem:$0x3FFB];
	_ =	sdelay $0x3  }
0x93: {  	_ =	strace s4  }
0x94: {  	s4 =	sld [smem:$0x3FFC];
	_ =	sdelay $0x3  }
0x95: {  	_ =	strace s4  }
0x96: {  	s4 =	sld [smem:$0x3FFD];
	_ =	sdelay $0x3  }
0x97: {  	_ =	strace s4  }
0x98: {  	_ =	strace $0x8FFFFFFF  }
0x99: {  	s19 =	sld [smem:$0x3FDB];
	_ =	sdelay $0x1  }
0x9a: {  	s5 =	simm.s32 $_scs_section_size  }
0x9b: {  	s6 =	simm.s32 $_size__tile_overlayer_lowered;
	s7 =	simm.s32 $_tile_overlayer_lowered  }
0x9c: {  	s22 =	simm.s32 $0x1BFF;
	s21 =	sshll.u32 s7, $0x1;
	s4 =	sadd.s32 s5, s19  }
0x9d: {  	s8 =	simm.s32 $0x0;
	s20 =	sshll.u32 s6, $0x1;
	s6 =	sadd.s32 s21, s4  }
0x9e: {  	[timem:s8], [sflag:s22] =	dma.local [hbm:s6], s20  }
0x9f: {  	_ =	swait.ge [sflag:s22], s20  }
0xa0: {  	s5 =	ssub.s32 $0x0, s20;
	[sflag:s22] =	ssyncset.done $0x0  }
0xa1: {  	[sflag:s22] =	ssyncadd.s32 s5;
	_ =	sdelay $0x1  }
0xa2: {  	s23 =	simm.s32 $0x1B8B  }
0xa3: {  	_ =	swait.ge [sflag:s23], $0x1  }
0xa4: {  	[sflag:s23] =	ssyncset.done $0x0  }
0xa5: {  	s25 =	simm.s32 $0x1B8E;
	s24 =	sld [smem:$0x3FFE];
	[sflag:s23] =	ssyncadd.s32 $0xFFFFFFFF  }
0xa6: {  	s26 =	simm.s32 $execute0_lowered;
	[smem:$0x3FD2] =	sst s25  }
0xa7: {  	s6 =	sshll.u32 s26, $0x1;
	_ =	strace $0x80000046;
	[dreg:$0x1] =	wrdreg $0xFFFFFFFF  }
0xa8: {  	s28 =	simm.s32 $_size_execute0_lowered;
	s4 =	sadd.s32 s4, s6;
	[dreg:$0x0] =	wrdreg $0x0  }
0xa9: {  	s6 =	sshll.u32 s28, $0x1;
	[dreg:$0x2] =	wrdreg s4  }
0xaa: {  	[dreg:$0x3] =	wrdreg s6  }
0xab: {  	[dreg:$0x4] =	wrdreg $0xC0  }
0xac: {  	_ =	task [dreg:s8], $0x5FFFF  }
0xad: {  	[dreg:$0x1] =	wrdreg $0xFFFFFFFF  }
0xae: {  	[dreg:$0x0] =	wrdreg $0x60  }
0xaf: {  	[dreg:$0x2] =	wrdreg s24  }
0xb0: {  	[dreg:$0x3] =	wrdreg s2  }
0xb1: {  	[dreg:$0x4] =	wrdreg s18  }
0xb2: {  	[dreg:$0x5] =	wrdreg $0x9  }
0xb3: {  	_ =	task.clear_ibuf [dreg:s8], $0x6FFFF;
	_ =	strace $0x90000046  }
0xb4: {  	s29 =	simm.s32 $0x9;
	_ =	strace $0x80000048  }
0xb5: {  	_ =	swait.ge [sflag:s29], $0x1  }
0xb6: {  	[sflag:s29] =	ssyncadd.s32 $0xFFFFFFFF  }
0xb7: {  	_ =	strace $0x90000048  }
0xb8: {  	_ =	sfence  }
0xb9: {  	s30 =	sld [smem:$0x0];
	_ =	sdelay $0x2  }
0xba: {  	s31 =	sshll.u32 s1, $0xD;
	s1 =	sshrl.u32 s1, $0x2  }
0xbb: {  	s3 =	sand.u32 $0x4000, s31;
	s1 =	sadd.s32 s1, s30  }
0xbc: {  	s0 =	sor.u32 s3, s0;
	s1 =	sshll.u32 s1, $0x11  }
0xbd: {  	s0 =	sor.u32 s1, s0  }
0xbe: {  	s0 =	sadd.s32 $0x8F2B, s0  }
0xbf: {  	[sflag:s0] =	ssyncadd.remote.s32 $0x1  }
0xc0: {  	_ =	sfence.sel $0xFFFF  }
0xc1: {  	[dreg:$0x0] =	wrdreg $0xFFFFFFFF;
	(pc) =	sbr.abs _section_cstart, $3  }
0xc2: {  	[dreg:$0x1] =	wrdreg $0xFFFFFFFF  }
0xc3: {  	_ =	task.clear_ibuf [dreg:s8], $0x2FFFF;
	_ =	strace $0x9FFFFFFF  }
0xc4: {  	(tm) =	ssettm $0x7FFFFFFF  }
0xc5: {  	_ =	shalt  }
tec
execute0_lowered:
.L_overlay_start_1:
0x0: {  	(tag) =	ssettag $0x1  }
0x1: {  	s0 =	rddreg [dreg:$0x0];
	s1 =	srdreg.scid  }
0x2: {  	s2 =	stileid.u32;
	s3 =	rddreg [dreg:$0x2]  }
0x3: {  	s4 =	simm.s32 $0x0;
	s13 =	simm.s32 $0xC60;
	s14 =	simm.s32 $0x18C0  }
0x4: {  	s15 =	simm.s32 $0x2520;
	s17 =	simm.s32 $0x3;
	s18 =	simm.s32 $0x1  }
0x5: {  	s19 =	simm.s32 $0x20;
	s1 =	sand.u32 $0x1, s1;
	s2 =	sshll.u32 s2, $0x1  }
0x6: {  	s16 =	simm.s32 $0x2;
	s20 =	simm.s32 $0x0;
	s2 =	sor.u32 s1, s2  }
0x7: {  	[smem:$0x7FF] =	sst s4;
	s6 =	sadd.s32 $0xCC00, s0;
	s7 =	smul.u32 $0xC60, s2  }
0x8: {  	_ =	strace $0x80000047;
	s1 =	ssub.s32 $0x2, s1;
	s5 =	smul.u32 $0x63, s2  }
.Ltmp0:
0x9: {  	s30 =	sshrl.u32 s1, $0x1;
	s2 =	simm.s32 $0x11180;
	(pc) =	sbr.rel .LBB2_1-.Ltmp0, $4  }
0xa: {  	s1 =	ssub.s32 s1, s30;
	s29 =	sshrl.u32 s7, $0x3;
	s31 =	ssub.s32 $0xC35, s5  }
0xb: {  	s12 =	smax.u32 s1, $0x1;
	s1 =	simm.s32 $0xF180;
	s0 =	sadd.s32 s29, s0  }
0xc: {  	s7 =	smin.u32 s31, $0x63;
	s8 =	sadd.s32 $0x600, s0;
	s9 =	sadd.s32 $0x3780, s0  }
0xd: {  	s10 =	sadd.s32 $0x6900, s0;
	s11 =	sadd.s32 $0x9A80, s0;
	s0 =	simm.s32 $0x10180  }
.LBB2_15:
0xe: {  	_ =	swait.ge [sflag:s16], $0x1000  }
0xf: {  	[sflag:s16] =	ssyncset.done $0x0  }
0x10: {  	s20 =	sadd.s32 $0x1, s20;
	[sflag:s16] =	ssyncadd.s32 $0xFFFFF000  }
0x11: {  	p0 =	sne.s32 s20, s12;
	_ =	swait.ge [sflag:s16], $0x1000  }
.Ltmp1:
0x12: {  	[sflag:s16] =	ssyncset.done $0x0;
	(pc) =	sbr.rel @!p0 .LBB2_16-.Ltmp1, $4  }
0x13: {  	[sflag:s16] =	ssyncadd.s32 $0xFFFFF000  }
0x14: {  	_ =	swait.ge [sflag:s16], $0x1000  }
0x15: {  	[sflag:s16] =	ssyncset.done $0x0  }
0x16: {  	[sflag:s16] =	ssyncadd.s32 $0xFFFFF000  }
.LBB2_1:
0x17: {  	[tilespmem:s4], [sflag:$0x1] =	stream.linear.gather [hbm4b:s8+s4], $0xC60, $0x38;
	[tilespmem:$0x12200] =	vst v63  }
0x18: {  	_ = 	snop  }
0x19: {  	[tilespmem:s13], [sflag:$0x1] =	stream.linear.gather [hbm4b:s9+s4], $0xC60, $0x38;
	[tilespmem:$0x12200] =	vst v63  }
0x1a: {  	_ = 	snop  }
0x1b: {  	[tilespmem:s14], [sflag:$0x1] =	stream.linear.gather [hbm4b:s10+s4], $0xC60, $0x38;
	[tilespmem:$0x12200] =	vst v63  }
0x1c: {  	_ = 	snop  }
0x1d: {  	[tilespmem:s15], [sflag:$0x1] =	stream.linear.gather [hbm4b:s11+s4], $0xC60, $0x38;
	[tilespmem:$0x12200] =	vst v63  }
0x1e: {  	s21 =	rddreg [dreg:$0x1];
	s22 =	simm.s32 $0x12180  }
0x1f: {  	[tilespmem:s22], [sflag:$0x3] =	stream.linear.gather [hbm4b:s21+s4], $0x80, $0x38;
	[tilespmem:$0x12200] =	vst v63  }
0x20: {  	_ =	swait.ge [sflag:s17], $0x80  }
0x21: {  	[sflag:s17] =	ssyncset.done $0x0  }
0x22: {  	[sflag:s17] =	ssyncadd.s32 $0xFFFFFF80  }
0x23: {  	_ =	swait.ge [sflag:s18], $0x3180  }
0x24: {  	[sflag:s18] =	ssyncset.done $0x0  }
0x25: {  	[sflag:s18] =	ssyncadd.s32 $0xFFFFCE80  }
0x26: {  	v0 =	vld [tilespmem:$0x12180]  }
0x27: {  	v1 =	vld [tilespmem:$0x12190]  }
0x28: {  	v2 =	vld [tilespmem:$0x121A0]  }
0x29: {  	v3 =	vld [tilespmem:$0x121B0]  }
0x2a: {  	v4 =	vld [tilespmem:$0x121C0]  }
0x2b: {  	v5 =	vld [tilespmem:$0x121D0]  }
0x2c: {  	s30 =	simm.s32 $0x3180;
	v6 =	vld [tilespmem:$0x121E0]  }
0x2d: {  	v7 =	vld [tilespmem:$0x121F0];
	[tilespmem:s30], [sflag:$0x1] =	stream.indirect.gather [hbm4b:s6+s19], $0x80, s4, s19, $0xb8  }
0x2e: {  	s31 =	simm.s32 $0x4180  }
0x2f: {  	[tilespmem:s31], [sflag:$0x1] =	stream.indirect.gather [hbm4b:s6+s19], $0x80, s13, s19, $0xb8;
	[tilespmem:$0x12200] =	vst v63  }
0x30: {  	s22 =	simm.s32 $0x5180  }
0x31: {  	[tilespmem:s22], [sflag:$0x1] =	stream.indirect.gather [hbm4b:s6+s19], $0x80, s14, s19, $0xb8;
	[tilespmem:$0x12200] =	vst v63  }
0x32: {  	s23 =	simm.s32 $0x6180  }
0x33: {  	[tilespmem:s23], [sflag:$0x1] =	stream.indirect.gather [hbm4b:s6+s19], $0x80, s15, s19, $0xb8;
	[tilespmem:$0x12200] =	vst v63  }
0x34: {  	s24 =	simm.s32 $0x7180  }
0x35: {  	[tilespmem:s24], [sflag:$0x1] =	stream.indirect.gather [hbm4b:s6+s19], $0x80, s19, s19, $0xb8;
	[tilespmem:$0x12200] =	vst v63  }
0x36: {  	s25 =	simm.s32 $0xC80;
	s26 =	simm.s32 $0x8180  }
0x37: {  	[tilespmem:s26], [sflag:$0x1] =	stream.indirect.gather [hbm4b:s6+s19], $0x80, s25, s19, $0xb8;
	[tilespmem:$0x12200] =	vst v63  }
.Ltmp2:
0x38: {  	_ = 	snop;
	(pc) =	sbr.rel .LBB2_2-.Ltmp2, $4  }
0x39: {  	s28 =	simm.s32 $0x18E0;
	s29 =	simm.s32 $0x9180  }
0x3a: {  	[tilespmem:s29], [sflag:$0x1] =	stream.indirect.gather [hbm4b:s6+s19], $0x80, s28, s19, $0xb8;
	[tilespmem:$0x12200] =	vst v63  }
0x3b: {  	s21 =	simm.s32 $0x0;
	s30 =	simm.s32 $0x2540;
	s31 =	simm.s32 $0xA180  }
0x3c: {  	[tilespmem:s31], [sflag:$0x1] =	stream.indirect.gather [hbm4b:s6+s19], $0x80, s30, s19, $0xb8;
	[tilespmem:$0x12200] =	vst v63  }
.LBB2_14:
0x3d: {  	s21 =	sadd.s32 $0x1, s21  }
0x3e: {  	p0 =	sne.s32 s21, $0x21  }
.Ltmp3:
0x3f: {  	_ = 	snop;
	(pc) =	sbr.rel @!p0 .LBB2_15-.Ltmp3, $1  }
0x40: {  	_ =	sdelay $0x3  }
.LBB2_2:
0x41: {  	s23 =	smul.u32 $0x3, s21;
	_ =	sdelay $0x1  }
0x42: {  	p1 =	sge.u32 s23, s7  }
.Ltmp4:
0x43: {  	_ = 	snop;
	(pc) =	sbr.rel @p1 .LBB2_6-.Ltmp4, $3  }
0x44: {  	_ =	sdelay $0x1  }
0x45: {  	s22 =	sadd.s32 $0x2, s23  }
0x46: {  	p0 =	sge.u32 s22, s7  }
0x47: {  	s24 =	sshll.u32 @!p0 s22, $0x5  }
0x48: {  	s25 =	simm.s32 @!p0 $0x20;
	s26 =	simm.s32 @!p0 $0xB180;
	s24 =	sand.u32 @!p0 $0x3FFFFFE0, s24  }
0x49: {  	[tilespmem:s26], [sflag:$0x1] =	stream.indirect.gather @!p0 [hbm4b:s6+s25], $0x80, s24, s25, $0xb8;
	[tilespmem:$0x12200] =	vst v63  }
0x4a: {  	s28 =	simm.s32 @!p0 $0xC180;
	s26 =	sadd.s32 @!p0 $0xC60, s24  }
0x4b: {  	[tilespmem:s28], [sflag:$0x1] =	stream.indirect.gather @!p0 [hbm4b:s6+s25], $0x80, s26, s25, $0xb8;
	[tilespmem:$0x12200] =	vst v63  }
0x4c: {  	s26 =	sadd.s32 @!p0 $0x18C0, s24;
	s28 =	simm.s32 @!p0 $0xD180  }
0x4d: {  	[tilespmem:s28], [sflag:$0x1] =	stream.indirect.gather @!p0 [hbm4b:s6+s25], $0x80, s26, s25, $0xb8;
	[tilespmem:$0x12200] =	vst v63  }
0x4e: {  	s24 =	sadd.s32 @!p0 $0x2520, s24;
	s26 =	simm.s32 @!p0 $0xE180  }
0x4f: {  	[tilespmem:s26], [sflag:$0x1] =	stream.indirect.gather @!p0 [hbm4b:s6+s25], $0x80, s24, s25, $0xb8;
	[tilespmem:$0x12200] =	vst v63  }
0x50: {  	_ =	swait.ge [sflag:s18], $0x4000  }
0x51: {  	p1 =	seq.s32 s21, $0x0;
	[sflag:s18] =	ssyncset.done $0x0  }
0x52: {  	s24 =	simm.s32 @!p1 $0x2;
	[sflag:s18] =	ssyncadd.s32 $0xFFFFC000  }
0x53: {  	_ =	swait.ge @!p1 [sflag:s24], $0x1000  }
0x54: {  	[sflag:s24] =	ssyncset.done @!p1 $0x0  }
0x55: {  	s25 =	simm.s32 $0x5180;
	[sflag:s24] =	ssyncadd.s32 @!p1 $0xFFFFF000  }
0x56: {  	v8 =	vld [tilespmem:s25+$0xFFFFE180]  }
0x57: {  	v9 =	vld [tilespmem:s25+$0xFFFFF180];
	_ =	sdelay $0x1  }
0x58: {  	v10 =	vld [tilespmem:s25+$0x180];
	_ =	sdelay $0x1  }
0x59: {  	v11 =	vld [tilespmem:s25+$0x1180]  }
0x5a: {  	v8 =	vadd.f32 v9, v8  }
0x5b: {  	v12 =	vld [tilespmem:s25+$0xFFFFE000]  }
0x5c: {  	v13 =	vld [tilespmem:s25+$0x0];
	v8 =	vadd.f32 v10, v8  }
0x5d: {  	v14 =	vld [tilespmem:s25+$0x80]  }
0x5e: {  	v16 =	vld [tilespmem:s25+$0x1000];
	v8 =	vadd.f32 v11, v8  }
0x5f: {  	s26 =	simm.s32 $0x5380;
	v17 =	vld [tilespmem:s25+$0x1080]  }
0x60: {  	v21 =	vld [tilespmem:s26+$0xFFFFE180];
	v8 =	vadd.f32 v8, v0  }
0x61: {  	v9 =	vld [tilespmem:s25+$0xFFFFF000]  }
0x62: {  	s24 =	simm.s32 $0xF280;
	v10 =	vld [tilespmem:s25+$0xFFFFE080];
	v8 =	vmax.f32 v8, $0.0e+00  }
0x63: {  	v11 =	vld [tilespmem:s25+$0xFFFFF080];
	[tilespmem:s24+$0x80] =	vst v8  }
0x64: {  	v8 =	vld [tilespmem:s25+$0xFFFFE190]  }
0x65: {  	v15 =	vld [tilespmem:s25+$0xFFFFF190]  }
0x66: {  	v22 =	vld [tilespmem:s26+$0xFFFFF180]  }
0x67: {  	v9 =	vadd.f32 v9, v12;
	v12 =	vld [tilespmem:s25+$0x190]  }
0x68: {  	v24 =	vld [tilespmem:s26+$0x180]  }
0x69: {  	v10 =	vadd.f32 v11, v10;
	v11 =	vld [tilespmem:s25+$0x1190]  }
0x6a: {  	v9 =	vadd.f32 v13, v9;
	v13 =	vld [tilespmem:s25+$0xFFFFE100];
	v8 =	vadd.f32 v15, v8  }
0x6b: {  	v15 =	vld [tilespmem:s25+$0xFFFFF100]  }
0x6c: {  	v25 =	vld [tilespmem:s26+$0xFFFFF000];
	v9 =	vadd.f32 v16, v9;
	v8 =	vadd.f32 v12, v8  }
0x6d: {  	v10 =	vadd.f32 v14, v10;
	v12 =	vld [tilespmem:s25+$0x100]  }
0x6e: {  	v26 =	vld [tilespmem:s26+$0x1180];
	v9 =	vadd.f32 v9, v0;
	v8 =	vadd.f32 v11, v8  }
0x6f: {  	v10 =	vadd.f32 v17, v10;
	v11 =	vld [tilespmem:s25+$0x1100]  }
0x70: {  	v27 =	vld [tilespmem:s26+$0xFFFFE080];
	v9 =	vmax.f32 v9, $0.0e+00;
	v13 =	vadd.f32 v15, v13;
	v8 =	vadd.f32 v8, v1  }
0x71: {  	v54 =	vld [tilespmem:s26+$0xFFFFF080];
	[tilespmem:s24+$0xFFFFFF00] =	vst v9;
	v10 =	vadd.f32 v10, v0  }
0x72: {  	v16 =	vld [tilespmem:s25+$0x10];
	v12 =	vadd.f32 v12, v13;
	v8 =	vmax.f32 v8, $0.0e+00  }
0x73: {  	v9 =	vmax.f32 v10, $0.0e+00;
	v10 =	vld [tilespmem:s25+$0xFFFFE010];
	[tilespmem:s24+$0x90] =	vst v8  }
0x74: {  	v8 =	vadd.f32 v11, v12;
	v11 =	vld [tilespmem:s25+$0xFFFFE1A0]  }
0x75: {  	v12 =	vld [tilespmem:s25+$0xFFFFF1A0]  }
0x76: {  	[tilespmem:s24+$0xFFFFFF80] =	vst v9;
	v9 =	vld [tilespmem:s25+$0xFFFFF010];
	v8 =	vadd.f32 v8, v0  }
0x77: {  	v15 =	vld [tilespmem:s25+$0x1A0]  }
0x78: {  	v14 =	vld [tilespmem:s25+$0xFFFFF090];
	v8 =	vmax.f32 v8, $0.0e+00  }
0x79: {  	[tilespmem:s24+$0x0] =	vst v8;
	v8 =	vld [tilespmem:s25+$0x11A0]  }
0x7a: {  	v13 =	vld [tilespmem:s25+$0xFFFFE090];
	v11 =	vadd.f32 v12, v11  }
0x7b: {  	v12 =	vld [tilespmem:s25+$0x1010]  }
0x7c: {  	v9 =	vadd.f32 v9, v10;
	v17 =	vld [tilespmem:s25+$0xFFFFE110];
	v10 =	vadd.f32 v15, v11  }
0x7d: {  	v11 =	vld [tilespmem:s25+$0x90]  }
0x7e: {  	v9 =	vadd.f32 v16, v9;
	v18 =	vld [tilespmem:s25+$0xFFFFF110];
	v8 =	vadd.f32 v8, v10  }
0x7f: {  	v10 =	vadd.f32 v14, v13;
	v13 =	vld [tilespmem:s25+$0x1090]  }
0x80: {  	v28 =	vld [tilespmem:s26+$0xFFFFE100];
	v9 =	vadd.f32 v12, v9;
	v8 =	vadd.f32 v8, v2  }
0x81: {  	v15 =	vld [tilespmem:s25+$0x110]  }
0x82: {  	v55 =	vld [tilespmem:s26+$0xFFFFF100];
	v10 =	vadd.f32 v11, v10;
	v9 =	vadd.f32 v9, v1;
	v8 =	vmax.f32 v8, $0.0e+00  }
0x83: {  	v14 =	vld [tilespmem:s25+$0x1110];
	[tilespmem:s24+$0xA0] =	vst v8  }
0x84: {  	v12 =	vadd.f32 v18, v17;
	v10 =	vadd.f32 v13, v10;
	v9 =	vmax.f32 v9, $0.0e+00;
	v11 =	vld [tilespmem:s25+$0xFFFFE1B0]  }
0x85: {  	[tilespmem:s24+$0xFFFFFF10] =	vst v9;
	v9 =	vld [tilespmem:s25+$0xFFFFF1B0]  }
0x86: {  	v8 =	vadd.f32 v15, v12;
	v13 =	vld [tilespmem:s25+$0x1B0];
	v10 =	vadd.f32 v10, v1  }
0x87: {  	v12 =	vld [tilespmem:s25+$0xFFFFE020]  }
0x88: {  	v8 =	vadd.f32 v14, v8;
	v14 =	vld [tilespmem:s25+$0xFFFFF020];
	v10 =	vmax.f32 v10, $0.0e+00  }
0x89: {  	[tilespmem:s24+$0xFFFFFF90] =	vst v10;
	v10 =	vld [tilespmem:s25+$0x11B0]  }
0x8a: {  	v16 =	vld [tilespmem:s25+$0x20];
	v8 =	vadd.f32 v8, v1;
	v9 =	vadd.f32 v9, v11  }
0x8b: {  	v18 =	vld [tilespmem:s25+$0x1020]  }
0x8c: {  	v8 =	vmax.f32 v8, $0.0e+00;
	v15 =	vld [tilespmem:s25+$0xFFFFE0A0];
	v9 =	vadd.f32 v13, v9  }
0x8d: {  	[tilespmem:s24+$0x10] =	vst v8;
	v8 =	vld [tilespmem:s25+$0xFFFFF0A0]  }
0x8e: {  	v12 =	vadd.f32 v14, v12;
	v14 =	vld [tilespmem:s25+$0x10A0];
	v9 =	vadd.f32 v10, v9  }
0x8f: {  	v11 =	vld [tilespmem:s25+$0xFFFFE120]  }
0x90: {  	v13 =	vld [tilespmem:s25+$0xFFFFF120];
	v9 =	vadd.f32 v9, v3  }
0x91: {  	v10 =	vld [tilespmem:s25+$0xA0]  }
0x92: {  	v17 =	vld [tilespmem:s25+$0x120];
	v9 =	vmax.f32 v9, $0.0e+00  }
0x93: {  	v19 =	vld [tilespmem:s25+$0x1120];
	[tilespmem:s24+$0xB0] =	vst v9  }
0x94: {  	v8 =	vadd.f32 v8, v15;
	v9 =	vadd.f32 v16, v12;
	v12 =	vld [tilespmem:s25+$0xFFFFE1C0]  }
0x95: {  	v11 =	vadd.f32 v13, v11;
	v13 =	vld [tilespmem:s25+$0xFFFFF1C0]  }
0x96: {  	v29 =	vld [tilespmem:s26+$0xFFFFE000];
	v8 =	vadd.f32 v10, v8;
	v9 =	vadd.f32 v18, v9  }
0x97: {  	v10 =	vadd.f32 v17, v11;
	v11 =	vld [tilespmem:s25+$0x1C0]  }
0x98: {  	v56 =	vld [tilespmem:s26+$0x0];
	v8 =	vadd.f32 v14, v8;
	v9 =	vadd.f32 v9, v2  }
0x99: {  	v10 =	vadd.f32 v19, v10;
	v14 =	vld [tilespmem:s25+$0x11C0]  }
0x9a: {  	v30 =	vld [tilespmem:s26+$0x100];
	v8 =	vadd.f32 v8, v2;
	v9 =	vmax.f32 v9, $0.0e+00;
	v12 =	vadd.f32 v13, v12  }
0x9b: {  	v57 =	vld [tilespmem:s26+$0x1080];
	[tilespmem:s24+$0xFFFFFF20] =	vst v9  }
0x9c: {  	v8 =	vmax.f32 v8, $0.0e+00;
	v9 =	vadd.f32 v10, v2;
	v10 =	vld [tilespmem:s25+$0xFFFFE030];
	v11 =	vadd.f32 v11, v12  }
0x9d: {  	[tilespmem:s24+$0xFFFFFFA0] =	vst v8;
	v8 =	vld [tilespmem:s25+$0xFFFFF030]  }
0x9e: {  	v12 =	vld [tilespmem:s25+$0xFFFFE0B0];
	v11 =	vadd.f32 v14, v11  }
0x9f: {  	v15 =	vld [tilespmem:s25+$0x30]  }
0xa0: {  	v21 =	vadd.f32 v22, v21;
	v16 =	vld [tilespmem:s25+$0xB0];
	v9 =	vmax.f32 v9, $0.0e+00;
	v11 =	vadd.f32 v11, v4  }
0xa1: {  	[tilespmem:s24+$0x20] =	vst v9;
	v9 =	vld [tilespmem:s25+$0xFFFFF0B0]  }
0xa2: {  	v21 =	vadd.f32 v24, v21;
	v18 =	vld [tilespmem:s25+$0x1030];
	v11 =	vmax.f32 v11, $0.0e+00  }
0xa3: {  	v19 =	vld [tilespmem:s25+$0x10B0];
	[tilespmem:s24+$0xC0] =	vst v11  }
0xa4: {  	v21 =	vadd.f32 v26, v21;
	v11 =	vld [tilespmem:s25+$0xFFFFE1D0]  }
0xa5: {  	v17 =	vld [tilespmem:s25+$0xFFFFF1D0]  }
0xa6: {  	v21 =	vadd.f32 v21, v0;
	v13 =	vld [tilespmem:s25+$0xFFFFE130];
	v9 =	vadd.f32 v9, v12  }
0xa7: {  	v8 =	vadd.f32 v8, v10;
	v10 =	vld [tilespmem:s25+$0x1D0]  }
0xa8: {  	s28 =	simm.s32 $0xF480;
	v21 =	vmax.f32 v21, $0.0e+00;
	v14 =	vld [tilespmem:s25+$0xFFFFF130];
	v9 =	vadd.f32 v16, v9  }
0xa9: {  	[tilespmem:s28+$0x80] =	vst v21;
	v8 =	vadd.f32 v15, v8;
	v12 =	vld [tilespmem:s25+$0x11D0]  }
0xaa: {  	v21 =	vld [tilespmem:s26+$0xFFFFE190];
	v9 =	vadd.f32 v19, v9;
	v11 =	vadd.f32 v17, v11  }
0xab: {  	v15 =	vld [tilespmem:s25+$0x130];
	v8 =	vadd.f32 v18, v8  }
0xac: {  	v59 =	vld [tilespmem:s26+$0xFFFFF190];
	v9 =	vadd.f32 v9, v3;
	v10 =	vadd.f32 v10, v11  }
0xad: {  	v8 =	vadd.f32 v8, v3;
	v11 =	vld [tilespmem:s25+$0x1130]  }
0xae: {  	v61 =	vld [tilespmem:s26+$0x190];
	v13 =	vadd.f32 v14, v13;
	v9 =	vmax.f32 v9, $0.0e+00;
	v10 =	vadd.f32 v12, v10  }
0xaf: {  	v32 =	vld [tilespmem:s26+$0x1190];
	v8 =	vmax.f32 v8, $0.0e+00;
	[tilespmem:s24+$0xFFFFFFB0] =	vst v9  }
0xb0: {  	[tilespmem:s24+$0xFFFFFF30] =	vst v8;
	v12 =	vadd.f32 v15, v13;
	v9 =	vld [tilespmem:s25+$0xFFFFE0C0];
	v8 =	vadd.f32 v10, v5  }
0xb1: {  	v14 =	vld [tilespmem:s25+$0xFFFFF0C0]  }
0xb2: {  	v18 =	vld [tilespmem:s25+$0xC0];
	v11 =	vadd.f32 v11, v12;
	v8 =	vmax.f32 v8, $0.0e+00  }
0xb3: {  	v10 =	vld [tilespmem:s25+$0xFFFFE040];
	[tilespmem:s24+$0xD0] =	vst v8  }
0xb4: {  	v8 =	vadd.f32 v11, v3;
	v11 =	vld [tilespmem:s25+$0xFFFFE1E0]  }
0xb5: {  	v13 =	vld [tilespmem:s25+$0xFFFFF1E0]  }
0xb6: {  	v12 =	vld [tilespmem:s25+$0xFFFFF040];
	v8 =	vmax.f32 v8, $0.0e+00  }
0xb7: {  	v21 =	vadd.f32 v59, v21;
	[tilespmem:s24+$0x30] =	vst v8;
	v8 =	vld [tilespmem:s25+$0x1E0]  }
0xb8: {  	v16 =	vld [tilespmem:s25+$0x11E0]  }
0xb9: {  	v21 =	vadd.f32 v61, v21;
	v15 =	vld [tilespmem:s25+$0xFFFFE140]  }
0xba: {  	v11 =	vadd.f32 v13, v11;
	v13 =	vld [tilespmem:s25+$0x40]  }
0xbb: {  	v21 =	vadd.f32 v32, v21;
	v17 =	vld [tilespmem:s25+$0xFFFFF140]  }
0xbc: {  	v8 =	vadd.f32 v8, v11;
	v11 =	vld [tilespmem:s25+$0x1040]  }
0xbd: {  	v21 =	vadd.f32 v21, v1;
	v10 =	vadd.f32 v12, v10;
	v12 =	vld [tilespmem:s25+$0x140]  }
0xbe: {  	v9 =	vadd.f32 v14, v9;
	v14 =	vld [tilespmem:s25+$0x10C0];
	v8 =	vadd.f32 v16, v8  }
0xbf: {  	v60 =	vld [tilespmem:s26+$0x1100];
	v21 =	vmax.f32 v21, $0.0e+00;
	v10 =	vadd.f32 v13, v10  }
0xc0: {  	[tilespmem:s28+$0x90] =	vst v21;
	v13 =	vadd.f32 v17, v15;
	v15 =	vld [tilespmem:s25+$0x1140];
	v8 =	vadd.f32 v8, v6  }
0xc1: {  	v21 =	vld [tilespmem:s26+$0xFFFFE1A0];
	v9 =	vadd.f32 v18, v9;
	v10 =	vadd.f32 v11, v10  }
0xc2: {  	v40 =	vld [tilespmem:s26+$0x1A0];
	v12 =	vadd.f32 v12, v13;
	v8 =	vmax.f32 v8, $0.0e+00  }
0xc3: {  	v42 =	vld [tilespmem:s26+$0x11A0];
	[tilespmem:s24+$0xE0] =	vst v8;
	v8 =	vadd.f32 v14, v9;
	v10 =	vadd.f32 v10, v4  }
0xc4: {  	v9 =	vld [tilespmem:s25+$0xFFFFE1F0]  }
0xc5: {  	v11 =	vld [tilespmem:s25+$0xFFFFF1F0];
	v12 =	vadd.f32 v15, v12;
	v13 =	vadd.f32 v8, v4;
	v8 =	vmax.f32 v10, $0.0e+00  }
0xc6: {  	v10 =	vld [tilespmem:s25+$0x1F0];
	[tilespmem:s24+$0xFFFFFF40] =	vst v8  }
0xc7: {  	v12 =	vadd.f32 v12, v4;
	v13 =	vmax.f32 v13, $0.0e+00;
	v14 =	vld [tilespmem:s25+$0xFFFFE050]  }
0xc8: {  	[tilespmem:s24+$0xFFFFFFC0] =	vst v13;
	v13 =	vld [tilespmem:s25+$0xFFFFF050]  }
0xc9: {  	v23 =	vld [tilespmem:s25+$0x1050];
	v12 =	vmax.f32 v12, $0.0e+00  }
0xca: {  	[tilespmem:s24+$0x40] =	vst v12;
	v12 =	vld [tilespmem:s25+$0x50]  }
0xcb: {  	v15 =	vld [tilespmem:s25+$0xFFFFE0D0]  }
0xcc: {  	v16 =	vld [tilespmem:s25+$0xFFFFF0D0]  }
0xcd: {  	v19 =	vld [tilespmem:s25+$0xD0];
	v13 =	vadd.f32 v13, v14  }
0xce: {  	v24 =	vadd.f32 v55, v28;
	v63 =	vld [tilespmem:s25+$0x10D0]  }
0xcf: {  	v17 =	vld [tilespmem:s25+$0xFFFFE150];
	v12 =	vadd.f32 v12, v13  }
0xd0: {  	v62 =	vadd.f32 v30, v24;
	v18 =	vld [tilespmem:s25+$0xFFFFF150]  }
0xd1: {  	v25 =	vadd.f32 v25, v29;
	v14 =	vld [tilespmem:s26+$0x80];
	v12 =	vadd.f32 v23, v12  }
0xd2: {  	v8 =	vld [tilespmem:s25+$0x11F0];
	v15 =	vadd.f32 v16, v15;
	v23 =	vadd.f32 v60, v62  }
0xd3: {  	v22 =	vadd.f32 v54, v27;
	v13 =	vld [tilespmem:s26+$0x1000];
	v12 =	vadd.f32 v12, v5  }
0xd4: {  	v20 =	vld [tilespmem:s25+$0x150];
	v15 =	vadd.f32 v19, v15;
	v34 =	vadd.f32 v23, v0  }
0xd5: {  	v58 =	vadd.f32 v56, v25;
	v33 =	vld [tilespmem:s25+$0x1150];
	v17 =	vadd.f32 v18, v17;
	v12 =	vmax.f32 v12, $0.0e+00  }
0xd6: {  	v18 =	vld [tilespmem:s26+$0xFFFFF1A0];
	v14 =	vadd.f32 v14, v22;
	v15 =	vadd.f32 v63, v15;
	v22 =	vmax.f32 v34, $0.0e+00;
	[tilespmem:s24+$0xFFFFFF50] =	vst v12  }
0xd7: {  	[tilespmem:s28+$0x0] =	vst v22;
	v12 =	vld [tilespmem:s25+$0xFFFFE060]  }
0xd8: {  	v13 =	vadd.f32 v13, v58;
	v15 =	vadd.f32 v15, v5;
	v38 =	vld [tilespmem:s26+$0xFFFFE110]  }
0xd9: {  	v39 =	vld [tilespmem:s26+$0xFFFFF110]  }
0xda: {  	v14 =	vadd.f32 v57, v14;
	v13 =	vadd.f32 v13, v0;
	v15 =	vmax.f32 v15, $0.0e+00;
	v41 =	vld [tilespmem:s26+$0x110]  }
0xdb: {  	[tilespmem:s24+$0xFFFFFFD0] =	vst v15;
	v15 =	vld [tilespmem:s26+$0x1110]  }
0xdc: {  	v14 =	vadd.f32 v14, v0;
	v49 =	vld [tilespmem:s25+$0x60];
	v13 =	vmax.f32 v13, $0.0e+00  }
0xdd: {  	v62 =	vld [tilespmem:s25+$0x1060];
	[tilespmem:s28+$0xFFFFFF00] =	vst v13  }
0xde: {  	v17 =	vadd.f32 v20, v17;
	v14 =	vmax.f32 v14, $0.0e+00;
	v35 =	vld [tilespmem:s26+$0xFFFFE010]  }
0xdf: {  	[tilespmem:s28+$0xFFFFFF80] =	vst v14;
	v14 =	vld [tilespmem:s26+$0xFFFFF010]  }
0xe0: {  	v17 =	vadd.f32 v33, v17;
	v36 =	vld [tilespmem:s26+$0xFFFFE090]  }
0xe1: {  	v18 =	vadd.f32 v18, v21;
	v16 =	vld [tilespmem:s26+$0x10]  }
0xe2: {  	v17 =	vadd.f32 v17, v5;
	v37 =	vld [tilespmem:s26+$0xFFFFF090]  }
0xe3: {  	v18 =	vadd.f32 v40, v18;
	v43 =	vld [tilespmem:s26+$0x1010]  }
0xe4: {  	v17 =	vmax.f32 v17, $0.0e+00;
	v45 =	vld [tilespmem:s25+$0xFFFFE0E0];
	v14 =	vadd.f32 v14, v35  }
0xe5: {  	[tilespmem:s24+$0x50] =	vst v17;
	v17 =	vadd.f32 v42, v18;
	v19 =	vld [tilespmem:s26+$0x90]  }
0xe6: {  	v33 =	vld [tilespmem:s25+$0x10E0];
	v14 =	vadd.f32 v16, v14  }
0xe7: {  	v44 =	vld [tilespmem:s26+$0x1090];
	v17 =	vadd.f32 v17, v2  }
0xe8: {  	v13 =	vld [tilespmem:s25+$0xFFFFF060];
	v18 =	vadd.f32 v37, v36;
	v14 =	vadd.f32 v43, v14  }
0xe9: {  	v46 =	vld [tilespmem:s25+$0xFFFFE160];
	v48 =	vadd.f32 v39, v38  }
0xea: {  	v47 =	vld [tilespmem:s25+$0xFFFFF160];
	v17 =	vmax.f32 v17, $0.0e+00;
	v18 =	vadd.f32 v19, v18;
	v14 =	vadd.f32 v14, v1  }
0xeb: {  	v50 =	vld [tilespmem:s25+$0x160];
	[tilespmem:s28+$0xA0] =	vst v17  }
0xec: {  	v17 =	vadd.f32 v41, v48;
	v51 =	vld [tilespmem:s26+$0xFFFFE1B0];
	v18 =	vadd.f32 v44, v18;
	v14 =	vmax.f32 v14, $0.0e+00  }
0xed: {  	[tilespmem:s28+$0xFFFFFF10] =	vst v14;
	v14 =	vld [tilespmem:s26+$0xFFFFF1B0]  }
0xee: {  	v52 =	vld [tilespmem:s26+$0x1B0];
	v15 =	vadd.f32 v15, v17;
	v17 =	vadd.f32 v18, v1  }
0xef: {  	v16 =	vld [tilespmem:s25+$0xFFFFF0E0]  }
0xf0: {  	v19 =	vld [tilespmem:s25+$0xE0];
	v17 =	vmax.f32 v17, $0.0e+00  }
0xf1: {  	[tilespmem:s28+$0xFFFFFF90] =	vst v17;
	v17 =	vld [tilespmem:s26+$0x11B0]  }
0xf2: {  	v15 =	vadd.f32 v15, v1;
	v18 =	vld [tilespmem:s26+$0xFFFFE020];
	v14 =	vadd.f32 v14, v51  }
0xf3: {  	v53 =	vld [tilespmem:s26+$0xFFFFF020]  }
0xf4: {  	v15 =	vmax.f32 v15, $0.0e+00;
	v54 =	vld [tilespmem:s26+$0xFFFFE0A0];
	v14 =	vadd.f32 v52, v14  }
0xf5: {  	[tilespmem:s28+$0x10] =	vst v15;
	v15 =	vld [tilespmem:s26+$0xFFFFF0A0]  }
0xf6: {  	v57 =	vld [tilespmem:s26+$0x20];
	v14 =	vadd.f32 v17, v14  }
0xf7: {  	v58 =	vld [tilespmem:s26+$0x1020]  }
0xf8: {  	v12 =	vadd.f32 v13, v12;
	v17 =	vld [tilespmem:s26+$0xA0];
	v14 =	vadd.f32 v14, v3  }
0xf9: {  	v55 =	vld [tilespmem:s26+$0xFFFFE120];
	v18 =	vadd.f32 v53, v18  }
0xfa: {  	v12 =	vadd.f32 v49, v12;
	v56 =	vld [tilespmem:s26+$0xFFFFF120];
	v16 =	vadd.f32 v16, v45;
	v14 =	vmax.f32 v14, $0.0e+00  }
0xfb: {  	v59 =	vld [tilespmem:s26+$0x120];
	v15 =	vadd.f32 v15, v54;
	v18 =	vadd.f32 v57, v18;
	[tilespmem:s28+$0xB0] =	vst v14  }
0xfc: {  	v12 =	vadd.f32 v62, v12;
	v16 =	vadd.f32 v19, v16;
	v61 =	vld [tilespmem:s26+$0xFFFFE1C0]  }
0xfd: {  	v15 =	vadd.f32 v17, v15;
	v17 =	vadd.f32 v58, v18;
	v18 =	vld [tilespmem:s26+$0xFFFFF1C0]  }
0xfe: {  	v12 =	vadd.f32 v12, v6;
	v31 =	vld [tilespmem:s26+$0x10A0]  }
0xff: {  	v16 =	vadd.f32 v33, v16;
	v63 =	vld [tilespmem:s26+$0x1C0];
	v17 =	vadd.f32 v17, v2  }
0x100: {  	v60 =	vld [tilespmem:s26+$0x1120];
	v12 =	vmax.f32 v12, $0.0e+00  }
0x101: {  	[tilespmem:s24+$0xFFFFFF60] =	vst v12;
	v16 =	vadd.f32 v16, v6;
	v14 =	vadd.f32 v56, v55;
	v34 =	vld [tilespmem:s26+$0x11C0];
	v17 =	vmax.f32 v17, $0.0e+00  }
0x102: {  	v35 =	vld [tilespmem:s25+$0x1160];
	[tilespmem:s28+$0xFFFFFF20] =	vst v17;
	v17 =	vadd.f32 v18, v61  }
0x103: {  	v44 =	vld [tilespmem:s25+$0xFFFFE070];
	v16 =	vmax.f32 v16, $0.0e+00;
	v14 =	vadd.f32 v59, v14  }
0x104: {  	[tilespmem:s24+$0xFFFFFFE0] =	vst v16;
	v57 =	vld [tilespmem:s25+$0x70];
	v15 =	vadd.f32 v31, v15;
	v17 =	vadd.f32 v63, v17  }
0x105: {  	v62 =	vld [tilespmem:s25+$0x10F0];
	v14 =	vadd.f32 v60, v14  }
0x106: {  	v15 =	vadd.f32 v15, v2;
	v18 =	vld [tilespmem:s26+$0xFFFFE030];
	v17 =	vadd.f32 v34, v17  }
0x107: {  	v14 =	vadd.f32 v14, v2;
	v13 =	vld [tilespmem:s26+$0x30]  }
0x108: {  	v15 =	vmax.f32 v15, $0.0e+00;
	v42 =	vld [tilespmem:s26+$0x1030];
	v17 =	vadd.f32 v17, v4  }
0x109: {  	[tilespmem:s28+$0xFFFFFFA0] =	vst v15;
	v15 =	vld [tilespmem:s26+$0xFFFFF030];
	v14 =	vmax.f32 v14, $0.0e+00  }
0x10a: {  	v36 =	vld [tilespmem:s26+$0xFFFFE0B0];
	[tilespmem:s28+$0x20] =	vst v14;
	v17 =	vmax.f32 v17, $0.0e+00  }
0x10b: {  	v14 =	vld [tilespmem:s26+$0xFFFFF0B0];
	[tilespmem:s28+$0xC0] =	vst v17  }
0x10c: {  	v19 =	vld [tilespmem:s26+$0xFFFFE1D0]  }
0x10d: {  	v17 =	vadd.f32 v47, v46;
	v41 =	vld [tilespmem:s26+$0xFFFFF1D0]  }
0x10e: {  	v37 =	vld [tilespmem:s26+$0xFFFFE130];
	v15 =	vadd.f32 v15, v18  }
0x10f: {  	v18 =	vld [tilespmem:s26+$0x1D0];
	v17 =	vadd.f32 v50, v17  }
0x110: {  	v38 =	vld [tilespmem:s26+$0xFFFFF130];
	v13 =	vadd.f32 v13, v15  }
0x111: {  	v15 =	vld [tilespmem:s26+$0x11D0];
	v17 =	vadd.f32 v35, v17  }
0x112: {  	v39 =	vld [tilespmem:s26+$0xB0];
	v13 =	vadd.f32 v42, v13;
	v19 =	vadd.f32 v41, v19  }
0x113: {  	v40 =	vld [tilespmem:s26+$0x130];
	v12 =	vadd.f32 v17, v6  }
0x114: {  	v43 =	vld [tilespmem:s26+$0x10B0];
	v13 =	vadd.f32 v13, v3;
	v16 =	vadd.f32 v18, v19  }
0x115: {  	v14 =	vadd.f32 v14, v36;
	v17 =	vld [tilespmem:s26+$0x1130];
	v12 =	vmax.f32 v12, $0.0e+00  }
0x116: {  	v58 =	vld [tilespmem:s25+$0xF0];
	v13 =	vmax.f32 v13, $0.0e+00;
	[tilespmem:s24+$0x60] =	vst v12;
	v12 =	vadd.f32 v38, v37;
	v15 =	vadd.f32 v15, v16  }
0x117: {  	v61 =	vld [tilespmem:s25+$0x1070];
	v14 =	vadd.f32 v39, v14;
	[tilespmem:s28+$0xFFFFFF30] =	vst v13  }
0x118: {  	v46 =	vld [tilespmem:s26+$0xFFFFE040];
	v12 =	vadd.f32 v40, v12;
	v13 =	vadd.f32 v15, v5  }
0x119: {  	v14 =	vadd.f32 v43, v14;
	v52 =	vld [tilespmem:s26+$0x40]  }
0x11a: {  	v54 =	vld [tilespmem:s26+$0x1040];
	v12 =	vadd.f32 v17, v12;
	v13 =	vmax.f32 v13, $0.0e+00  }
0x11b: {  	v14 =	vadd.f32 v14, v3;
	v18 =	vld [tilespmem:s25+$0xFFFFF070];
	[tilespmem:s28+$0xD0] =	vst v13  }
0x11c: {  	v12 =	vadd.f32 v12, v3;
	v13 =	vld [tilespmem:s26+$0xFFFFE1E0]  }
0x11d: {  	v14 =	vmax.f32 v14, $0.0e+00;
	v47 =	vld [tilespmem:s26+$0xFFFFF1E0]  }
0x11e: {  	v19 =	vld [tilespmem:s25+$0xFFFFE0F0];
	[tilespmem:s28+$0xFFFFFFB0] =	vst v14;
	v12 =	vmax.f32 v12, $0.0e+00  }
0x11f: {  	[tilespmem:s28+$0x30] =	vst v12;
	v12 =	vld [tilespmem:s26+$0x1E0]  }
0x120: {  	v14 =	vld [tilespmem:s26+$0xFFFFE0C0]  }
0x121: {  	v50 =	vld [tilespmem:s26+$0x11E0]  }
0x122: {  	v17 =	vld [tilespmem:s26+$0xFFFFF040];
	v13 =	vadd.f32 v47, v13  }
0x123: {  	v49 =	vld [tilespmem:s26+$0xFFFFE140]  }
0x124: {  	v51 =	vld [tilespmem:s26+$0xFFFFF140];
	v12 =	vadd.f32 v12, v13  }
0x125: {  	v48 =	vld [tilespmem:s26+$0xFFFFF0C0]  }
0x126: {  	v13 =	vld [tilespmem:s26+$0x140];
	v12 =	vadd.f32 v50, v12  }
0x127: {  	v53 =	vld [tilespmem:s26+$0xC0]  }
0x128: {  	v55 =	vld [tilespmem:s26+$0x10C0];
	v17 =	vadd.f32 v17, v46;
	v12 =	vadd.f32 v12, v6  }
0x129: {  	v9 =	vadd.f32 v11, v9;
	v56 =	vld [tilespmem:s26+$0x1140];
	v59 =	vadd.f32 v51, v49  }
0x12a: {  	v16 =	vld [tilespmem:s25+$0xFFFFF0F0];
	v14 =	vadd.f32 v48, v14;
	v17 =	vadd.f32 v52, v17;
	v12 =	vmax.f32 v12, $0.0e+00  }
0x12b: {  	v9 =	vadd.f32 v10, v9;
	v45 =	vld [tilespmem:s25+$0xFFFFE170];
	v11 =	vadd.f32 v13, v59;
	[tilespmem:s28+$0xE0] =	vst v12  }
0x12c: {  	v12 =	vadd.f32 v53, v14;
	v14 =	vadd.f32 v54, v17;
	v17 =	vld [tilespmem:s26+$0xFFFFE1F0]  }
0x12d: {  	v8 =	vadd.f32 v8, v9;
	v13 =	vld [tilespmem:s26+$0xFFFFF1F0]  }
0x12e: {  	v60 =	vld [tilespmem:s25+$0x170];
	v11 =	vadd.f32 v56, v11;
	v14 =	vadd.f32 v14, v4  }
0x12f: {  	v10 =	vadd.f32 v18, v44;
	v18 =	vld [tilespmem:s26+$0x1F0];
	v12 =	vadd.f32 v55, v12  }
0x130: {  	v15 =	vld [tilespmem:s25+$0xFFFFF170];
	v16 =	vadd.f32 v16, v19;
	v11 =	vadd.f32 v11, v4;
	v14 =	vmax.f32 v14, $0.0e+00  }
0x131: {  	v10 =	vadd.f32 v57, v10;
	v12 =	vadd.f32 v12, v4;
	[tilespmem:s28+$0xFFFFFF40] =	vst v14;
	v14 =	vld [tilespmem:s26+$0x11F0]  }
0x132: {  	v9 =	vadd.f32 v58, v16;
	v11 =	vmax.f32 v11, $0.0e+00;
	v13 =	vadd.f32 v13, v17;
	v17 =	vld [tilespmem:s26+$0xFFFFE050]  }
0x133: {  	v10 =	vadd.f32 v61, v10;
	[tilespmem:s28+$0x40] =	vst v11;
	v12 =	vmax.f32 v12, $0.0e+00;
	v16 =	vld [tilespmem:s26+$0xFFFFF050]  }
0x134: {  	v11 =	vadd.f32 v62, v9;
	v9 =	vld [tilespmem:s26+$0xFFFFE150];
	[tilespmem:s28+$0xFFFFFFC0] =	vst v12;
	v12 =	vadd.f32 v18, v13  }
0x135: {  	v8 =	vadd.f32 v8, v7;
	v18 =	vld [tilespmem:s26+$0xFFFFE0D0]  }
0x136: {  	v19 =	vld [tilespmem:s26+$0xFFFFF0D0];
	v13 =	vadd.f32 v10, v7;
	v12 =	vadd.f32 v14, v12  }
0x137: {  	v8 =	vmax.f32 v8, $0.0e+00;
	v10 =	vld [tilespmem:s26+$0xFFFFF150];
	v14 =	vadd.f32 v11, v7  }
0x138: {  	[tilespmem:s24+$0xF0] =	vst v8;
	v8 =	vadd.f32 v15, v45;
	v13 =	vmax.f32 v13, $0.0e+00;
	v11 =	vld [tilespmem:s26+$0x50];
	v15 =	vadd.f32 v12, v7  }
0x139: {  	[tilespmem:s24+$0xFFFFFF70] =	vst v13;
	v12 =	vld [tilespmem:s26+$0xD0];
	v14 =	vmax.f32 v14, $0.0e+00  }
0x13a: {  	v8 =	vadd.f32 v60, v8;
	v13 =	vld [tilespmem:s26+$0x150];
	[tilespmem:s24+$0xFFFFFFF0] =	vst v14;
	v63 =	vmax.f32 v15, $0.0e+00  }
0x13b: {  	s30 =	simm.s32 $0x4;
	s31 =	simm.s32 $0x5580;
	s29 =	simm.s32 $0xF480;
	v14 =	vadd.f32 v16, v17;
	v16 =	vadd.f32 v19, v18;
	v15 =	vld [tilespmem:s26+$0x1050];
	[tilespmem:s28+$0xF0] =	vst v63  }
.LBB2_4:
0x13c: {  	v17 =	vld [tilespmem:s31+$0xFFFFE180];
	v9 =	vadd.f32 v10, v9  }
0x13d: {  	v10 =	vld [tilespmem:s31+$0xFFFFF180];
	v11 =	vadd.f32 v11, v14  }
0x13e: {  	v14 =	vld [tilespmem:s31+$0xFFFFF000];
	v12 =	vadd.f32 v12, v16  }
0x13f: {  	v16 =	vld [tilespmem:s31+$0x180];
	v9 =	vadd.f32 v13, v9  }
0x140: {  	v13 =	vld [tilespmem:s31+$0xFFFFE080];
	v11 =	vadd.f32 v15, v11  }
0x141: {  	v15 =	vld [tilespmem:s31+$0x1180]  }
0x142: {  	v18 =	vld [tilespmem:s31+$0xFFFFF080];
	v10 =	vadd.f32 v10, v17;
	v11 =	vadd.f32 v11, v5  }
0x143: {  	v17 =	vld [tilespmem:s31+$0xFFFFE100]  }
0x144: {  	s30 =	sadd.s32 $0x4, s30;
	v19 =	vld [tilespmem:s31+$0xFFFFF100];
	v10 =	vadd.f32 v16, v10;
	v11 =	vmax.f32 v11, $0.0e+00  }
0x145: {  	p1 =	slt.u32 s30, $0x1C;
	v16 =	vld [tilespmem:s31+$0xFFFFE000];
	[tilespmem:s28+$0xFFFFFF50] =	vst v11  }
0x146: {  	v11 =	vld [tilespmem:s31+$0x0];
	v10 =	vadd.f32 v15, v10  }
0x147: {  	v13 =	vadd.f32 v18, v13;
	v15 =	vld [tilespmem:s31+$0x80]  }
0x148: {  	v18 =	vld [tilespmem:s31+$0x100];
	v10 =	vadd.f32 v10, v0  }
0x149: {  	v20 =	vld [tilespmem:s31+$0x1000];
	v17 =	vadd.f32 v19, v17  }
0x14a: {  	s28 =	sadd.s32 $0x200, s28;
	v14 =	vadd.f32 v14, v16;
	v16 =	vld [tilespmem:s31+$0x1080];
	v10 =	vmax.f32 v10, $0.0e+00  }
0x14b: {  	v19 =	vld [tilespmem:s31+$0x1100];
	[tilespmem:s28+$0x80] =	vst v10  }
0x14c: {  	v10 =	vadd.f32 v11, v14;
	v11 =	vadd.f32 v15, v13;
	v13 =	vld [tilespmem:s31+$0xFFFFE190]  }
0x14d: {  	v14 =	vadd.f32 v18, v17;
	v15 =	vld [tilespmem:s31+$0xFFFFF190]  }
0x14e: {  	v10 =	vadd.f32 v20, v10;
	v17 =	vld [tilespmem:s26+$0x10D0]  }
0x14f: {  	v11 =	vadd.f32 v16, v11;
	v16 =	vld [tilespmem:s31+$0x190]  }
0x150: {  	v10 =	vadd.f32 v10, v0;
	v14 =	vadd.f32 v19, v14;
	v18 =	vld [tilespmem:s26+$0x1150]  }
0x151: {  	v11 =	vadd.f32 v11, v0;
	v19 =	vld [tilespmem:s31+$0x1190]  }
0x152: {  	v10 =	vmax.f32 v10, $0.0e+00;
	v14 =	vadd.f32 v14, v0;
	v13 =	vadd.f32 v15, v13;
	v15 =	vld [tilespmem:s26+$0xFFFFE060]  }
0x153: {  	[tilespmem:s28+$0xFFFFFF00] =	vst v10;
	v10 =	vmax.f32 v11, $0.0e+00;
	v11 =	vld [tilespmem:s26+$0xFFFFF060];
	v12 =	vadd.f32 v17, v12  }
0x154: {  	v17 =	vld [tilespmem:s31+$0xFFFFE010];
	[tilespmem:s28+$0xFFFFFF80] =	vst v10;
	v10 =	vmax.f32 v14, $0.0e+00;
	v13 =	vadd.f32 v16, v13  }
0x155: {  	v14 =	vld [tilespmem:s31+$0xFFFFF010];
	[tilespmem:s28+$0x0] =	vst v10;
	v10 =	vadd.f32 v12, v5;
	v9 =	vadd.f32 v18, v9  }
0x156: {  	v12 =	vld [tilespmem:s31+$0xFFFFE090];
	v13 =	vadd.f32 v19, v13  }
0x157: {  	v16 =	vld [tilespmem:s31+$0xFFFFF090];
	v10 =	vmax.f32 v10, $0.0e+00;
	v9 =	vadd.f32 v9, v5  }
0x158: {  	v18 =	vld [tilespmem:s31+$0xFFFFE110];
	v13 =	vadd.f32 v13, v1;
	v11 =	vadd.f32 v11, v15;
	[tilespmem:s29+$0xFFFFFFD0] =	vst v10  }
0x159: {  	v10 =	vld [tilespmem:s31+$0xFFFFF110];
	v9 =	vmax.f32 v9, $0.0e+00  }
0x15a: {  	v14 =	vadd.f32 v14, v17;
	v15 =	vld [tilespmem:s31+$0x10];
	v13 =	vmax.f32 v13, $0.0e+00;
	[tilespmem:s29+$0x50] =	vst v9  }
0x15b: {  	v9 =	vld [tilespmem:s31+$0x90];
	[tilespmem:s28+$0x90] =	vst v13  }
0x15c: {  	v12 =	vadd.f32 v16, v12;
	v13 =	vld [tilespmem:s31+$0xFFFFE1A0]  }
0x15d: {  	v16 =	vld [tilespmem:s31+$0xFFFFF1A0]  }
0x15e: {  	v10 =	vadd.f32 v10, v18;
	v17 =	vld [tilespmem:s31+$0x110]  }
0x15f: {  	v14 =	vadd.f32 v15, v14;
	v15 =	vld [tilespmem:s31+$0x1A0]  }
0x160: {  	v18 =	vld [tilespmem:s31+$0x1010];
	v9 =	vadd.f32 v9, v12  }
0x161: {  	v12 =	vld [tilespmem:s31+$0x11A0]  }
0x162: {  	v19 =	vld [tilespmem:s31+$0x1090];
	v13 =	vadd.f32 v16, v13  }
0x163: {  	v10 =	vadd.f32 v17, v10;
	v16 =	vld [tilespmem:s31+$0x1110]  }
0x164: {  	v13 =	vadd.f32 v15, v13;
	v15 =	vld [tilespmem:s26+$0xFFFFE0E0]  }
0x165: {  	v14 =	vadd.f32 v18, v14;
	v17 =	vld [tilespmem:s26+$0xFFFFF0E0]  }
0x166: {  	v12 =	vadd.f32 v12, v13;
	v13 =	vld [tilespmem:s26+$0xFFFFE160]  }
0x167: {  	v14 =	vadd.f32 v14, v1;
	v9 =	vadd.f32 v19, v9;
	v18 =	vld [tilespmem:s26+$0xFFFFF160]  }
0x168: {  	v10 =	vadd.f32 v16, v10;
	v12 =	vadd.f32 v12, v2;
	v16 =	vld [tilespmem:s26+$0x60]  }
0x169: {  	v14 =	vmax.f32 v14, $0.0e+00;
	v9 =	vadd.f32 v9, v1;
	v19 =	vld [tilespmem:s26+$0xE0]  }
0x16a: {  	[tilespmem:s28+$0xFFFFFF10] =	vst v14;
	v10 =	vadd.f32 v10, v1;
	v12 =	vmax.f32 v12, $0.0e+00;
	v14 =	vadd.f32 v17, v15;
	v15 =	vld [tilespmem:s26+$0x160]  }
0x16b: {  	v17 =	vld [tilespmem:s31+$0xFFFFE020];
	v9 =	vmax.f32 v9, $0.0e+00;
	[tilespmem:s28+$0xA0] =	vst v12  }
0x16c: {  	[tilespmem:s28+$0xFFFFFF90] =	vst v9;
	v9 =	vmax.f32 v10, $0.0e+00;
	v10 =	vld [tilespmem:s31+$0xFFFFE1B0];
	v12 =	vadd.f32 v18, v13  }
0x16d: {  	[tilespmem:s28+$0x10] =	vst v9;
	v9 =	vld [tilespmem:s31+$0xFFFFF1B0];
	v11 =	vadd.f32 v16, v11  }
0x16e: {  	v13 =	vld [tilespmem:s31+$0xFFFFF020];
	v14 =	vadd.f32 v19, v14  }
0x16f: {  	v16 =	vld [tilespmem:s31+$0x1B0];
	v12 =	vadd.f32 v15, v12  }
0x170: {  	v15 =	vld [tilespmem:s31+$0xFFFFE0A0]  }
0x171: {  	v18 =	vld [tilespmem:s31+$0x11B0]  }
0x172: {  	v19 =	vld [tilespmem:s31+$0xFFFFF0A0];
	v9 =	vadd.f32 v9, v10  }
0x173: {  	v10 =	vadd.f32 v13, v17;
	v13 =	vld [tilespmem:s31+$0xFFFFE120]  }
0x174: {  	v17 =	vld [tilespmem:s31+$0xFFFFF120];
	v9 =	vadd.f32 v16, v9  }
0x175: {  	v16 =	vld [tilespmem:s31+$0x20]  }
0x176: {  	v20 =	vld [tilespmem:s31+$0xA0];
	v9 =	vadd.f32 v18, v9  }
0x177: {  	v15 =	vadd.f32 v19, v15;
	v18 =	vld [tilespmem:s31+$0x120]  }
0x178: {  	v19 =	vld [tilespmem:s31+$0x1020];
	v9 =	vadd.f32 v9, v3  }
0x179: {  	v21 =	vld [tilespmem:s31+$0x10A0];
	v13 =	vadd.f32 v17, v13  }
0x17a: {  	v10 =	vadd.f32 v16, v10;
	v16 =	vld [tilespmem:s31+$0x1120];
	v9 =	vmax.f32 v9, $0.0e+00  }
0x17b: {  	v15 =	vadd.f32 v20, v15;
	[tilespmem:s28+$0xB0] =	vst v9;
	v9 =	vld [tilespmem:s26+$0x1060]  }
0x17c: {  	v13 =	vadd.f32 v18, v13;
	v17 =	vld [tilespmem:s31+$0xFFFFE1C0]  }
0x17d: {  	v10 =	vadd.f32 v19, v10;
	v18 =	vld [tilespmem:s31+$0xFFFFF1C0]  }
0x17e: {  	v15 =	vadd.f32 v21, v15;
	v19 =	vld [tilespmem:s26+$0x10E0]  }
0x17f: {  	v10 =	vadd.f32 v10, v2;
	v13 =	vadd.f32 v16, v13;
	v16 =	vld [tilespmem:s31+$0x1C0]  }
0x180: {  	v15 =	vadd.f32 v15, v2;
	v9 =	vadd.f32 v9, v11;
	v11 =	vld [tilespmem:s26+$0x1160]  }
0x181: {  	v10 =	vmax.f32 v10, $0.0e+00;
	v13 =	vadd.f32 v13, v2;
	v20 =	vld [tilespmem:s31+$0x11C0]  }
0x182: {  	[tilespmem:s28+$0xFFFFFF20] =	vst v10;
	v10 =	vmax.f32 v15, $0.0e+00;
	v15 =	vadd.f32 v18, v17;
	v9 =	vadd.f32 v9, v6;
	v17 =	vld [tilespmem:s25+$0x1170];
	s25 =	smov.u32 s26;
	s26 =	smov.u32 s31  }
0x183: {  	v18 =	vld [tilespmem:s31+$0xFFFFE030];
	[tilespmem:s28+$0xFFFFFFA0] =	vst v10;
	v10 =	vmax.f32 v13, $0.0e+00;
	v13 =	vadd.f32 v19, v14  }
0x184: {  	v14 =	vld [tilespmem:s31+$0xFFFFF030];
	[tilespmem:s28+$0x20] =	vst v10;
	v10 =	vadd.f32 v16, v15;
	v9 =	vmax.f32 v9, $0.0e+00  }
0x185: {  	v15 =	vld [tilespmem:s31+$0xFFFFE0B0];
	[tilespmem:s29+$0xFFFFFF60] =	vst v9;
	v9 =	vadd.f32 v13, v6;
	v11 =	vadd.f32 v11, v12  }
0x186: {  	v12 =	vld [tilespmem:s31+$0xFFFFF0B0];
	v10 =	vadd.f32 v20, v10  }
0x187: {  	v13 =	vld [tilespmem:s31+$0xFFFFE130];
	v9 =	vmax.f32 v9, $0.0e+00;
	v11 =	vadd.f32 v11, v6;
	v8 =	vadd.f32 v17, v8  }
0x188: {  	v16 =	vld [tilespmem:s31+$0xFFFFF130];
	v10 =	vadd.f32 v10, v4;
	[tilespmem:s29+$0xFFFFFFE0] =	vst v9  }
0x189: {  	v9 =	vadd.f32 v14, v18;
	v14 =	vld [tilespmem:s31+$0x30];
	v11 =	vmax.f32 v11, $0.0e+00;
	v8 =	vadd.f32 v8, v7  }
0x18a: {  	v17 =	vld [tilespmem:s31+$0xB0];
	v10 =	vmax.f32 v10, $0.0e+00;
	[tilespmem:s29+$0x60] =	vst v11  }
0x18b: {  	v11 =	vadd.f32 v12, v15;
	v12 =	vld [tilespmem:s31+$0x130];
	[tilespmem:s28+$0xC0] =	vst v10;
	v8 =	vmax.f32 v8, $0.0e+00  }
0x18c: {  	v10 =	vld [tilespmem:s31+$0xFFFFE1D0];
	[tilespmem:s24+$0x70] =	vst v8;
	s24 =	smov.u32 s29;
	s29 =	smov.u32 s28  }
0x18d: {  	v8 =	vadd.f32 v16, v13;
	v13 =	vld [tilespmem:s31+$0xFFFFF1D0]  }
0x18e: {  	v9 =	vadd.f32 v14, v9;
	v14 =	vld [tilespmem:s31+$0x1030]  }
0x18f: {  	v11 =	vadd.f32 v17, v11;
	v15 =	vld [tilespmem:s31+$0x1D0]  }
0x190: {  	v16 =	vld [tilespmem:s31+$0x10B0];
	v8 =	vadd.f32 v12, v8  }
0x191: {  	v12 =	vld [tilespmem:s31+$0x11D0]  }
0x192: {  	v17 =	vld [tilespmem:s31+$0x1130];
	v10 =	vadd.f32 v13, v10  }
0x193: {  	v9 =	vadd.f32 v14, v9;
	v13 =	vld [tilespmem:s25+$0xFFFFE070]  }
0x194: {  	v10 =	vadd.f32 v15, v10;
	v14 =	vld [tilespmem:s25+$0xFFFFF070]  }
0x195: {  	v9 =	vadd.f32 v9, v3;
	v11 =	vadd.f32 v16, v11;
	v15 =	vld [tilespmem:s25+$0xFFFFE0F0]  }
0x196: {  	v10 =	vadd.f32 v12, v10;
	v12 =	vld [tilespmem:s25+$0xFFFFF0F0]  }
0x197: {  	v9 =	vmax.f32 v9, $0.0e+00;
	v11 =	vadd.f32 v11, v3;
	v8 =	vadd.f32 v17, v8;
	v16 =	vld [tilespmem:s25+$0xFFFFE170]  }
0x198: {  	[tilespmem:s28+$0xFFFFFF30] =	vst v9;
	v9 =	vadd.f32 v10, v5;
	v10 =	vld [tilespmem:s25+$0xFFFFF170]  }
0x199: {  	v17 =	vld [tilespmem:s31+$0xFFFFE040];
	v11 =	vmax.f32 v11, $0.0e+00;
	v8 =	vadd.f32 v8, v3;
	v13 =	vadd.f32 v14, v13  }
0x19a: {  	v14 =	vld [tilespmem:s31+$0xFFFFF040];
	[tilespmem:s28+$0xFFFFFFB0] =	vst v11;
	v9 =	vmax.f32 v9, $0.0e+00  }
0x19b: {  	v11 =	vld [tilespmem:s31+$0xFFFFE0C0];
	v8 =	vmax.f32 v8, $0.0e+00;
	[tilespmem:s28+$0xD0] =	vst v9;
	v9 =	vadd.f32 v12, v15  }
0x19c: {  	[tilespmem:s28+$0x30] =	vst v8;
	v8 =	vld [tilespmem:s31+$0xFFFFE1E0]  }
0x19d: {  	v12 =	vld [tilespmem:s31+$0xFFFFF1E0];
	v10 =	vadd.f32 v10, v16  }
0x19e: {  	v15 =	vld [tilespmem:s31+$0xFFFFF0C0]  }
0x19f: {  	v14 =	vadd.f32 v14, v17;
	v16 =	vld [tilespmem:s31+$0x1E0]  }
0x1a0: {  	v17 =	vld [tilespmem:s31+$0xFFFFE140]  }
0x1a1: {  	v18 =	vld [tilespmem:s31+$0x11E0]  }
0x1a2: {  	v19 =	vld [tilespmem:s31+$0xFFFFF140];
	v8 =	vadd.f32 v12, v8  }
0x1a3: {  	v12 =	vld [tilespmem:s31+$0x40];
	v11 =	vadd.f32 v15, v11  }
0x1a4: {  	v15 =	vld [tilespmem:s31+$0xC0];
	v8 =	vadd.f32 v16, v8  }
0x1a5: {  	v16 =	vld [tilespmem:s31+$0x140]  }
0x1a6: {  	v20 =	vld [tilespmem:s31+$0x1040];
	v8 =	vadd.f32 v18, v8  }
0x1a7: {  	v18 =	vld [tilespmem:s31+$0x10C0];
	v17 =	vadd.f32 v19, v17  }
0x1a8: {  	v12 =	vadd.f32 v12, v14;
	v14 =	vld [tilespmem:s31+$0x1140];
	v8 =	vadd.f32 v8, v6  }
0x1a9: {  	v11 =	vadd.f32 v15, v11;
	v15 =	vld [tilespmem:s25+$0x70]  }
0x1aa: {  	v16 =	vadd.f32 v16, v17;
	v8 =	vmax.f32 v8, $0.0e+00;
	v17 =	vld [tilespmem:s25+$0xF0]  }
0x1ab: {  	v12 =	vadd.f32 v20, v12;
	[tilespmem:s28+$0xE0] =	vst v8;
	v8 =	vld [tilespmem:s25+$0x170]  }
0x1ac: {  	v11 =	vadd.f32 v18, v11;
	v18 =	vld [tilespmem:s31+$0xFFFFE1F0]  }
0x1ad: {  	v12 =	vadd.f32 v12, v4;
	v14 =	vadd.f32 v14, v16;
	v16 =	vld [tilespmem:s31+$0xFFFFF1F0]  }
0x1ae: {  	v11 =	vadd.f32 v11, v4;
	v13 =	vadd.f32 v15, v13;
	v15 =	vld [tilespmem:s25+$0x1070]  }
0x1af: {  	v12 =	vmax.f32 v12, $0.0e+00;
	v14 =	vadd.f32 v14, v4;
	v19 =	vld [tilespmem:s31+$0x1F0];
	v9 =	vadd.f32 v17, v9  }
0x1b0: {  	[tilespmem:s28+$0xFFFFFF40] =	vst v12;
	v11 =	vmax.f32 v11, $0.0e+00;
	v12 =	vld [tilespmem:s25+$0x10F0];
	v8 =	vadd.f32 v8, v10  }
0x1b1: {  	[tilespmem:s28+$0xFFFFFFC0] =	vst v11;
	v10 =	vmax.f32 v14, $0.0e+00;
	v11 =	vld [tilespmem:s31+$0x11F0]  }
0x1b2: {  	v14 =	vld [tilespmem:s31+$0xFFFFE050];
	[tilespmem:s28+$0x40] =	vst v10;
	v10 =	vadd.f32 v16, v18  }
0x1b3: {  	v16 =	vld [tilespmem:s31+$0xFFFFF050];
	v13 =	vadd.f32 v15, v13  }
0x1b4: {  	v15 =	vld [tilespmem:s31+$0xFFFFE0D0];
	v10 =	vadd.f32 v19, v10  }
0x1b5: {  	v17 =	vld [tilespmem:s31+$0xFFFFF0D0];
	v13 =	vadd.f32 v13, v7;
	v12 =	vadd.f32 v12, v9  }
0x1b6: {  	v9 =	vld [tilespmem:s31+$0xFFFFE150];
	v18 =	vadd.f32 v11, v10  }
.Ltmp5:
0x1b7: {  	v10 =	vld [tilespmem:s31+$0xFFFFF150];
	v13 =	vmax.f32 v13, $0.0e+00;
	v19 =	vadd.f32 v12, v7;
	(pc) =	sbr.rel @p1 .LBB2_4-.Ltmp5, $4  }
0x1b8: {  	v14 =	vadd.f32 v16, v14;
	v11 =	vld [tilespmem:s31+$0x50];
	v18 =	vadd.f32 v18, v7;
	[tilespmem:s24+$0xFFFFFF70] =	vst v13  }
0x1b9: {  	v12 =	vld [tilespmem:s31+$0xD0];
	v19 =	vmax.f32 v19, $0.0e+00  }
0x1ba: {  	v16 =	vadd.f32 v17, v15;
	v13 =	vld [tilespmem:s31+$0x150];
	v17 =	vmax.f32 v18, $0.0e+00;
	[tilespmem:s24+$0xFFFFFFF0] =	vst v19  }
0x1bb: {  	s31 =	sadd.s32 $0x200, s31;
	v15 =	vld [tilespmem:s26+$0x1050];
	[tilespmem:s28+$0xF0] =	vst v17  }
0x1bc: {  	_ =	sdelay $0x1  }
0x1bd: {  	v11 =	vadd.f32 v11, v14  }
0x1be: {  	v17 =	vld [tilespmem:s26+$0x10D0]  }
0x1bf: {  	v11 =	vadd.f32 v15, v11  }
0x1c0: {  	v9 =	vadd.f32 v10, v9;
	v35 =	vld [tilespmem:s26+$0x1150]  }
0x1c1: {  	v12 =	vadd.f32 v12, v16;
	v11 =	vadd.f32 v11, v5;
	_ =	sdelay $0x1  }
0x1c2: {  	v9 =	vadd.f32 v13, v9;
	v12 =	vadd.f32 v17, v12;
	v11 =	vmax.f32 v11, $0.0e+00  }
0x1c3: {  	[tilespmem:s28+$0xFFFFFF50] =	vst v11  }
0x1c4: {  	v9 =	vadd.f32 v35, v9;
	v12 =	vadd.f32 v12, v5;
	v36 =	vld [tilespmem:s26+$0xFFFFE060]  }
0x1c5: {  	v38 =	vld [tilespmem:s26+$0xFFFFF060]  }
0x1c6: {  	v9 =	vadd.f32 v9, v5;
	v37 =	vmax.f32 v12, $0.0e+00;
	v42 =	vld [tilespmem:s26+$0x60]  }
0x1c7: {  	[tilespmem:s29+$0xFFFFFFD0] =	vst v37;
	v44 =	vld [tilespmem:s26+$0x1060]  }
0x1c8: {  	v9 =	vmax.f32 v9, $0.0e+00;
	v11 =	vld [tilespmem:s26+$0xFFFFE0E0]  }
0x1c9: {  	[tilespmem:s29+$0x50] =	vst v9;
	v39 =	vld [tilespmem:s26+$0xFFFFF0E0]  }
0x1ca: {  	v40 =	vld [tilespmem:s26+$0xFFFFE160]  }
0x1cb: {  	v41 =	vld [tilespmem:s26+$0xFFFFF160];
	v10 =	vadd.f32 v38, v36  }
0x1cc: {  	v43 =	vld [tilespmem:s26+$0xE0]  }
0x1cd: {  	v45 =	vld [tilespmem:s26+$0x160];
	v10 =	vadd.f32 v42, v10  }
0x1ce: {  	v18 =	vld [tilespmem:s26+$0x10E0]  }
0x1cf: {  	v9 =	vadd.f32 v39, v11;
	v10 =	vadd.f32 v44, v10  }
0x1d0: {  	v47 =	vld [tilespmem:s26+$0x1160];
	v46 =	vadd.f32 v41, v40  }
0x1d1: {  	v9 =	vadd.f32 v43, v9;
	v10 =	vadd.f32 v10, v6;
	_ =	sdelay $0x1  }
0x1d2: {  	v11 =	vadd.f32 v45, v46;
	v9 =	vadd.f32 v18, v9;
	v10 =	vmax.f32 v10, $0.0e+00  }
0x1d3: {  	v48 =	vld [tilespmem:s25+$0x1170];
	[tilespmem:s29+$0xFFFFFF60] =	vst v10  }
0x1d4: {  	v11 =	vadd.f32 v47, v11;
	v9 =	vadd.f32 v9, v6;
	v50 =	vld [tilespmem:s26+$0xFFFFE070]  }
0x1d5: {  	v51 =	vld [tilespmem:s26+$0xFFFFF070]  }
0x1d6: {  	v49 =	vadd.f32 v11, v6;
	v9 =	vmax.f32 v9, $0.0e+00;
	v56 =	vld [tilespmem:s26+$0x70]  }
0x1d7: {  	[tilespmem:s29+$0xFFFFFFE0] =	vst v9;
	v19 =	vld [tilespmem:s26+$0x1070]  }
0x1d8: {  	v10 =	vmax.f32 v49, $0.0e+00;
	v52 =	vld [tilespmem:s26+$0xFFFFE0F0]  }
0x1d9: {  	[tilespmem:s29+$0x60] =	vst v10;
	v53 =	vld [tilespmem:s26+$0xFFFFF0F0]  }
0x1da: {  	v54 =	vld [tilespmem:s26+$0xFFFFE170]  }
0x1db: {  	v55 =	vld [tilespmem:s26+$0xFFFFF170]  }
0x1dc: {  	v57 =	vld [tilespmem:s26+$0xF0]  }
0x1dd: {  	v58 =	vld [tilespmem:s26+$0x170]  }
0x1de: {  	v59 =	vld [tilespmem:s26+$0x10F0];
	v9 =	vadd.f32 v51, v50  }
0x1df: {  	v60 =	vld [tilespmem:s26+$0x1170];
	v10 =	vadd.f32 v53, v52  }
0x1e0: {  	v14 =	vadd.f32 v55, v54;
	v9 =	vadd.f32 v56, v9  }
0x1e1: {  	v8 =	vadd.f32 v48, v8;
	v10 =	vadd.f32 v57, v10  }
0x1e2: {  	v61 =	vadd.f32 v58, v14;
	v9 =	vadd.f32 v19, v9  }
0x1e3: {  	v8 =	vadd.f32 v8, v7;
	v10 =	vadd.f32 v59, v10  }
0x1e4: {  	v62 =	vadd.f32 v60, v61;
	v9 =	vadd.f32 v9, v7  }
0x1e5: {  	v8 =	vmax.f32 v8, $0.0e+00;
	v10 =	vadd.f32 v10, v7  }
0x1e6: {  	[tilespmem:s24+$0x70] =	vst v8;
	v63 =	vadd.f32 v62, v7;
	v8 =	vmax.f32 v9, $0.0e+00  }
0x1e7: {  	s31 =	sadd.s32 s5, s23;
	[tilespmem:s29+$0xFFFFFF70] =	vst v8;
	v8 =	vmax.f32 v10, $0.0e+00  }
0x1e8: {  	s24 =	sshll.u32 s31, $0x9;
	[tilespmem:s29+$0xFFFFFFF0] =	vst v8;
	v8 =	vmax.f32 v63, $0.0e+00  }
0x1e9: {  	s24 =	sadd.s32 s3, s24;
	[tilespmem:s29+$0x70] =	vst v8  }
0x1ea: {  	[hbm4b:s24+s4] =	stream.linear.scatter [tilespmem:s1], [sflag:$0x2], $0x1000, $0x38;
	[tilespmem:$0x12200] =	vst v63  }
.LBB2_6:
0x1eb: {  	s24 =	sadd.s32 $0x1, s23  }
0x1ec: {  	p1 =	sge.u32 s24, s7  }
.Ltmp6:
0x1ed: {  	_ = 	snop;
	(pc) =	sbr.rel @p1 .LBB2_10-.Ltmp6, $1  }
0x1ee: {  	_ =	sdelay $0x3  }
0x1ef: {  	s25 =	sadd.s32 $0x3, s23  }
0x1f0: {  	p1 =	sge.u32 s25, s7  }
0x1f1: {  	s25 =	sshll.u32 @!p1 s25, $0x5  }
0x1f2: {  	s26 =	simm.s32 @!p1 $0x20;
	s28 =	simm.s32 @!p1 $0x3180;
	s25 =	sand.u32 @!p1 $0x3FFFFFE0, s25  }
0x1f3: {  	[tilespmem:s28], [sflag:$0x1] =	stream.indirect.gather @!p1 [hbm4b:s6+s26], $0x80, s25, s26, $0xb8;
	[tilespmem:$0x12200] =	vst v63  }
0x1f4: {  	s29 =	simm.s32 @!p1 $0x4180;
	s28 =	sadd.s32 @!p1 $0xC60, s25  }
0x1f5: {  	[tilespmem:s29], [sflag:$0x1] =	stream.indirect.gather @!p1 [hbm4b:s6+s26], $0x80, s28, s26, $0xb8;
	[tilespmem:$0x12200] =	vst v63  }
0x1f6: {  	s28 =	sadd.s32 @!p1 $0x18C0, s25;
	s29 =	simm.s32 @!p1 $0x5180  }
0x1f7: {  	[tilespmem:s29], [sflag:$0x1] =	stream.indirect.gather @!p1 [hbm4b:s6+s26], $0x80, s28, s26, $0xb8;
	[tilespmem:$0x12200] =	vst v63  }
0x1f8: {  	s25 =	sadd.s32 @!p1 $0x2520, s25;
	s28 =	simm.s32 @!p1 $0x6180  }
0x1f9: {  	[tilespmem:s28], [sflag:$0x1] =	stream.indirect.gather @!p1 [hbm4b:s6+s26], $0x80, s25, s26, $0xb8;
	[tilespmem:$0x12200] =	vst v63  }
0x1fa: {  	_ =	swait.ge [sflag:s18], $0x4000  }
0x1fb: {  	p1 =	seq.s32 s21, $0x0;
	[sflag:s18] =	ssyncset.done $0x0  }
0x1fc: {  	s25 =	simm.s32 @!p1 $0x2;
	[sflag:s18] =	ssyncadd.s32 $0xFFFFC000  }
0x1fd: {  	_ =	swait.ge @!p1 [sflag:s25], $0x1000  }
0x1fe: {  	[sflag:s25] =	ssyncset.done @!p1 $0x0  }
0x1ff: {  	[sflag:s25] =	ssyncadd.s32 @!p1 $0xFFFFF000;
	s25 =	simm.s32 $0x0  }
0x200: {  	v8 =	vld [tilespmem:s25+$0x7370]  }
0x201: {  	v9 =	vld [tilespmem:s25+$0x8370]  }
0x202: {  	v10 =	vld [tilespmem:s25+$0x7180]  }
0x203: {  	v11 =	vld [tilespmem:s25+$0x9370]  }
0x204: {  	v12 =	vld [tilespmem:s25+$0x8180]  }
0x205: {  	v13 =	vld [tilespmem:s25+$0xA370]  }
0x206: {  	v14 =	vld [tilespmem:s25+$0x7190]  }
0x207: {  	v17 =	vld [tilespmem:s25+$0x8190]  }
0x208: {  	v15 =	vld [tilespmem:s25+$0x71A0]  }
0x209: {  	v18 =	vld [tilespmem:s25+$0x81A0]  }
0x20a: {  	v19 =	vld [tilespmem:s25+$0x71B0]  }
0x20b: {  	v21 =	vld [tilespmem:s25+$0x81B0]  }
0x20c: {  	v20 =	vld [tilespmem:s25+$0x71C0]  }
0x20d: {  	v22 =	vld [tilespmem:s25+$0x81C0]  }
0x20e: {  	v23 =	vld [tilespmem:s25+$0x71D0]  }
0x20f: {  	v25 =	vld [tilespmem:s25+$0x81D0]  }
0x210: {  	v24 =	vld [tilespmem:s25+$0x71E0]  }
0x211: {  	v16 =	vld [tilespmem:s25+$0x7210]  }
0x212: {  	v26 =	vld [tilespmem:s25+$0x81E0]  }
0x213: {  	v27 =	vld [tilespmem:s25+$0x71F0]  }
0x214: {  	v30 =	vld [tilespmem:s25+$0x81F0]  }
0x215: {  	v29 =	vld [tilespmem:s25+$0x7200]  }
0x216: {  	v33 =	vld [tilespmem:s25+$0x8200];
	[tilespmem:$0x1FE50] =	vst v16  }
0x217: {  	v16 =	vld [tilespmem:s25+$0x8210];
	_ =	sdelay $0x4  }
0x218: {  	[tilespmem:$0x1FE60] =	vst v16  }
0x219: {  	v16 =	vld [tilespmem:s25+$0x7220];
	_ =	sdelay $0x4  }
0x21a: {  	[tilespmem:$0x1FE70] =	vst v16  }
0x21b: {  	v16 =	vld [tilespmem:s25+$0x8220];
	_ =	sdelay $0x4  }
0x21c: {  	[tilespmem:$0x1FE80] =	vst v16  }
0x21d: {  	v16 =	vld [tilespmem:s25+$0x7230];
	_ =	sdelay $0x4  }
0x21e: {  	[tilespmem:$0x1FE90] =	vst v16  }
0x21f: {  	v16 =	vld [tilespmem:s25+$0x8230];
	_ =	sdelay $0x4  }
0x220: {  	[tilespmem:$0x1FEA0] =	vst v16  }
0x221: {  	v16 =	vld [tilespmem:s25+$0x7240];
	_ =	sdelay $0x4  }
0x222: {  	[tilespmem:$0x1FEB0] =	vst v16  }
0x223: {  	v16 =	vld [tilespmem:s25+$0x8240];
	_ =	sdelay $0x4  }
0x224: {  	[tilespmem:$0x1FEC0] =	vst v16  }
0x225: {  	v16 =	vld [tilespmem:s25+$0x7250];
	_ =	sdelay $0x4  }
0x226: {  	[tilespmem:$0x1FED0] =	vst v16  }
0x227: {  	v16 =	vld [tilespmem:s25+$0x8250];
	_ =	sdelay $0x4  }
0x228: {  	[tilespmem:$0x1FEE0] =	vst v16  }
0x229: {  	v16 =	vld [tilespmem:s25+$0x7260];
	_ =	sdelay $0x4  }
0x22a: {  	[tilespmem:$0x1FEF0] =	vst v16  }
0x22b: {  	v16 =	vld [tilespmem:s25+$0x8260];
	_ =	sdelay $0x4  }
0x22c: {  	[tilespmem:$0x1FF00] =	vst v16  }
0x22d: {  	v16 =	vld [tilespmem:s25+$0x7270];
	_ =	sdelay $0x4  }
0x22e: {  	[tilespmem:$0x1FF10] =	vst v16  }
0x22f: {  	v16 =	vld [tilespmem:s25+$0x8270];
	_ =	sdelay $0x4  }
0x230: {  	[tilespmem:$0x1FF20] =	vst v16  }
0x231: {  	v16 =	vld [tilespmem:s25+$0x7280];
	_ =	sdelay $0x4  }
0x232: {  	[tilespmem:$0x1FF30] =	vst v16  }
0x233: {  	v16 =	vld [tilespmem:s25+$0x8280];
	_ =	sdelay $0x4  }
0x234: {  	[tilespmem:$0x1FF40] =	vst v16  }
0x235: {  	v16 =	vld [tilespmem:s25+$0x7290];
	_ =	sdelay $0x4  }
0x236: {  	[tilespmem:$0x1FF50] =	vst v16  }
0x237: {  	v16 =	vld [tilespmem:s25+$0x8290];
	_ =	sdelay $0x4  }
0x238: {  	[tilespmem:$0x1FF60] =	vst v16  }
0x239: {  	v16 =	vld [tilespmem:s25+$0x72A0];
	_ =	sdelay $0x4  }
0x23a: {  	[tilespmem:$0x1FF70] =	vst v16  }
0x23b: {  	v16 =	vld [tilespmem:s25+$0x82A0];
	_ =	sdelay $0x4  }
0x23c: {  	[tilespmem:$0x1FF80] =	vst v16  }
0x23d: {  	v8 =	vadd.f32 v9, v8;
	v9 =	vld [tilespmem:s25+$0x72B0];
	_ =	sdelay $0x4  }
0x23e: {  	[tilespmem:$0x1FF90] =	vst v9  }
0x23f: {  	v9 =	vld [tilespmem:s25+$0x72C0];
	_ =	sdelay $0x4  }
0x240: {  	v50 =	vld [tilespmem:s25+$0x82B0];
	[tilespmem:$0x1FFA0] =	vst v9  }
0x241: {  	v9 =	vld [tilespmem:s25+$0x82C0];
	_ =	sdelay $0x4  }
0x242: {  	[tilespmem:$0x1FFB0] =	vst v9  }
0x243: {  	v9 =	vld [tilespmem:s25+$0x72D0];
	_ =	sdelay $0x4  }
0x244: {  	[tilespmem:$0x1FFC0] =	vst v9  }
0x245: {  	v9 =	vld [tilespmem:s25+$0x72E0];
	_ =	sdelay $0x4  }
0x246: {  	v52 =	vld [tilespmem:s25+$0x82D0];
	[tilespmem:$0x1FFD0] =	vst v9  }
0x247: {  	v9 =	vld [tilespmem:s25+$0x82E0];
	_ =	sdelay $0x4  }
0x248: {  	[tilespmem:$0x1FFE0] =	vst v9  }
0x249: {  	v9 =	vld [tilespmem:s25+$0x72F0];
	_ =	sdelay $0x4  }
0x24a: {  	v8 =	vadd.f32 v11, v8;
	[tilespmem:$0x1FFF0] =	vst v9  }
0x24b: {  	v53 =	vld [tilespmem:s25+$0x82F0]  }
0x24c: {  	v8 =	vadd.f32 v13, v8;
	v56 =	vld [tilespmem:s25+$0x7300]  }
0x24d: {  	v57 =	vld [tilespmem:s25+$0x8300]  }
0x24e: {  	v8 =	vadd.f32 v8, v7;
	v58 =	vld [tilespmem:s25+$0x7310]  }
0x24f: {  	v59 =	vld [tilespmem:s25+$0x8310]  }
0x250: {  	v8 =	vmax.f32 v8, $0.0e+00;
	v60 =	vld [tilespmem:s25+$0x7320]  }
0x251: {  	[tilespmem:s25+$0x10370] =	vst v8;
	v61 =	vld [tilespmem:s25+$0x8320]  }
0x252: {  	v8 =	vld [tilespmem:$0x1FE50]  }
0x253: {  	v9 =	vld [tilespmem:$0x1FE60]  }
0x254: {  	v62 =	vld [tilespmem:s25+$0x7330]  }
0x255: {  	v63 =	vld [tilespmem:s25+$0x8330]  }
0x256: {  	v49 =	vld [tilespmem:s25+$0x7340]  }
0x257: {  	v43 =	vld [tilespmem:s25+$0x8340]  }
0x258: {  	v28 =	vadd.f32 v25, v23;
	v25 =	vadd.f32 v9, v8;
	v8 =	vld [tilespmem:$0x1FE70]  }
0x259: {  	v9 =	vld [tilespmem:$0x1FE80]  }
0x25a: {  	v41 =	vld [tilespmem:s25+$0x7350]  }
0x25b: {  	v38 =	vld [tilespmem:s25+$0x8350]  }
0x25c: {  	v46 =	vld [tilespmem:s25+$0x7360]  }
0x25d: {  	v40 =	vld [tilespmem:s25+$0x8360]  }
0x25e: {  	v13 =	vadd.f32 v9, v8;
	v8 =	vld [tilespmem:$0x1FE90]  }
0x25f: {  	v9 =	vld [tilespmem:$0x1FEA0]  }
0x260: {  	v37 =	vld [tilespmem:s25+$0x9180]  }
0x261: {  	v44 =	vld [tilespmem:s25+$0x9190]  }
0x262: {  	v45 =	vld [tilespmem:s25+$0x91A0]  }
0x263: {  	v47 =	vld [tilespmem:s25+$0x91B0]  }
0x264: {  	v32 =	vadd.f32 v30, v27;
	v30 =	vadd.f32 v9, v8;
	v8 =	vld [tilespmem:$0x1FEB0]  }
0x265: {  	v9 =	vld [tilespmem:$0x1FEC0]  }
0x266: {  	v48 =	vld [tilespmem:s25+$0x91C0]  }
0x267: {  	v51 =	vld [tilespmem:s25+$0x91D0]  }
0x268: {  	v42 =	vld [tilespmem:s25+$0x91E0]  }
0x269: {  	v39 =	vld [tilespmem:s25+$0x91F0]  }
0x26a: {  	v18 =	vadd.f32 v18, v15;
	v15 =	vadd.f32 v9, v8;
	v8 =	vld [tilespmem:$0x1FED0]  }
0x26b: {  	v9 =	vld [tilespmem:$0x1FEE0]  }
0x26c: {  	v36 =	vld [tilespmem:s25+$0x9200]  }
0x26d: {  	v35 =	vld [tilespmem:s25+$0x9210]  }
0x26e: {  	v34 =	vadd.f32 v17, v14;
	v27 =	vld [tilespmem:s25+$0x9220]  }
0x26f: {  	v20 =	vadd.f32 v22, v20;
	v22 =	vadd.f32 v26, v24;
	v14 =	vld [tilespmem:s25+$0x9230]  }
0x270: {  	v24 =	vadd.f32 v33, v29;
	v33 =	vadd.f32 v9, v8;
	v8 =	vld [tilespmem:$0x1FEF0]  }
0x271: {  	v9 =	vld [tilespmem:$0x1FF00]  }
0x272: {  	v16 =	vadd.f32 v12, v10;
	v12 =	vld [tilespmem:s25+$0x9240]  }
0x273: {  	v11 =	vld [tilespmem:s25+$0x9250]  }
0x274: {  	v10 =	vld [tilespmem:s25+$0x9260]  }
0x275: {  	v23 =	vld [tilespmem:$0x1FFB0]  }
0x276: {  	v17 =	vadd.f32 v9, v8;
	v8 =	vld [tilespmem:$0x1FF10]  }
0x277: {  	v9 =	vld [tilespmem:$0x1FF20]  }
0x278: {  	v54 =	vld [tilespmem:$0x1FFD0]  }
0x279: {  	v55 =	vld [tilespmem:$0x1FFE0]  }
0x27a: {  	v56 =	vadd.f32 v57, v56;
	v57 =	vadd.f32 v59, v58;
	v58 =	vld [tilespmem:s25+$0x92A0]  }
0x27b: {  	v59 =	vadd.f32 v61, v60;
	v61 =	vld [tilespmem:s25+$0x92B0]  }
0x27c: {  	v26 =	vadd.f32 v9, v8;
	v8 =	vld [tilespmem:$0x1FF30]  }
0x27d: {  	v9 =	vld [tilespmem:$0x1FF40]  }
0x27e: {  	v38 =	vadd.f32 v38, v41;
	v41 =	vld [tilespmem:s25+$0x92C0]  }
0x27f: {  	v16 =	vadd.f32 v37, v16;
	v37 =	vld [tilespmem:s25+$0x92D0]  }
0x280: {  	v34 =	vadd.f32 v44, v34;
	v44 =	vld [tilespmem:s25+$0x92E0]  }
0x281: {  	v43 =	vadd.f32 v43, v49;
	v49 =	vld [tilespmem:s25+$0x92F0]  }
0x282: {  	v31 =	vadd.f32 v21, v19;
	v19 =	vadd.f32 v9, v8;
	v8 =	vld [tilespmem:$0x1FF50]  }
0x283: {  	v9 =	vld [tilespmem:$0x1FF60]  }
0x284: {  	v28 =	vadd.f32 v51, v28;
	v51 =	vld [tilespmem:s25+$0x9300]  }
0x285: {  	v24 =	vadd.f32 v36, v24;
	v36 =	vld [tilespmem:s25+$0x9310]  }
0x286: {  	v60 =	vadd.f32 v63, v62;
	v62 =	vld [tilespmem:s25+$0x9320]  }
0x287: {  	v54 =	vadd.f32 v55, v54;
	v55 =	vld [tilespmem:$0x1FFF0]  }
0x288: {  	v29 =	vadd.f32 v9, v8;
	v8 =	vld [tilespmem:$0x1FF70]  }
0x289: {  	v40 =	vadd.f32 v40, v46;
	v9 =	vld [tilespmem:$0x1FF80]  }
0x28a: {  	v18 =	vadd.f32 v45, v18;
	v31 =	vadd.f32 v47, v31;
	v63 =	vld [tilespmem:s25+$0x9330]  }
0x28b: {  	v22 =	vadd.f32 v42, v22;
	v42 =	vadd.f32 v51, v56;
	v56 =	vld [tilespmem:s25+$0xA260]  }
0x28c: {  	v20 =	vadd.f32 v48, v20;
	v53 =	vadd.f32 v53, v55;
	v55 =	vld [tilespmem:s25+$0x9290]  }
0x28d: {  	v32 =	vadd.f32 v39, v32;
	v17 =	vadd.f32 v10, v17;
	v10 =	vld [tilespmem:s25+$0x9340]  }
0x28e: {  	v25 =	vadd.f32 v35, v25;
	v21 =	vadd.f32 v9, v8;
	v8 =	vld [tilespmem:$0x1FF90]  }
0x28f: {  	v44 =	vadd.f32 v44, v54;
	v45 =	vadd.f32 v49, v53;
	v53 =	vld [tilespmem:s25+$0xA240]  }
0x290: {  	v15 =	vadd.f32 v12, v15;
	v12 =	vadd.f32 v62, v59;
	v62 =	vld [tilespmem:s25+$0xA1B0]  }
0x291: {  	v33 =	vadd.f32 v11, v33;
	v11 =	vadd.f32 v63, v60;
	v63 =	vld [tilespmem:s25+$0xA1C0]  }
0x292: {  	v27 =	vadd.f32 v27, v13;
	v10 =	vadd.f32 v10, v43;
	v43 =	vld [tilespmem:s25+$0xA1D0]  }
0x293: {  	v13 =	vadd.f32 v36, v57;
	v50 =	vadd.f32 v50, v8;
	v8 =	vld [tilespmem:$0x1FFA0]  }
0x294: {  	v15 =	vadd.f32 v53, v15;
	v29 =	vadd.f32 v55, v29;
	v55 =	vld [tilespmem:s25+$0xA180]  }
0x295: {  	v31 =	vadd.f32 v62, v31;
	v21 =	vadd.f32 v58, v21;
	v58 =	vld [tilespmem:s25+$0xA190]  }
0x296: {  	v14 =	vadd.f32 v14, v30;
	v46 =	vadd.f32 v61, v50;
	v61 =	vld [tilespmem:s25+$0xA1A0]  }
0x297: {  	v15 =	vadd.f32 v15, v4;
	v31 =	vadd.f32 v31, v3;
	v9 =	vld [tilespmem:s25+$0x9270]  }
0x298: {  	v20 =	vadd.f32 v63, v20;
	v23 =	vadd.f32 v23, v8;
	v8 =	vld [tilespmem:$0x1FFC0]  }
0x299: {  	v17 =	vadd.f32 v56, v17;
	v16 =	vadd.f32 v55, v16;
	v50 =	vld [tilespmem:s25+$0xA210]  }
0x29a: {  	v47 =	vld [tilespmem:s25+$0xA1E0];
	v28 =	vadd.f32 v43, v28;
	v34 =	vadd.f32 v58, v34  }
0x29b: {  	v48 =	vld [tilespmem:s25+$0xA1F0];
	v16 =	vadd.f32 v16, v0;
	v18 =	vadd.f32 v61, v18  }
0x29c: {  	v49 =	vld [tilespmem:s25+$0xA200];
	v28 =	vadd.f32 v28, v5;
	v34 =	vadd.f32 v34, v1  }
0x29d: {  	v16 =	vmax.f32 v16, $0.0e+00;
	v18 =	vadd.f32 v18, v2;
	v52 =	vadd.f32 v52, v8;
	v8 =	vld [tilespmem:s25+$0x9280]  }
0x29e: {  	v51 =	vld [tilespmem:s25+$0xA220];
	v26 =	vadd.f32 v9, v26;
	[tilespmem:s25+$0x10180] =	vst v16;
	v16 =	vmax.f32 v34, $0.0e+00;
	v25 =	vadd.f32 v50, v25  }
0x29f: {  	[tilespmem:s25+$0x10190] =	vst v16;
	v16 =	vmax.f32 v18, $0.0e+00;
	v18 =	vadd.f32 v20, v4;
	v20 =	vadd.f32 v47, v22;
	v22 =	vld [tilespmem:s25+$0xA230]  }
0x2a0: {  	v57 =	vld [tilespmem:s25+$0xA270];
	v37 =	vadd.f32 v37, v52;
	[tilespmem:s25+$0x101A0] =	vst v16;
	v16 =	vmax.f32 v31, $0.0e+00;
	v52 =	vadd.f32 v48, v32  }
0x2a1: {  	v54 =	vld [tilespmem:s25+$0xA250];
	[tilespmem:s25+$0x101B0] =	vst v16;
	v16 =	vmax.f32 v18, $0.0e+00;
	v18 =	vadd.f32 v20, v6;
	v20 =	vadd.f32 v49, v24  }
0x2a2: {  	[tilespmem:s25+$0x101C0] =	vst v16;
	v16 =	vmax.f32 v28, $0.0e+00;
	v55 =	vadd.f32 v52, v7;
	v19 =	vadd.f32 v8, v19;
	v8 =	vld [tilespmem:s25+$0x9350]  }
0x2a3: {  	v39 =	vld [tilespmem:s25+$0x9360];
	[tilespmem:s25+$0x101D0] =	vst v16;
	v16 =	vmax.f32 v18, $0.0e+00;
	v18 =	vadd.f32 v20, v0;
	v20 =	vadd.f32 v51, v27  }
0x2a4: {  	v25 =	vadd.f32 v25, v1;
	[tilespmem:s25+$0x101E0] =	vst v16;
	v16 =	vmax.f32 v55, $0.0e+00;
	v14 =	vadd.f32 v22, v14;
	v22 =	vld [tilespmem:s25+$0xA280]  }
0x2a5: {  	v59 =	vadd.f32 v57, v26;
	[tilespmem:s25+$0x101F0] =	vst v16;
	v16 =	vmax.f32 v18, $0.0e+00;
	v18 =	vadd.f32 v20, v2;
	v20 =	vld [tilespmem:s25+$0xA290]  }
0x2a6: {  	v58 =	vld [tilespmem:s25+$0xA2A0];
	v24 =	vadd.f32 v54, v33;
	[tilespmem:s25+$0x10200] =	vst v16;
	v16 =	vmax.f32 v25, $0.0e+00;
	v14 =	vadd.f32 v14, v3  }
0x2a7: {  	v23 =	vadd.f32 v41, v23;
	[tilespmem:s25+$0x10210] =	vst v16;
	v16 =	vmax.f32 v18, $0.0e+00;
	v18 =	vld [tilespmem:s25+$0xA2B0];
	v9 =	vadd.f32 v8, v38  }
0x2a8: {  	v60 =	vld [tilespmem:s25+$0xA2C0];
	v8 =	vadd.f32 v39, v40;
	[tilespmem:s25+$0x10220] =	vst v16;
	v14 =	vmax.f32 v14, $0.0e+00;
	v16 =	vadd.f32 v24, v5  }
0x2a9: {  	[tilespmem:s25+$0x10230] =	vst v14;
	v14 =	vmax.f32 v15, $0.0e+00;
	v15 =	vadd.f32 v17, v6;
	v17 =	vadd.f32 v22, v19;
	v19 =	vld [tilespmem:s25+$0xA2D0]  }
0x2aa: {  	v22 =	vld [tilespmem:s25+$0xA2E0];
	[tilespmem:s25+$0x10240] =	vst v14;
	v14 =	vmax.f32 v16, $0.0e+00;
	v16 =	vadd.f32 v59, v7;
	v20 =	vadd.f32 v20, v29  }
0x2ab: {  	v61 =	vld [tilespmem:s25+$0xA2F0];
	[tilespmem:s25+$0x10250] =	vst v14;
	v14 =	vmax.f32 v15, $0.0e+00;
	v15 =	vadd.f32 v17, v0;
	v17 =	vadd.f32 v58, v21  }
0x2ac: {  	v62 =	vld [tilespmem:s25+$0xA300];
	[tilespmem:s25+$0x10260] =	vst v14;
	v14 =	vmax.f32 v16, $0.0e+00;
	v16 =	vadd.f32 v20, v1;
	v20 =	vadd.f32 v18, v46  }
0x2ad: {  	v21 =	vadd.f32 v60, v23;
	v18 =	vld [tilespmem:s25+$0xA310];
	[tilespmem:s25+$0x10270] =	vst v14;
	v14 =	vmax.f32 v15, $0.0e+00;
	v15 =	vadd.f32 v17, v2  }
0x2ae: {  	v17 =	vld [tilespmem:s25+$0xA320];
	[tilespmem:s25+$0x10280] =	vst v14;
	v14 =	vmax.f32 v16, $0.0e+00;
	v20 =	vadd.f32 v20, v3;
	v19 =	vadd.f32 v19, v37  }
0x2af: {  	v23 =	vadd.f32 v21, v4;
	v63 =	vadd.f32 v22, v44;
	v16 =	vld [tilespmem:s25+$0xA330];
	[tilespmem:s25+$0x10290] =	vst v14;
	v14 =	vmax.f32 v15, $0.0e+00  }
0x2b0: {  	v22 =	vadd.f32 v61, v45;
	v15 =	vld [tilespmem:s25+$0xA340];
	[tilespmem:s25+$0x102A0] =	vst v14;
	v14 =	vmax.f32 v20, $0.0e+00;
	v21 =	vadd.f32 v19, v5  }
0x2b1: {  	s26 =	simm.s32 $0x0;
	s28 =	simm.s32 $0x800;
	v23 =	vmax.f32 v23, $0.0e+00;
	v19 =	vadd.f32 v63, v6;
	v20 =	vadd.f32 v62, v42;
	[tilespmem:s25+$0x102B0] =	vst v14;
	v14 =	vld [tilespmem:s25+$0xA350]  }
.LBB2_8:
0x2b2: {  	s29 =	sshra.s32 s28, $0x2;
	[tilespmem:s25+$0x102C0] =	vst v23;
	v21 =	vmax.f32 v21, $0.0e+00;
	v22 =	vadd.f32 v22, v7;
	v13 =	vadd.f32 v18, v13;
	v18 =	vld [tilespmem:s25+$0xA360]  }
0x2b3: {  	s26 =	sadd.s32 $0x4, s26;
	v23 =	vld [tilespmem:s29+$0x7370];
	[tilespmem:s25+$0x102D0] =	vst v21;
	v19 =	vmax.f32 v19, $0.0e+00;
	v20 =	vadd.f32 v20, v0;
	v12 =	vadd.f32 v17, v12  }
0x2b4: {  	p1 =	slt.u32 s26, $0x1C;
	v17 =	vld [tilespmem:s29+$0x8370];
	[tilespmem:s25+$0x102E0] =	vst v19;
	v19 =	vmax.f32 v22, $0.0e+00;
	v13 =	vadd.f32 v13, v1;
	v11 =	vadd.f32 v16, v11  }
0x2b5: {  	v16 =	vld [tilespmem:s29+$0x7180];
	[tilespmem:s25+$0x102F0] =	vst v19;
	v19 =	vmax.f32 v20, $0.0e+00;
	v12 =	vadd.f32 v12, v2;
	v10 =	vadd.f32 v15, v10  }
0x2b6: {  	v15 =	vld [tilespmem:s29+$0x9370];
	[tilespmem:s25+$0x10300] =	vst v19;
	v13 =	vmax.f32 v13, $0.0e+00;
	v11 =	vadd.f32 v11, v3;
	v9 =	vadd.f32 v14, v9  }
0x2b7: {  	v14 =	vld [tilespmem:s29+$0x8180];
	[tilespmem:s25+$0x10310] =	vst v13;
	v12 =	vmax.f32 v12, $0.0e+00;
	v10 =	vadd.f32 v10, v4;
	v8 =	vadd.f32 v18, v8  }
0x2b8: {  	v13 =	vld [tilespmem:s29+$0xA370];
	[tilespmem:s25+$0x10320] =	vst v12;
	v11 =	vmax.f32 v11, $0.0e+00;
	v9 =	vadd.f32 v9, v5  }
0x2b9: {  	v12 =	vld [tilespmem:s29+$0x7190];
	v17 =	vadd.f32 v17, v23;
	[tilespmem:s25+$0x10330] =	vst v11;
	v10 =	vmax.f32 v10, $0.0e+00;
	v8 =	vadd.f32 v8, v6  }
0x2ba: {  	v11 =	vld [tilespmem:s29+$0x8190];
	[tilespmem:s25+$0x10340] =	vst v10;
	v9 =	vmax.f32 v9, $0.0e+00  }
0x2bb: {  	v10 =	vld [tilespmem:s29+$0x71A0];
	v15 =	vadd.f32 v15, v17;
	[tilespmem:s25+$0x10350] =	vst v9;
	v9 =	vmax.f32 v8, $0.0e+00  }
0x2bc: {  	v8 =	vadd.f32 v14, v16;
	v14 =	vld [tilespmem:s29+$0x81A0];
	[tilespmem:s25+$0x10360] =	vst v9;
	s25 =	smov.u32 s29  }
0x2bd: {  	v16 =	vld [tilespmem:s25+$0x71B0];
	v13 =	vadd.f32 v13, v15  }
0x2be: {  	v15 =	vld [tilespmem:s25+$0x81B0]  }
0x2bf: {  	v9 =	vadd.f32 v11, v12;
	v12 =	vld [tilespmem:s25+$0x71C0];
	v11 =	vadd.f32 v13, v7  }
0x2c0: {  	v13 =	vld [tilespmem:s25+$0x81C0]  }
0x2c1: {  	v10 =	vadd.f32 v14, v10;
	v14 =	vld [tilespmem:s25+$0x71D0];
	v11 =	vmax.f32 v11, $0.0e+00  }
0x2c2: {  	v17 =	vld [tilespmem:s25+$0x81D0];
	[tilespmem:s25+$0x10370] =	vst v11  }
0x2c3: {  	v11 =	vadd.f32 v15, v16;
	v15 =	vld [tilespmem:s25+$0x71E0]  }
0x2c4: {  	v16 =	vld [tilespmem:s25+$0x81E0]  }
0x2c5: {  	v12 =	vadd.f32 v13, v12;
	v18 =	vld [tilespmem:s25+$0x71F0]  }
0x2c6: {  	v19 =	vld [tilespmem:s25+$0x81F0]  }
0x2c7: {  	v13 =	vadd.f32 v17, v14;
	v17 =	vld [tilespmem:s25+$0x7200]  }
0x2c8: {  	v20 =	vld [tilespmem:s25+$0x8200]  }
0x2c9: {  	v14 =	vadd.f32 v16, v15;
	v21 =	vld [tilespmem:s25+$0x7210]  }
0x2ca: {  	v22 =	vld [tilespmem:s25+$0x8210]  }
0x2cb: {  	v15 =	vadd.f32 v19, v18;
	v18 =	vld [tilespmem:s25+$0x7220]  }
0x2cc: {  	v19 =	vld [tilespmem:s25+$0x8220]  }
0x2cd: {  	v16 =	vadd.f32 v20, v17;
	v20 =	vld [tilespmem:s25+$0x7230]  }
0x2ce: {  	v23 =	vld [tilespmem:s25+$0x8230]  }
0x2cf: {  	v17 =	vadd.f32 v22, v21;
	v21 =	vld [tilespmem:s25+$0x7240]  }
0x2d0: {  	v22 =	vld [tilespmem:s25+$0x8240]  }
0x2d1: {  	v18 =	vadd.f32 v19, v18;
	v24 =	vld [tilespmem:s25+$0x7250]  }
0x2d2: {  	v25 =	vld [tilespmem:s25+$0x8250]  }
0x2d3: {  	v19 =	vadd.f32 v23, v20;
	v23 =	vld [tilespmem:s25+$0x7260]  }
0x2d4: {  	v26 =	vld [tilespmem:s25+$0x8260]  }
0x2d5: {  	v20 =	vadd.f32 v22, v21;
	v21 =	vld [tilespmem:s25+$0x7270]  }
0x2d6: {  	v22 =	vld [tilespmem:s25+$0x8270]  }
0x2d7: {  	v24 =	vadd.f32 v25, v24;
	v25 =	vld [tilespmem:s25+$0x7280]  }
0x2d8: {  	v27 =	vld [tilespmem:s25+$0x8280]  }
0x2d9: {  	v23 =	vadd.f32 v26, v23;
	v26 =	vld [tilespmem:s25+$0x7290]  }
0x2da: {  	v28 =	vld [tilespmem:s25+$0x8290]  }
0x2db: {  	v21 =	vadd.f32 v22, v21;
	v22 =	vld [tilespmem:s25+$0x72A0]  }
0x2dc: {  	v29 =	vld [tilespmem:s25+$0x82A0]  }
0x2dd: {  	v25 =	vadd.f32 v27, v25;
	v27 =	vld [tilespmem:s25+$0x72B0]  }
0x2de: {  	v30 =	vld [tilespmem:s25+$0x82B0]  }
0x2df: {  	v26 =	vadd.f32 v28, v26;
	v28 =	vld [tilespmem:s25+$0x72C0]  }
0x2e0: {  	v31 =	vld [tilespmem:s25+$0x82C0]  }
0x2e1: {  	v29 =	vadd.f32 v29, v22;
	v22 =	vld [tilespmem:s25+$0x72D0]  }
0x2e2: {  	v32 =	vld [tilespmem:s25+$0x82D0]  }
0x2e3: {  	v27 =	vadd.f32 v30, v27;
	v30 =	vld [tilespmem:s25+$0x72E0]  }
0x2e4: {  	v33 =	vld [tilespmem:s25+$0x82E0]  }
0x2e5: {  	v28 =	vadd.f32 v31, v28;
	v31 =	vld [tilespmem:s25+$0x72F0]  }
0x2e6: {  	v34 =	vld [tilespmem:s25+$0x82F0]  }
0x2e7: {  	v32 =	vadd.f32 v32, v22;
	v22 =	vld [tilespmem:s25+$0x7300]  }
0x2e8: {  	v35 =	vld [tilespmem:s25+$0x8300]  }
0x2e9: {  	v30 =	vadd.f32 v33, v30;
	v33 =	vld [tilespmem:s25+$0x7310]  }
0x2ea: {  	v36 =	vld [tilespmem:s25+$0x8310]  }
0x2eb: {  	v31 =	vadd.f32 v34, v31;
	v34 =	vld [tilespmem:s25+$0x7320]  }
0x2ec: {  	v37 =	vld [tilespmem:s25+$0x8320]  }
0x2ed: {  	v35 =	vadd.f32 v35, v22;
	v22 =	vld [tilespmem:s25+$0x7330]  }
0x2ee: {  	v38 =	vld [tilespmem:s25+$0x8330]  }
0x2ef: {  	v33 =	vadd.f32 v36, v33;
	v36 =	vld [tilespmem:s25+$0x7340]  }
0x2f0: {  	v39 =	vld [tilespmem:s25+$0x8340]  }
0x2f1: {  	v34 =	vadd.f32 v37, v34;
	v37 =	vld [tilespmem:s25+$0x7350]  }
0x2f2: {  	v40 =	vld [tilespmem:s25+$0x8350]  }
0x2f3: {  	v38 =	vadd.f32 v38, v22;
	v22 =	vld [tilespmem:s25+$0x7360]  }
0x2f4: {  	v41 =	vld [tilespmem:s25+$0x8360]  }
0x2f5: {  	v42 =	vld [tilespmem:s25+$0x9180];
	v36 =	vadd.f32 v39, v36  }
0x2f6: {  	v39 =	vld [tilespmem:s25+$0x9190]  }
0x2f7: {  	v43 =	vld [tilespmem:s25+$0x91A0];
	v37 =	vadd.f32 v40, v37  }
0x2f8: {  	v40 =	vld [tilespmem:s25+$0x91B0]  }
0x2f9: {  	v44 =	vld [tilespmem:s25+$0x91C0];
	v41 =	vadd.f32 v41, v22  }
0x2fa: {  	v42 =	vadd.f32 v42, v8;
	v8 =	vld [tilespmem:s25+$0x91D0]  }
0x2fb: {  	v39 =	vadd.f32 v39, v9;
	v9 =	vld [tilespmem:s25+$0x91E0]  }
0x2fc: {  	v43 =	vadd.f32 v43, v10;
	v10 =	vld [tilespmem:s25+$0x91F0]  }
0x2fd: {  	v40 =	vadd.f32 v40, v11;
	v11 =	vld [tilespmem:s25+$0x9200]  }
0x2fe: {  	v44 =	vadd.f32 v44, v12;
	v12 =	vld [tilespmem:s25+$0x9210]  }
0x2ff: {  	v45 =	vadd.f32 v8, v13;
	v8 =	vld [tilespmem:s25+$0x9220]  }
0x300: {  	v46 =	vadd.f32 v9, v14;
	v9 =	vld [tilespmem:s25+$0x9230]  }
0x301: {  	v47 =	vadd.f32 v10, v15;
	v10 =	vld [tilespmem:s25+$0x9240]  }
0x302: {  	v48 =	vadd.f32 v11, v16;
	v11 =	vld [tilespmem:s25+$0x9250]  }
0x303: {  	v49 =	vadd.f32 v12, v17;
	v12 =	vld [tilespmem:s25+$0x9260]  }
0x304: {  	v50 =	vadd.f32 v8, v18;
	v8 =	vld [tilespmem:s25+$0x9270]  }
0x305: {  	v51 =	vadd.f32 v9, v19;
	v9 =	vld [tilespmem:s25+$0x9280]  }
0x306: {  	v52 =	vadd.f32 v10, v20;
	v10 =	vld [tilespmem:s25+$0x9290]  }
0x307: {  	v24 =	vadd.f32 v11, v24;
	v11 =	vld [tilespmem:s25+$0x92A0]  }
0x308: {  	v53 =	vadd.f32 v12, v23;
	v12 =	vld [tilespmem:s25+$0x92B0]  }
0x309: {  	v23 =	vadd.f32 v8, v21;
	v8 =	vld [tilespmem:s25+$0x92C0]  }
0x30a: {  	v22 =	vadd.f32 v9, v25;
	v9 =	vld [tilespmem:s25+$0x92D0]  }
0x30b: {  	v21 =	vadd.f32 v10, v26;
	v10 =	vld [tilespmem:s25+$0x92E0]  }
0x30c: {  	v20 =	vadd.f32 v11, v29;
	v11 =	vld [tilespmem:s25+$0x92F0]  }
0x30d: {  	v19 =	vadd.f32 v12, v27;
	v12 =	vld [tilespmem:s25+$0x9300]  }
0x30e: {  	v18 =	vadd.f32 v8, v28;
	v8 =	vld [tilespmem:s25+$0x9310]  }
0x30f: {  	v17 =	vadd.f32 v9, v32;
	v9 =	vld [tilespmem:s25+$0x9320]  }
0x310: {  	v16 =	vadd.f32 v10, v30;
	v10 =	vld [tilespmem:s25+$0x9330]  }
0x311: {  	v15 =	vadd.f32 v11, v31;
	v25 =	vld [tilespmem:s25+$0x9340]  }
0x312: {  	v14 =	vadd.f32 v12, v35;
	v26 =	vld [tilespmem:s25+$0x9350]  }
0x313: {  	v13 =	vadd.f32 v8, v33;
	v8 =	vld [tilespmem:s25+$0x9360]  }
0x314: {  	v27 =	vld [tilespmem:s25+$0xA180];
	v12 =	vadd.f32 v9, v34  }
0x315: {  	v28 =	vld [tilespmem:s25+$0xA190];
	v11 =	vadd.f32 v10, v38  }
0x316: {  	v29 =	vld [tilespmem:s25+$0xA1A0];
	v10 =	vadd.f32 v25, v36  }
0x317: {  	v25 =	vld [tilespmem:s25+$0xA1B0];
	v9 =	vadd.f32 v26, v37  }
0x318: {  	v26 =	vld [tilespmem:s25+$0xA1C0];
	v8 =	vadd.f32 v8, v41  }
0x319: {  	v27 =	vadd.f32 v27, v42;
	v30 =	vld [tilespmem:s25+$0xA1D0]  }
0x31a: {  	v28 =	vadd.f32 v28, v39;
	v31 =	vld [tilespmem:s25+$0xA1E0]  }
0x31b: {  	v27 =	vadd.f32 v27, v0;
	v29 =	vadd.f32 v29, v43;
	v32 =	vld [tilespmem:s25+$0xA1F0]  }
0x31c: {  	v28 =	vadd.f32 v28, v1;
	v25 =	vadd.f32 v25, v40;
	v33 =	vld [tilespmem:s25+$0xA200]  }
0x31d: {  	v27 =	vmax.f32 v27, $0.0e+00;
	v29 =	vadd.f32 v29, v2;
	v26 =	vadd.f32 v26, v44;
	v34 =	vld [tilespmem:s25+$0xA210]  }
0x31e: {  	[tilespmem:s25+$0x10180] =	vst v27;
	v27 =	vmax.f32 v28, $0.0e+00;
	v25 =	vadd.f32 v25, v3;
	v28 =	vadd.f32 v30, v45;
	v30 =	vld [tilespmem:s25+$0xA220]  }
0x31f: {  	[tilespmem:s25+$0x10190] =	vst v27;
	v27 =	vmax.f32 v29, $0.0e+00;
	v26 =	vadd.f32 v26, v4;
	v29 =	vadd.f32 v31, v46;
	v31 =	vld [tilespmem:s25+$0xA230]  }
0x320: {  	[tilespmem:s25+$0x101A0] =	vst v27;
	v25 =	vmax.f32 v25, $0.0e+00;
	v27 =	vadd.f32 v28, v5;
	v28 =	vadd.f32 v32, v47;
	v32 =	vld [tilespmem:s25+$0xA240]  }
0x321: {  	[tilespmem:s25+$0x101B0] =	vst v25;
	v25 =	vmax.f32 v26, $0.0e+00;
	v26 =	vadd.f32 v29, v6;
	v29 =	vadd.f32 v33, v48;
	v33 =	vld [tilespmem:s25+$0xA250]  }
0x322: {  	[tilespmem:s25+$0x101C0] =	vst v25;
	v25 =	vmax.f32 v27, $0.0e+00;
	v27 =	vadd.f32 v28, v7;
	v28 =	vadd.f32 v34, v49;
	v34 =	vld [tilespmem:s25+$0xA260]  }
0x323: {  	[tilespmem:s25+$0x101D0] =	vst v25;
	v25 =	vmax.f32 v26, $0.0e+00;
	v26 =	vadd.f32 v29, v0;
	v29 =	vadd.f32 v30, v50;
	v30 =	vld [tilespmem:s25+$0xA270]  }
0x324: {  	[tilespmem:s25+$0x101E0] =	vst v25;
	v25 =	vmax.f32 v27, $0.0e+00;
	v27 =	vadd.f32 v28, v1;
	v28 =	vadd.f32 v31, v51;
	v31 =	vld [tilespmem:s25+$0xA280]  }
0x325: {  	[tilespmem:s25+$0x101F0] =	vst v25;
	v25 =	vmax.f32 v26, $0.0e+00;
	v26 =	vadd.f32 v29, v2;
	v29 =	vadd.f32 v32, v52;
	v32 =	vld [tilespmem:s25+$0xA290]  }
0x326: {  	[tilespmem:s25+$0x10200] =	vst v25;
	v25 =	vmax.f32 v27, $0.0e+00;
	v27 =	vadd.f32 v28, v3;
	v24 =	vadd.f32 v33, v24;
	v28 =	vld [tilespmem:s25+$0xA2A0]  }
0x327: {  	[tilespmem:s25+$0x10210] =	vst v25;
	v25 =	vmax.f32 v26, $0.0e+00;
	v26 =	vadd.f32 v29, v4;
	v29 =	vadd.f32 v34, v53;
	v33 =	vld [tilespmem:s25+$0xA2B0]  }
0x328: {  	[tilespmem:s25+$0x10220] =	vst v25;
	v25 =	vmax.f32 v27, $0.0e+00;
	v24 =	vadd.f32 v24, v5;
	v23 =	vadd.f32 v30, v23;
	v27 =	vld [tilespmem:s25+$0xA2C0]  }
0x329: {  	[tilespmem:s25+$0x10230] =	vst v25;
	v25 =	vmax.f32 v26, $0.0e+00;
	v26 =	vadd.f32 v29, v6;
	v22 =	vadd.f32 v31, v22;
	v29 =	vld [tilespmem:s25+$0xA2D0]  }
0x32a: {  	[tilespmem:s25+$0x10240] =	vst v25;
	v24 =	vmax.f32 v24, $0.0e+00;
	v23 =	vadd.f32 v23, v7;
	v21 =	vadd.f32 v32, v21;
	v25 =	vld [tilespmem:s25+$0xA2E0]  }
0x32b: {  	[tilespmem:s25+$0x10250] =	vst v24;
	v24 =	vmax.f32 v26, $0.0e+00;
	v22 =	vadd.f32 v22, v0;
	v20 =	vadd.f32 v28, v20;
	v26 =	vld [tilespmem:s25+$0xA2F0]  }
0x32c: {  	[tilespmem:s25+$0x10260] =	vst v24;
	v23 =	vmax.f32 v23, $0.0e+00;
	v21 =	vadd.f32 v21, v1;
	v19 =	vadd.f32 v33, v19;
	v24 =	vld [tilespmem:s25+$0xA300]  }
.Ltmp7:
0x32d: {  	[tilespmem:s25+$0x10270] =	vst v23;
	v22 =	vmax.f32 v22, $0.0e+00;
	v20 =	vadd.f32 v20, v2;
	v23 =	vadd.f32 v27, v18;
	v18 =	vld [tilespmem:s25+$0xA310];
	(pc) =	sbr.rel @p1 .LBB2_8-.Ltmp7, $4  }
0x32e: {  	[tilespmem:s25+$0x10280] =	vst v22;
	v21 =	vmax.f32 v21, $0.0e+00;
	v19 =	vadd.f32 v19, v3;
	v22 =	vadd.f32 v29, v17;
	v17 =	vld [tilespmem:s25+$0xA320]  }
0x32f: {  	[tilespmem:s25+$0x10290] =	vst v21;
	v20 =	vmax.f32 v20, $0.0e+00;
	v23 =	vadd.f32 v23, v4;
	v25 =	vadd.f32 v25, v16;
	v16 =	vld [tilespmem:s25+$0xA330]  }
0x330: {  	[tilespmem:s25+$0x102A0] =	vst v20;
	v19 =	vmax.f32 v19, $0.0e+00;
	v21 =	vadd.f32 v22, v5;
	v22 =	vadd.f32 v26, v15;
	v15 =	vld [tilespmem:s25+$0xA340]  }
0x331: {  	s28 =	sadd.s32 $0x800, s28;
	[tilespmem:s25+$0x102B0] =	vst v19;
	v23 =	vmax.f32 v23, $0.0e+00;
	v19 =	vadd.f32 v25, v6;
	v20 =	vadd.f32 v24, v14;
	v14 =	vld [tilespmem:s25+$0xA350]  }
0x332: {  	[tilespmem:s25+$0x102C0] =	vst v23;
	v21 =	vmax.f32 v21, $0.0e+00;
	v22 =	vadd.f32 v22, v7;
	v13 =	vadd.f32 v18, v13;
	v61 =	vld [tilespmem:s25+$0xA360]  }
0x333: {  	[tilespmem:s25+$0x102D0] =	vst v21;
	v19 =	vmax.f32 v19, $0.0e+00;
	v20 =	vadd.f32 v20, v0;
	v12 =	vadd.f32 v17, v12  }
0x334: {  	[tilespmem:s25+$0x102E0] =	vst v19;
	v62 =	vmax.f32 v22, $0.0e+00;
	v13 =	vadd.f32 v13, v1;
	v11 =	vadd.f32 v16, v11  }
0x335: {  	[tilespmem:s25+$0x102F0] =	vst v62;
	v63 =	vmax.f32 v20, $0.0e+00;
	v12 =	vadd.f32 v12, v2;
	v10 =	vadd.f32 v15, v10  }
0x336: {  	[tilespmem:s25+$0x10300] =	vst v63;
	v13 =	vmax.f32 v13, $0.0e+00;
	v11 =	vadd.f32 v11, v3;
	v9 =	vadd.f32 v14, v9  }
0x337: {  	[tilespmem:s25+$0x10310] =	vst v13;
	v12 =	vmax.f32 v12, $0.0e+00;
	v10 =	vadd.f32 v10, v4;
	v8 =	vadd.f32 v61, v8  }
0x338: {  	[tilespmem:s25+$0x10320] =	vst v12;
	v11 =	vmax.f32 v11, $0.0e+00;
	v9 =	vadd.f32 v9, v5  }
0x339: {  	s24 =	sadd.s32 s5, s24;
	[tilespmem:s25+$0x10330] =	vst v11;
	v10 =	vmax.f32 v10, $0.0e+00;
	v8 =	vadd.f32 v8, v6  }
0x33a: {  	s24 =	sshll.u32 s24, $0x9;
	[tilespmem:s25+$0x10340] =	vst v10;
	v9 =	vmax.f32 v9, $0.0e+00  }
0x33b: {  	s24 =	sand.u32 $0x1FFFFE00, s24;
	[tilespmem:s25+$0x10350] =	vst v9;
	v8 =	vmax.f32 v8, $0.0e+00  }
0x33c: {  	s24 =	sadd.s32 s3, s24;
	[tilespmem:s25+$0x10360] =	vst v8  }
0x33d: {  	[hbm4b:s24+s4] =	stream.linear.scatter [tilespmem:s0], [sflag:$0x2], $0x1000, $0x38;
	[tilespmem:$0x12200] =	vst v63  }
.LBB2_10:
.Ltmp8:
0x33e: {  	(pc) =	sbr.rel @p0 .LBB2_14-.Ltmp8, $1  }
0x33f: {  	_ =	sdelay $0x3  }
0x340: {  	s23 =	sadd.s32 $0x4, s23  }
0x341: {  	p0 =	sge.u32 s23, s7  }
0x342: {  	s23 =	sshll.u32 @!p0 s23, $0x5  }
0x343: {  	s24 =	simm.s32 @!p0 $0x20;
	s25 =	simm.s32 @!p0 $0x7180;
	s23 =	sand.u32 @!p0 $0x3FFFFFE0, s23  }
0x344: {  	[tilespmem:s25], [sflag:$0x1] =	stream.indirect.gather @!p0 [hbm4b:s6+s24], $0x80, s23, s24, $0xb8;
	[tilespmem:$0x12200] =	vst v63  }
0x345: {  	s26 =	simm.s32 @!p0 $0x8180;
	s25 =	sadd.s32 @!p0 $0xC60, s23  }
0x346: {  	[tilespmem:s26], [sflag:$0x1] =	stream.indirect.gather @!p0 [hbm4b:s6+s24], $0x80, s25, s24, $0xb8;
	[tilespmem:$0x12200] =	vst v63  }
0x347: {  	s25 =	sadd.s32 @!p0 $0x18C0, s23;
	s26 =	simm.s32 @!p0 $0x9180  }
0x348: {  	[tilespmem:s26], [sflag:$0x1] =	stream.indirect.gather @!p0 [hbm4b:s6+s24], $0x80, s25, s24, $0xb8;
	[tilespmem:$0x12200] =	vst v63  }
0x349: {  	s23 =	sadd.s32 @!p0 $0x2520, s23;
	s25 =	simm.s32 @!p0 $0xA180  }
0x34a: {  	[tilespmem:s25], [sflag:$0x1] =	stream.indirect.gather @!p0 [hbm4b:s6+s24], $0x80, s23, s24, $0xb8;
	[tilespmem:$0x12200] =	vst v63  }
0x34b: {  	_ =	swait.ge [sflag:s18], $0x4000  }
0x34c: {  	p0 =	seq.s32 s21, $0x0;
	[sflag:s18] =	ssyncset.done $0x0  }
0x34d: {  	s23 =	simm.s32 @!p0 $0x2;
	[sflag:s18] =	ssyncadd.s32 $0xFFFFC000  }
0x34e: {  	_ =	swait.ge @!p0 [sflag:s23], $0x1000  }
0x34f: {  	[sflag:s23] =	ssyncset.done @!p0 $0x0  }
0x350: {  	[sflag:s23] =	ssyncadd.s32 @!p0 $0xFFFFF000;
	s23 =	simm.s32 $0x0  }
0x351: {  	v8 =	vld [tilespmem:s23+$0xB370]  }
0x352: {  	v9 =	vld [tilespmem:s23+$0xC370]  }
0x353: {  	v10 =	vld [tilespmem:s23+$0xB180]  }
0x354: {  	v11 =	vld [tilespmem:s23+$0xD370]  }
0x355: {  	v12 =	vld [tilespmem:s23+$0xC180]  }
0x356: {  	v13 =	vld [tilespmem:s23+$0xE370]  }
0x357: {  	v14 =	vld [tilespmem:s23+$0xB190]  }
0x358: {  	v17 =	vld [tilespmem:s23+$0xC190]  }
0x359: {  	v15 =	vld [tilespmem:s23+$0xB1A0]  }
0x35a: {  	v18 =	vld [tilespmem:s23+$0xC1A0]  }
0x35b: {  	v19 =	vld [tilespmem:s23+$0xB1B0]  }
0x35c: {  	v21 =	vld [tilespmem:s23+$0xC1B0]  }
0x35d: {  	v20 =	vld [tilespmem:s23+$0xB1C0]  }
0x35e: {  	v22 =	vld [tilespmem:s23+$0xC1C0]  }
0x35f: {  	v23 =	vld [tilespmem:s23+$0xB1D0]  }
0x360: {  	v25 =	vld [tilespmem:s23+$0xC1D0]  }
0x361: {  	v24 =	vld [tilespmem:s23+$0xB1E0]  }
0x362: {  	v16 =	vld [tilespmem:s23+$0xB210]  }
0x363: {  	v26 =	vld [tilespmem:s23+$0xC1E0]  }
0x364: {  	v27 =	vld [tilespmem:s23+$0xB1F0]  }
0x365: {  	v30 =	vld [tilespmem:s23+$0xC1F0]  }
0x366: {  	v29 =	vld [tilespmem:s23+$0xB200]  }
0x367: {  	v33 =	vld [tilespmem:s23+$0xC200];
	[tilespmem:$0x1FCA0] =	vst v16  }
0x368: {  	v16 =	vld [tilespmem:s23+$0xC210];
	_ =	sdelay $0x4  }
0x369: {  	[tilespmem:$0x1FCB0] =	vst v16  }
0x36a: {  	v16 =	vld [tilespmem:s23+$0xB220];
	_ =	sdelay $0x4  }
0x36b: {  	[tilespmem:$0x1FCC0] =	vst v16  }
0x36c: {  	v16 =	vld [tilespmem:s23+$0xC220];
	_ =	sdelay $0x4  }
0x36d: {  	[tilespmem:$0x1FCD0] =	vst v16  }
0x36e: {  	v16 =	vld [tilespmem:s23+$0xB230];
	_ =	sdelay $0x4  }
0x36f: {  	[tilespmem:$0x1FCE0] =	vst v16  }
0x370: {  	v16 =	vld [tilespmem:s23+$0xC230];
	_ =	sdelay $0x4  }
0x371: {  	[tilespmem:$0x1FCF0] =	vst v16  }
0x372: {  	v16 =	vld [tilespmem:s23+$0xB240];
	_ =	sdelay $0x4  }
0x373: {  	[tilespmem:$0x1FD00] =	vst v16  }
0x374: {  	v16 =	vld [tilespmem:s23+$0xC240];
	_ =	sdelay $0x4  }
0x375: {  	[tilespmem:$0x1FD10] =	vst v16  }
0x376: {  	v16 =	vld [tilespmem:s23+$0xB250];
	_ =	sdelay $0x4  }
0x377: {  	[tilespmem:$0x1FD20] =	vst v16  }
0x378: {  	v16 =	vld [tilespmem:s23+$0xC250];
	_ =	sdelay $0x4  }
0x379: {  	[tilespmem:$0x1FD30] =	vst v16  }
0x37a: {  	v16 =	vld [tilespmem:s23+$0xB260];
	_ =	sdelay $0x4  }
0x37b: {  	[tilespmem:$0x1FD40] =	vst v16  }
0x37c: {  	v16 =	vld [tilespmem:s23+$0xC260];
	_ =	sdelay $0x4  }
0x37d: {  	[tilespmem:$0x1FD50] =	vst v16  }
0x37e: {  	v16 =	vld [tilespmem:s23+$0xB270];
	_ =	sdelay $0x4  }
0x37f: {  	[tilespmem:$0x1FD60] =	vst v16  }
0x380: {  	v16 =	vld [tilespmem:s23+$0xC270];
	_ =	sdelay $0x4  }
0x381: {  	[tilespmem:$0x1FD70] =	vst v16  }
0x382: {  	v16 =	vld [tilespmem:s23+$0xB280];
	_ =	sdelay $0x4  }
0x383: {  	[tilespmem:$0x1FD80] =	vst v16  }
0x384: {  	v16 =	vld [tilespmem:s23+$0xC280];
	_ =	sdelay $0x4  }
0x385: {  	[tilespmem:$0x1FD90] =	vst v16  }
0x386: {  	v16 =	vld [tilespmem:s23+$0xB290];
	_ =	sdelay $0x4  }
0x387: {  	[tilespmem:$0x1FDA0] =	vst v16  }
0x388: {  	v16 =	vld [tilespmem:s23+$0xC290];
	_ =	sdelay $0x4  }
0x389: {  	[tilespmem:$0x1FDB0] =	vst v16  }
0x38a: {  	v16 =	vld [tilespmem:s23+$0xB2A0];
	_ =	sdelay $0x4  }
0x38b: {  	[tilespmem:$0x1FDC0] =	vst v16  }
0x38c: {  	v16 =	vld [tilespmem:s23+$0xC2A0];
	_ =	sdelay $0x4  }
0x38d: {  	[tilespmem:$0x1FDD0] =	vst v16  }
0x38e: {  	v8 =	vadd.f32 v9, v8;
	v9 =	vld [tilespmem:s23+$0xB2B0];
	_ =	sdelay $0x4  }
0x38f: {  	[tilespmem:$0x1FDE0] =	vst v9  }
0x390: {  	v9 =	vld [tilespmem:s23+$0xB2C0];
	_ =	sdelay $0x4  }
0x391: {  	v50 =	vld [tilespmem:s23+$0xC2B0];
	[tilespmem:$0x1FDF0] =	vst v9  }
0x392: {  	v9 =	vld [tilespmem:s23+$0xC2C0];
	_ =	sdelay $0x4  }
0x393: {  	[tilespmem:$0x1FE00] =	vst v9  }
0x394: {  	v9 =	vld [tilespmem:s23+$0xB2D0];
	_ =	sdelay $0x4  }
0x395: {  	[tilespmem:$0x1FE10] =	vst v9  }
0x396: {  	v9 =	vld [tilespmem:s23+$0xB2E0];
	_ =	sdelay $0x4  }
0x397: {  	v52 =	vld [tilespmem:s23+$0xC2D0];
	[tilespmem:$0x1FE20] =	vst v9  }
0x398: {  	v9 =	vld [tilespmem:s23+$0xC2E0];
	_ =	sdelay $0x4  }
0x399: {  	[tilespmem:$0x1FE30] =	vst v9  }
0x39a: {  	v9 =	vld [tilespmem:s23+$0xB2F0];
	_ =	sdelay $0x4  }
0x39b: {  	v8 =	vadd.f32 v11, v8;
	[tilespmem:$0x1FE40] =	vst v9  }
0x39c: {  	v53 =	vld [tilespmem:s23+$0xC2F0]  }
0x39d: {  	v8 =	vadd.f32 v13, v8;
	v56 =	vld [tilespmem:s23+$0xB300]  }
0x39e: {  	v57 =	vld [tilespmem:s23+$0xC300]  }
0x39f: {  	v8 =	vadd.f32 v8, v7;
	v58 =	vld [tilespmem:s23+$0xB310]  }
0x3a0: {  	v59 =	vld [tilespmem:s23+$0xC310]  }
0x3a1: {  	v8 =	vmax.f32 v8, $0.0e+00;
	v60 =	vld [tilespmem:s23+$0xB320]  }
0x3a2: {  	[tilespmem:s23+$0x11370] =	vst v8;
	v61 =	vld [tilespmem:s23+$0xC320]  }
0x3a3: {  	v8 =	vld [tilespmem:$0x1FCA0]  }
0x3a4: {  	v9 =	vld [tilespmem:$0x1FCB0]  }
0x3a5: {  	v62 =	vld [tilespmem:s23+$0xB330]  }
0x3a6: {  	v63 =	vld [tilespmem:s23+$0xC330]  }
0x3a7: {  	v49 =	vld [tilespmem:s23+$0xB340]  }
0x3a8: {  	v43 =	vld [tilespmem:s23+$0xC340]  }
0x3a9: {  	v28 =	vadd.f32 v25, v23;
	v25 =	vadd.f32 v9, v8;
	v8 =	vld [tilespmem:$0x1FCC0]  }
0x3aa: {  	v9 =	vld [tilespmem:$0x1FCD0]  }
0x3ab: {  	v41 =	vld [tilespmem:s23+$0xB350]  }
0x3ac: {  	v38 =	vld [tilespmem:s23+$0xC350]  }
0x3ad: {  	v46 =	vld [tilespmem:s23+$0xB360]  }
0x3ae: {  	v40 =	vld [tilespmem:s23+$0xC360]  }
0x3af: {  	v13 =	vadd.f32 v9, v8;
	v8 =	vld [tilespmem:$0x1FCE0]  }
0x3b0: {  	v9 =	vld [tilespmem:$0x1FCF0]  }
0x3b1: {  	v37 =	vld [tilespmem:s23+$0xD180]  }
0x3b2: {  	v44 =	vld [tilespmem:s23+$0xD190]  }
0x3b3: {  	v45 =	vld [tilespmem:s23+$0xD1A0]  }
0x3b4: {  	v47 =	vld [tilespmem:s23+$0xD1B0]  }
0x3b5: {  	v32 =	vadd.f32 v30, v27;
	v30 =	vadd.f32 v9, v8;
	v8 =	vld [tilespmem:$0x1FD00]  }
0x3b6: {  	v9 =	vld [tilespmem:$0x1FD10]  }
0x3b7: {  	v48 =	vld [tilespmem:s23+$0xD1C0]  }
0x3b8: {  	v51 =	vld [tilespmem:s23+$0xD1D0]  }
0x3b9: {  	v42 =	vld [tilespmem:s23+$0xD1E0]  }
0x3ba: {  	v39 =	vld [tilespmem:s23+$0xD1F0]  }
0x3bb: {  	v18 =	vadd.f32 v18, v15;
	v15 =	vadd.f32 v9, v8;
	v8 =	vld [tilespmem:$0x1FD20]  }
0x3bc: {  	v9 =	vld [tilespmem:$0x1FD30]  }
0x3bd: {  	v36 =	vld [tilespmem:s23+$0xD200]  }
0x3be: {  	v35 =	vld [tilespmem:s23+$0xD210]  }
0x3bf: {  	v34 =	vadd.f32 v17, v14;
	v27 =	vld [tilespmem:s23+$0xD220]  }
0x3c0: {  	v20 =	vadd.f32 v22, v20;
	v22 =	vadd.f32 v26, v24;
	v14 =	vld [tilespmem:s23+$0xD230]  }
0x3c1: {  	v24 =	vadd.f32 v33, v29;
	v33 =	vadd.f32 v9, v8;
	v8 =	vld [tilespmem:$0x1FD40]  }
0x3c2: {  	v9 =	vld [tilespmem:$0x1FD50]  }
0x3c3: {  	v16 =	vadd.f32 v12, v10;
	v12 =	vld [tilespmem:s23+$0xD240]  }
0x3c4: {  	v11 =	vld [tilespmem:s23+$0xD250]  }
0x3c5: {  	v10 =	vld [tilespmem:s23+$0xD260]  }
0x3c6: {  	v23 =	vld [tilespmem:$0x1FE00]  }
0x3c7: {  	v17 =	vadd.f32 v9, v8;
	v8 =	vld [tilespmem:$0x1FD60]  }
0x3c8: {  	v9 =	vld [tilespmem:$0x1FD70]  }
0x3c9: {  	v54 =	vld [tilespmem:$0x1FE20]  }
0x3ca: {  	v55 =	vld [tilespmem:$0x1FE30]  }
0x3cb: {  	v56 =	vadd.f32 v57, v56;
	v57 =	vadd.f32 v59, v58;
	v58 =	vld [tilespmem:s23+$0xD2A0]  }
0x3cc: {  	v59 =	vadd.f32 v61, v60;
	v61 =	vld [tilespmem:s23+$0xD2B0]  }
0x3cd: {  	v26 =	vadd.f32 v9, v8;
	v8 =	vld [tilespmem:$0x1FD80]  }
0x3ce: {  	v9 =	vld [tilespmem:$0x1FD90]  }
0x3cf: {  	v38 =	vadd.f32 v38, v41;
	v41 =	vld [tilespmem:s23+$0xD2C0]  }
0x3d0: {  	v16 =	vadd.f32 v37, v16;
	v37 =	vld [tilespmem:s23+$0xD2D0]  }
0x3d1: {  	v34 =	vadd.f32 v44, v34;
	v44 =	vld [tilespmem:s23+$0xD2E0]  }
0x3d2: {  	v43 =	vadd.f32 v43, v49;
	v49 =	vld [tilespmem:s23+$0xD2F0]  }
0x3d3: {  	v31 =	vadd.f32 v21, v19;
	v19 =	vadd.f32 v9, v8;
	v8 =	vld [tilespmem:$0x1FDA0]  }
0x3d4: {  	v9 =	vld [tilespmem:$0x1FDB0]  }
0x3d5: {  	v28 =	vadd.f32 v51, v28;
	v51 =	vld [tilespmem:s23+$0xD300]  }
0x3d6: {  	v24 =	vadd.f32 v36, v24;
	v36 =	vld [tilespmem:s23+$0xD310]  }
0x3d7: {  	v60 =	vadd.f32 v63, v62;
	v62 =	vld [tilespmem:s23+$0xD320]  }
0x3d8: {  	v54 =	vadd.f32 v55, v54;
	v55 =	vld [tilespmem:$0x1FE40]  }
0x3d9: {  	v29 =	vadd.f32 v9, v8;
	v8 =	vld [tilespmem:$0x1FDC0]  }
0x3da: {  	v40 =	vadd.f32 v40, v46;
	v9 =	vld [tilespmem:$0x1FDD0]  }
0x3db: {  	v18 =	vadd.f32 v45, v18;
	v31 =	vadd.f32 v47, v31;
	v63 =	vld [tilespmem:s23+$0xD330]  }
0x3dc: {  	v22 =	vadd.f32 v42, v22;
	v42 =	vadd.f32 v51, v56;
	v56 =	vld [tilespmem:s23+$0xE260]  }
0x3dd: {  	v20 =	vadd.f32 v48, v20;
	v53 =	vadd.f32 v53, v55;
	v55 =	vld [tilespmem:s23+$0xD290]  }
0x3de: {  	v32 =	vadd.f32 v39, v32;
	v17 =	vadd.f32 v10, v17;
	v10 =	vld [tilespmem:s23+$0xD340]  }
0x3df: {  	v25 =	vadd.f32 v35, v25;
	v21 =	vadd.f32 v9, v8;
	v8 =	vld [tilespmem:$0x1FDE0]  }
0x3e0: {  	v44 =	vadd.f32 v44, v54;
	v45 =	vadd.f32 v49, v53;
	v53 =	vld [tilespmem:s23+$0xE240]  }
0x3e1: {  	v15 =	vadd.f32 v12, v15;
	v12 =	vadd.f32 v62, v59;
	v62 =	vld [tilespmem:s23+$0xE1B0]  }
0x3e2: {  	v33 =	vadd.f32 v11, v33;
	v11 =	vadd.f32 v63, v60;
	v63 =	vld [tilespmem:s23+$0xE1C0]  }
0x3e3: {  	v27 =	vadd.f32 v27, v13;
	v10 =	vadd.f32 v10, v43;
	v43 =	vld [tilespmem:s23+$0xE1D0]  }
0x3e4: {  	v13 =	vadd.f32 v36, v57;
	v50 =	vadd.f32 v50, v8;
	v8 =	vld [tilespmem:$0x1FDF0]  }
0x3e5: {  	v15 =	vadd.f32 v53, v15;
	v29 =	vadd.f32 v55, v29;
	v55 =	vld [tilespmem:s23+$0xE180]  }
0x3e6: {  	v31 =	vadd.f32 v62, v31;
	v21 =	vadd.f32 v58, v21;
	v58 =	vld [tilespmem:s23+$0xE190]  }
0x3e7: {  	v14 =	vadd.f32 v14, v30;
	v46 =	vadd.f32 v61, v50;
	v61 =	vld [tilespmem:s23+$0xE1A0]  }
0x3e8: {  	v15 =	vadd.f32 v15, v4;
	v31 =	vadd.f32 v31, v3;
	v9 =	vld [tilespmem:s23+$0xD270]  }
0x3e9: {  	v20 =	vadd.f32 v63, v20;
	v23 =	vadd.f32 v23, v8;
	v8 =	vld [tilespmem:$0x1FE10]  }
0x3ea: {  	v17 =	vadd.f32 v56, v17;
	v16 =	vadd.f32 v55, v16;
	v50 =	vld [tilespmem:s23+$0xE210]  }
0x3eb: {  	v47 =	vld [tilespmem:s23+$0xE1E0];
	v28 =	vadd.f32 v43, v28;
	v34 =	vadd.f32 v58, v34  }
0x3ec: {  	v48 =	vld [tilespmem:s23+$0xE1F0];
	v16 =	vadd.f32 v16, v0;
	v18 =	vadd.f32 v61, v18  }
0x3ed: {  	v49 =	vld [tilespmem:s23+$0xE200];
	v28 =	vadd.f32 v28, v5;
	v34 =	vadd.f32 v34, v1  }
0x3ee: {  	v16 =	vmax.f32 v16, $0.0e+00;
	v18 =	vadd.f32 v18, v2;
	v52 =	vadd.f32 v52, v8;
	v8 =	vld [tilespmem:s23+$0xD280]  }
0x3ef: {  	v51 =	vld [tilespmem:s23+$0xE220];
	v26 =	vadd.f32 v9, v26;
	[tilespmem:s23+$0x11180] =	vst v16;
	v16 =	vmax.f32 v34, $0.0e+00;
	v25 =	vadd.f32 v50, v25  }
0x3f0: {  	[tilespmem:s23+$0x11190] =	vst v16;
	v16 =	vmax.f32 v18, $0.0e+00;
	v18 =	vadd.f32 v20, v4;
	v20 =	vadd.f32 v47, v22;
	v22 =	vld [tilespmem:s23+$0xE230]  }
0x3f1: {  	v57 =	vld [tilespmem:s23+$0xE270];
	v37 =	vadd.f32 v37, v52;
	[tilespmem:s23+$0x111A0] =	vst v16;
	v16 =	vmax.f32 v31, $0.0e+00;
	v52 =	vadd.f32 v48, v32  }
0x3f2: {  	v54 =	vld [tilespmem:s23+$0xE250];
	[tilespmem:s23+$0x111B0] =	vst v16;
	v16 =	vmax.f32 v18, $0.0e+00;
	v18 =	vadd.f32 v20, v6;
	v20 =	vadd.f32 v49, v24  }
0x3f3: {  	[tilespmem:s23+$0x111C0] =	vst v16;
	v16 =	vmax.f32 v28, $0.0e+00;
	v55 =	vadd.f32 v52, v7;
	v19 =	vadd.f32 v8, v19;
	v8 =	vld [tilespmem:s23+$0xD350]  }
0x3f4: {  	v39 =	vld [tilespmem:s23+$0xD360];
	[tilespmem:s23+$0x111D0] =	vst v16;
	v16 =	vmax.f32 v18, $0.0e+00;
	v18 =	vadd.f32 v20, v0;
	v20 =	vadd.f32 v51, v27  }
0x3f5: {  	v25 =	vadd.f32 v25, v1;
	[tilespmem:s23+$0x111E0] =	vst v16;
	v16 =	vmax.f32 v55, $0.0e+00;
	v14 =	vadd.f32 v22, v14;
	v22 =	vld [tilespmem:s23+$0xE280]  }
0x3f6: {  	v59 =	vadd.f32 v57, v26;
	[tilespmem:s23+$0x111F0] =	vst v16;
	v16 =	vmax.f32 v18, $0.0e+00;
	v18 =	vadd.f32 v20, v2;
	v20 =	vld [tilespmem:s23+$0xE290]  }
0x3f7: {  	v58 =	vld [tilespmem:s23+$0xE2A0];
	v24 =	vadd.f32 v54, v33;
	[tilespmem:s23+$0x11200] =	vst v16;
	v16 =	vmax.f32 v25, $0.0e+00;
	v14 =	vadd.f32 v14, v3  }
0x3f8: {  	v23 =	vadd.f32 v41, v23;
	[tilespmem:s23+$0x11210] =	vst v16;
	v16 =	vmax.f32 v18, $0.0e+00;
	v18 =	vld [tilespmem:s23+$0xE2B0];
	v9 =	vadd.f32 v8, v38  }
0x3f9: {  	v60 =	vld [tilespmem:s23+$0xE2C0];
	v8 =	vadd.f32 v39, v40;
	[tilespmem:s23+$0x11220] =	vst v16;
	v14 =	vmax.f32 v14, $0.0e+00;
	v16 =	vadd.f32 v24, v5  }
0x3fa: {  	[tilespmem:s23+$0x11230] =	vst v14;
	v14 =	vmax.f32 v15, $0.0e+00;
	v15 =	vadd.f32 v17, v6;
	v17 =	vadd.f32 v22, v19;
	v19 =	vld [tilespmem:s23+$0xE2D0]  }
0x3fb: {  	v22 =	vld [tilespmem:s23+$0xE2E0];
	[tilespmem:s23+$0x11240] =	vst v14;
	v14 =	vmax.f32 v16, $0.0e+00;
	v16 =	vadd.f32 v59, v7;
	v20 =	vadd.f32 v20, v29  }
0x3fc: {  	v61 =	vld [tilespmem:s23+$0xE2F0];
	[tilespmem:s23+$0x11250] =	vst v14;
	v14 =	vmax.f32 v15, $0.0e+00;
	v15 =	vadd.f32 v17, v0;
	v17 =	vadd.f32 v58, v21  }
0x3fd: {  	v62 =	vld [tilespmem:s23+$0xE300];
	[tilespmem:s23+$0x11260] =	vst v14;
	v14 =	vmax.f32 v16, $0.0e+00;
	v16 =	vadd.f32 v20, v1;
	v20 =	vadd.f32 v18, v46  }
0x3fe: {  	v21 =	vadd.f32 v60, v23;
	v18 =	vld [tilespmem:s23+$0xE310];
	[tilespmem:s23+$0x11270] =	vst v14;
	v14 =	vmax.f32 v15, $0.0e+00;
	v15 =	vadd.f32 v17, v2  }
0x3ff: {  	v17 =	vld [tilespmem:s23+$0xE320];
	[tilespmem:s23+$0x11280] =	vst v14;
	v14 =	vmax.f32 v16, $0.0e+00;
	v20 =	vadd.f32 v20, v3;
	v19 =	vadd.f32 v19, v37  }
0x400: {  	v23 =	vadd.f32 v21, v4;
	v63 =	vadd.f32 v22, v44;
	v16 =	vld [tilespmem:s23+$0xE330];
	[tilespmem:s23+$0x11290] =	vst v14;
	v14 =	vmax.f32 v15, $0.0e+00  }
0x401: {  	v22 =	vadd.f32 v61, v45;
	v15 =	vld [tilespmem:s23+$0xE340];
	[tilespmem:s23+$0x112A0] =	vst v14;
	v14 =	vmax.f32 v20, $0.0e+00;
	v21 =	vadd.f32 v19, v5  }
0x402: {  	s24 =	simm.s32 $0x0;
	s25 =	simm.s32 $0x800;
	v23 =	vmax.f32 v23, $0.0e+00;
	v19 =	vadd.f32 v63, v6;
	v20 =	vadd.f32 v62, v42;
	[tilespmem:s23+$0x112B0] =	vst v14;
	v14 =	vld [tilespmem:s23+$0xE350]  }
.LBB2_12:
0x403: {  	s26 =	sshra.s32 s25, $0x2;
	[tilespmem:s23+$0x112C0] =	vst v23;
	v21 =	vmax.f32 v21, $0.0e+00;
	v22 =	vadd.f32 v22, v7;
	v13 =	vadd.f32 v18, v13;
	v18 =	vld [tilespmem:s23+$0xE360]  }
0x404: {  	s24 =	sadd.s32 $0x4, s24;
	v23 =	vld [tilespmem:s26+$0xB370];
	[tilespmem:s23+$0x112D0] =	vst v21;
	v19 =	vmax.f32 v19, $0.0e+00;
	v20 =	vadd.f32 v20, v0;
	v12 =	vadd.f32 v17, v12  }
0x405: {  	p0 =	slt.u32 s24, $0x1C;
	v17 =	vld [tilespmem:s26+$0xC370];
	[tilespmem:s23+$0x112E0] =	vst v19;
	v19 =	vmax.f32 v22, $0.0e+00;
	v13 =	vadd.f32 v13, v1;
	v11 =	vadd.f32 v16, v11  }
0x406: {  	v16 =	vld [tilespmem:s26+$0xB180];
	[tilespmem:s23+$0x112F0] =	vst v19;
	v19 =	vmax.f32 v20, $0.0e+00;
	v12 =	vadd.f32 v12, v2;
	v10 =	vadd.f32 v15, v10  }
0x407: {  	v15 =	vld [tilespmem:s26+$0xD370];
	[tilespmem:s23+$0x11300] =	vst v19;
	v13 =	vmax.f32 v13, $0.0e+00;
	v11 =	vadd.f32 v11, v3;
	v9 =	vadd.f32 v14, v9  }
0x408: {  	v14 =	vld [tilespmem:s26+$0xC180];
	[tilespmem:s23+$0x11310] =	vst v13;
	v12 =	vmax.f32 v12, $0.0e+00;
	v10 =	vadd.f32 v10, v4;
	v8 =	vadd.f32 v18, v8  }
0x409: {  	v13 =	vld [tilespmem:s26+$0xE370];
	[tilespmem:s23+$0x11320] =	vst v12;
	v11 =	vmax.f32 v11, $0.0e+00;
	v9 =	vadd.f32 v9, v5  }
0x40a: {  	v12 =	vld [tilespmem:s26+$0xB190];
	v17 =	vadd.f32 v17, v23;
	[tilespmem:s23+$0x11330] =	vst v11;
	v10 =	vmax.f32 v10, $0.0e+00;
	v8 =	vadd.f32 v8, v6  }
0x40b: {  	v11 =	vld [tilespmem:s26+$0xC190];
	[tilespmem:s23+$0x11340] =	vst v10;
	v9 =	vmax.f32 v9, $0.0e+00  }
0x40c: {  	v10 =	vld [tilespmem:s26+$0xB1A0];
	v15 =	vadd.f32 v15, v17;
	[tilespmem:s23+$0x11350] =	vst v9;
	v9 =	vmax.f32 v8, $0.0e+00  }
0x40d: {  	v8 =	vadd.f32 v14, v16;
	v14 =	vld [tilespmem:s26+$0xC1A0];
	[tilespmem:s23+$0x11360] =	vst v9;
	s23 =	smov.u32 s26  }
0x40e: {  	v16 =	vld [tilespmem:s23+$0xB1B0];
	v13 =	vadd.f32 v13, v15  }
0x40f: {  	v15 =	vld [tilespmem:s23+$0xC1B0]  }
0x410: {  	v9 =	vadd.f32 v11, v12;
	v12 =	vld [tilespmem:s23+$0xB1C0];
	v11 =	vadd.f32 v13, v7  }
0x411: {  	v13 =	vld [tilespmem:s23+$0xC1C0]  }
0x412: {  	v10 =	vadd.f32 v14, v10;
	v14 =	vld [tilespmem:s23+$0xB1D0];
	v11 =	vmax.f32 v11, $0.0e+00  }
0x413: {  	v17 =	vld [tilespmem:s23+$0xC1D0];
	[tilespmem:s23+$0x11370] =	vst v11  }
0x414: {  	v11 =	vadd.f32 v15, v16;
	v15 =	vld [tilespmem:s23+$0xB1E0]  }
0x415: {  	v16 =	vld [tilespmem:s23+$0xC1E0]  }
0x416: {  	v12 =	vadd.f32 v13, v12;
	v18 =	vld [tilespmem:s23+$0xB1F0]  }
0x417: {  	v19 =	vld [tilespmem:s23+$0xC1F0]  }
0x418: {  	v13 =	vadd.f32 v17, v14;
	v17 =	vld [tilespmem:s23+$0xB200]  }
0x419: {  	v20 =	vld [tilespmem:s23+$0xC200]  }
0x41a: {  	v14 =	vadd.f32 v16, v15;
	v21 =	vld [tilespmem:s23+$0xB210]  }
0x41b: {  	v22 =	vld [tilespmem:s23+$0xC210]  }
0x41c: {  	v15 =	vadd.f32 v19, v18;
	v18 =	vld [tilespmem:s23+$0xB220]  }
0x41d: {  	v19 =	vld [tilespmem:s23+$0xC220]  }
0x41e: {  	v16 =	vadd.f32 v20, v17;
	v20 =	vld [tilespmem:s23+$0xB230]  }
0x41f: {  	v23 =	vld [tilespmem:s23+$0xC230]  }
0x420: {  	v17 =	vadd.f32 v22, v21;
	v21 =	vld [tilespmem:s23+$0xB240]  }
0x421: {  	v22 =	vld [tilespmem:s23+$0xC240]  }
0x422: {  	v18 =	vadd.f32 v19, v18;
	v24 =	vld [tilespmem:s23+$0xB250]  }
0x423: {  	v25 =	vld [tilespmem:s23+$0xC250]  }
0x424: {  	v19 =	vadd.f32 v23, v20;
	v23 =	vld [tilespmem:s23+$0xB260]  }
0x425: {  	v26 =	vld [tilespmem:s23+$0xC260]  }
0x426: {  	v20 =	vadd.f32 v22, v21;
	v21 =	vld [tilespmem:s23+$0xB270]  }
0x427: {  	v22 =	vld [tilespmem:s23+$0xC270]  }
0x428: {  	v24 =	vadd.f32 v25, v24;
	v25 =	vld [tilespmem:s23+$0xB280]  }
0x429: {  	v27 =	vld [tilespmem:s23+$0xC280]  }
0x42a: {  	v23 =	vadd.f32 v26, v23;
	v26 =	vld [tilespmem:s23+$0xB290]  }
0x42b: {  	v28 =	vld [tilespmem:s23+$0xC290]  }
0x42c: {  	v21 =	vadd.f32 v22, v21;
	v22 =	vld [tilespmem:s23+$0xB2A0]  }
0x42d: {  	v29 =	vld [tilespmem:s23+$0xC2A0]  }
0x42e: {  	v25 =	vadd.f32 v27, v25;
	v27 =	vld [tilespmem:s23+$0xB2B0]  }
0x42f: {  	v30 =	vld [tilespmem:s23+$0xC2B0]  }
0x430: {  	v26 =	vadd.f32 v28, v26;
	v28 =	vld [tilespmem:s23+$0xB2C0]  }
0x431: {  	v31 =	vld [tilespmem:s23+$0xC2C0]  }
0x432: {  	v29 =	vadd.f32 v29, v22;
	v22 =	vld [tilespmem:s23+$0xB2D0]  }
0x433: {  	v32 =	vld [tilespmem:s23+$0xC2D0]  }
0x434: {  	v27 =	vadd.f32 v30, v27;
	v30 =	vld [tilespmem:s23+$0xB2E0]  }
0x435: {  	v33 =	vld [tilespmem:s23+$0xC2E0]  }
0x436: {  	v28 =	vadd.f32 v31, v28;
	v31 =	vld [tilespmem:s23+$0xB2F0]  }
0x437: {  	v34 =	vld [tilespmem:s23+$0xC2F0]  }
0x438: {  	v32 =	vadd.f32 v32, v22;
	v22 =	vld [tilespmem:s23+$0xB300]  }
0x439: {  	v35 =	vld [tilespmem:s23+$0xC300]  }
0x43a: {  	v30 =	vadd.f32 v33, v30;
	v33 =	vld [tilespmem:s23+$0xB310]  }
0x43b: {  	v36 =	vld [tilespmem:s23+$0xC310]  }
0x43c: {  	v31 =	vadd.f32 v34, v31;
	v34 =	vld [tilespmem:s23+$0xB320]  }
0x43d: {  	v37 =	vld [tilespmem:s23+$0xC320]  }
0x43e: {  	v35 =	vadd.f32 v35, v22;
	v22 =	vld [tilespmem:s23+$0xB330]  }
0x43f: {  	v38 =	vld [tilespmem:s23+$0xC330]  }
0x440: {  	v33 =	vadd.f32 v36, v33;
	v36 =	vld [tilespmem:s23+$0xB340]  }
0x441: {  	v39 =	vld [tilespmem:s23+$0xC340]  }
0x442: {  	v34 =	vadd.f32 v37, v34;
	v37 =	vld [tilespmem:s23+$0xB350]  }
0x443: {  	v40 =	vld [tilespmem:s23+$0xC350]  }
0x444: {  	v38 =	vadd.f32 v38, v22;
	v22 =	vld [tilespmem:s23+$0xB360]  }
0x445: {  	v41 =	vld [tilespmem:s23+$0xC360]  }
0x446: {  	v42 =	vld [tilespmem:s23+$0xD180];
	v36 =	vadd.f32 v39, v36  }
0x447: {  	v39 =	vld [tilespmem:s23+$0xD190]  }
0x448: {  	v43 =	vld [tilespmem:s23+$0xD1A0];
	v37 =	vadd.f32 v40, v37  }
0x449: {  	v40 =	vld [tilespmem:s23+$0xD1B0]  }
0x44a: {  	v44 =	vld [tilespmem:s23+$0xD1C0];
	v41 =	vadd.f32 v41, v22  }
0x44b: {  	v42 =	vadd.f32 v42, v8;
	v8 =	vld [tilespmem:s23+$0xD1D0]  }
0x44c: {  	v39 =	vadd.f32 v39, v9;
	v9 =	vld [tilespmem:s23+$0xD1E0]  }
0x44d: {  	v43 =	vadd.f32 v43, v10;
	v10 =	vld [tilespmem:s23+$0xD1F0]  }
0x44e: {  	v40 =	vadd.f32 v40, v11;
	v11 =	vld [tilespmem:s23+$0xD200]  }
0x44f: {  	v44 =	vadd.f32 v44, v12;
	v12 =	vld [tilespmem:s23+$0xD210]  }
0x450: {  	v45 =	vadd.f32 v8, v13;
	v8 =	vld [tilespmem:s23+$0xD220]  }
0x451: {  	v46 =	vadd.f32 v9, v14;
	v9 =	vld [tilespmem:s23+$0xD230]  }
0x452: {  	v47 =	vadd.f32 v10, v15;
	v10 =	vld [tilespmem:s23+$0xD240]  }
0x453: {  	v48 =	vadd.f32 v11, v16;
	v11 =	vld [tilespmem:s23+$0xD250]  }
0x454: {  	v49 =	vadd.f32 v12, v17;
	v12 =	vld [tilespmem:s23+$0xD260]  }
0x455: {  	v50 =	vadd.f32 v8, v18;
	v8 =	vld [tilespmem:s23+$0xD270]  }
0x456: {  	v51 =	vadd.f32 v9, v19;
	v9 =	vld [tilespmem:s23+$0xD280]  }
0x457: {  	v52 =	vadd.f32 v10, v20;
	v10 =	vld [tilespmem:s23+$0xD290]  }
0x458: {  	v24 =	vadd.f32 v11, v24;
	v11 =	vld [tilespmem:s23+$0xD2A0]  }
0x459: {  	v53 =	vadd.f32 v12, v23;
	v12 =	vld [tilespmem:s23+$0xD2B0]  }
0x45a: {  	v23 =	vadd.f32 v8, v21;
	v8 =	vld [tilespmem:s23+$0xD2C0]  }
0x45b: {  	v22 =	vadd.f32 v9, v25;
	v9 =	vld [tilespmem:s23+$0xD2D0]  }
0x45c: {  	v21 =	vadd.f32 v10, v26;
	v10 =	vld [tilespmem:s23+$0xD2E0]  }
0x45d: {  	v20 =	vadd.f32 v11, v29;
	v11 =	vld [tilespmem:s23+$0xD2F0]  }
0x45e: {  	v19 =	vadd.f32 v12, v27;
	v12 =	vld [tilespmem:s23+$0xD300]  }
0x45f: {  	v18 =	vadd.f32 v8, v28;
	v8 =	vld [tilespmem:s23+$0xD310]  }
0x460: {  	v17 =	vadd.f32 v9, v32;
	v9 =	vld [tilespmem:s23+$0xD320]  }
0x461: {  	v16 =	vadd.f32 v10, v30;
	v10 =	vld [tilespmem:s23+$0xD330]  }
0x462: {  	v15 =	vadd.f32 v11, v31;
	v25 =	vld [tilespmem:s23+$0xD340]  }
0x463: {  	v14 =	vadd.f32 v12, v35;
	v26 =	vld [tilespmem:s23+$0xD350]  }
0x464: {  	v13 =	vadd.f32 v8, v33;
	v8 =	vld [tilespmem:s23+$0xD360]  }
0x465: {  	v27 =	vld [tilespmem:s23+$0xE180];
	v12 =	vadd.f32 v9, v34  }
0x466: {  	v28 =	vld [tilespmem:s23+$0xE190];
	v11 =	vadd.f32 v10, v38  }
0x467: {  	v29 =	vld [tilespmem:s23+$0xE1A0];
	v10 =	vadd.f32 v25, v36  }
0x468: {  	v25 =	vld [tilespmem:s23+$0xE1B0];
	v9 =	vadd.f32 v26, v37  }
0x469: {  	v26 =	vld [tilespmem:s23+$0xE1C0];
	v8 =	vadd.f32 v8, v41  }
0x46a: {  	v27 =	vadd.f32 v27, v42;
	v30 =	vld [tilespmem:s23+$0xE1D0]  }
0x46b: {  	v28 =	vadd.f32 v28, v39;
	v31 =	vld [tilespmem:s23+$0xE1E0]  }
0x46c: {  	v27 =	vadd.f32 v27, v0;
	v29 =	vadd.f32 v29, v43;
	v32 =	vld [tilespmem:s23+$0xE1F0]  }
0x46d: {  	v28 =	vadd.f32 v28, v1;
	v25 =	vadd.f32 v25, v40;
	v33 =	vld [tilespmem:s23+$0xE200]  }
0x46e: {  	v27 =	vmax.f32 v27, $0.0e+00;
	v29 =	vadd.f32 v29, v2;
	v26 =	vadd.f32 v26, v44;
	v34 =	vld [tilespmem:s23+$0xE210]  }
0x46f: {  	[tilespmem:s23+$0x11180] =	vst v27;
	v27 =	vmax.f32 v28, $0.0e+00;
	v25 =	vadd.f32 v25, v3;
	v28 =	vadd.f32 v30, v45;
	v30 =	vld [tilespmem:s23+$0xE220]  }
0x470: {  	[tilespmem:s23+$0x11190] =	vst v27;
	v27 =	vmax.f32 v29, $0.0e+00;
	v26 =	vadd.f32 v26, v4;
	v29 =	vadd.f32 v31, v46;
	v31 =	vld [tilespmem:s23+$0xE230]  }
0x471: {  	[tilespmem:s23+$0x111A0] =	vst v27;
	v25 =	vmax.f32 v25, $0.0e+00;
	v27 =	vadd.f32 v28, v5;
	v28 =	vadd.f32 v32, v47;
	v32 =	vld [tilespmem:s23+$0xE240]  }
0x472: {  	[tilespmem:s23+$0x111B0] =	vst v25;
	v25 =	vmax.f32 v26, $0.0e+00;
	v26 =	vadd.f32 v29, v6;
	v29 =	vadd.f32 v33, v48;
	v33 =	vld [tilespmem:s23+$0xE250]  }
0x473: {  	[tilespmem:s23+$0x111C0] =	vst v25;
	v25 =	vmax.f32 v27, $0.0e+00;
	v27 =	vadd.f32 v28, v7;
	v28 =	vadd.f32 v34, v49;
	v34 =	vld [tilespmem:s23+$0xE260]  }
0x474: {  	[tilespmem:s23+$0x111D0] =	vst v25;
	v25 =	vmax.f32 v26, $0.0e+00;
	v26 =	vadd.f32 v29, v0;
	v29 =	vadd.f32 v30, v50;
	v30 =	vld [tilespmem:s23+$0xE270]  }
0x475: {  	[tilespmem:s23+$0x111E0] =	vst v25;
	v25 =	vmax.f32 v27, $0.0e+00;
	v27 =	vadd.f32 v28, v1;
	v28 =	vadd.f32 v31, v51;
	v31 =	vld [tilespmem:s23+$0xE280]  }
0x476: {  	[tilespmem:s23+$0x111F0] =	vst v25;
	v25 =	vmax.f32 v26, $0.0e+00;
	v26 =	vadd.f32 v29, v2;
	v29 =	vadd.f32 v32, v52;
	v32 =	vld [tilespmem:s23+$0xE290]  }
0x477: {  	[tilespmem:s23+$0x11200] =	vst v25;
	v25 =	vmax.f32 v27, $0.0e+00;
	v27 =	vadd.f32 v28, v3;
	v24 =	vadd.f32 v33, v24;
	v28 =	vld [tilespmem:s23+$0xE2A0]  }
0x478: {  	[tilespmem:s23+$0x11210] =	vst v25;
	v25 =	vmax.f32 v26, $0.0e+00;
	v26 =	vadd.f32 v29, v4;
	v29 =	vadd.f32 v34, v53;
	v33 =	vld [tilespmem:s23+$0xE2B0]  }
0x479: {  	[tilespmem:s23+$0x11220] =	vst v25;
	v25 =	vmax.f32 v27, $0.0e+00;
	v24 =	vadd.f32 v24, v5;
	v23 =	vadd.f32 v30, v23;
	v27 =	vld [tilespmem:s23+$0xE2C0]  }
0x47a: {  	[tilespmem:s23+$0x11230] =	vst v25;
	v25 =	vmax.f32 v26, $0.0e+00;
	v26 =	vadd.f32 v29, v6;
	v22 =	vadd.f32 v31, v22;
	v29 =	vld [tilespmem:s23+$0xE2D0]  }
0x47b: {  	[tilespmem:s23+$0x11240] =	vst v25;
	v24 =	vmax.f32 v24, $0.0e+00;
	v23 =	vadd.f32 v23, v7;
	v21 =	vadd.f32 v32, v21;
	v25 =	vld [tilespmem:s23+$0xE2E0]  }
0x47c: {  	[tilespmem:s23+$0x11250] =	vst v24;
	v24 =	vmax.f32 v26, $0.0e+00;
	v22 =	vadd.f32 v22, v0;
	v20 =	vadd.f32 v28, v20;
	v26 =	vld [tilespmem:s23+$0xE2F0]  }
0x47d: {  	[tilespmem:s23+$0x11260] =	vst v24;
	v23 =	vmax.f32 v23, $0.0e+00;
	v21 =	vadd.f32 v21, v1;
	v19 =	vadd.f32 v33, v19;
	v24 =	vld [tilespmem:s23+$0xE300]  }
.Ltmp9:
0x47e: {  	[tilespmem:s23+$0x11270] =	vst v23;
	v22 =	vmax.f32 v22, $0.0e+00;
	v20 =	vadd.f32 v20, v2;
	v23 =	vadd.f32 v27, v18;
	v18 =	vld [tilespmem:s23+$0xE310];
	(pc) =	sbr.rel @p0 .LBB2_12-.Ltmp9, $4  }
0x47f: {  	[tilespmem:s23+$0x11280] =	vst v22;
	v21 =	vmax.f32 v21, $0.0e+00;
	v19 =	vadd.f32 v19, v3;
	v22 =	vadd.f32 v29, v17;
	v17 =	vld [tilespmem:s23+$0xE320]  }
0x480: {  	[tilespmem:s23+$0x11290] =	vst v21;
	v20 =	vmax.f32 v20, $0.0e+00;
	v23 =	vadd.f32 v23, v4;
	v25 =	vadd.f32 v25, v16;
	v16 =	vld [tilespmem:s23+$0xE330]  }
0x481: {  	[tilespmem:s23+$0x112A0] =	vst v20;
	v19 =	vmax.f32 v19, $0.0e+00;
	v21 =	vadd.f32 v22, v5;
	v22 =	vadd.f32 v26, v15;
	v15 =	vld [tilespmem:s23+$0xE340]  }
0x482: {  	s25 =	sadd.s32 $0x800, s25;
	[tilespmem:s23+$0x112B0] =	vst v19;
	v23 =	vmax.f32 v23, $0.0e+00;
	v19 =	vadd.f32 v25, v6;
	v20 =	vadd.f32 v24, v14;
	v14 =	vld [tilespmem:s23+$0xE350]  }
0x483: {  	[tilespmem:s23+$0x112C0] =	vst v23;
	v21 =	vmax.f32 v21, $0.0e+00;
	v22 =	vadd.f32 v22, v7;
	v13 =	vadd.f32 v18, v13;
	v61 =	vld [tilespmem:s23+$0xE360]  }
0x484: {  	[tilespmem:s23+$0x112D0] =	vst v21;
	v19 =	vmax.f32 v19, $0.0e+00;
	v20 =	vadd.f32 v20, v0;
	v12 =	vadd.f32 v17, v12  }
0x485: {  	[tilespmem:s23+$0x112E0] =	vst v19;
	v62 =	vmax.f32 v22, $0.0e+00;
	v13 =	vadd.f32 v13, v1;
	v11 =	vadd.f32 v16, v11  }
0x486: {  	[tilespmem:s23+$0x112F0] =	vst v62;
	v63 =	vmax.f32 v20, $0.0e+00;
	v12 =	vadd.f32 v12, v2;
	v10 =	vadd.f32 v15, v10  }
0x487: {  	[tilespmem:s23+$0x11300] =	vst v63;
	v13 =	vmax.f32 v13, $0.0e+00;
	v11 =	vadd.f32 v11, v3;
	v9 =	vadd.f32 v14, v9  }
0x488: {  	[tilespmem:s23+$0x11310] =	vst v13;
	v12 =	vmax.f32 v12, $0.0e+00;
	v10 =	vadd.f32 v10, v4;
	v8 =	vadd.f32 v61, v8  }
0x489: {  	[tilespmem:s23+$0x11320] =	vst v12;
	v11 =	vmax.f32 v11, $0.0e+00;
	v9 =	vadd.f32 v9, v5  }
.Ltmp10:
0x48a: {  	s22 =	sadd.s32 s5, s22;
	[tilespmem:s23+$0x11330] =	vst v11;
	v10 =	vmax.f32 v10, $0.0e+00;
	v8 =	vadd.f32 v8, v6;
	(pc) =	sbr.rel .LBB2_14-.Ltmp10, $4  }
0x48b: {  	s22 =	sshll.u32 s22, $0x9;
	[tilespmem:s23+$0x11340] =	vst v10;
	v9 =	vmax.f32 v9, $0.0e+00  }
0x48c: {  	s22 =	sand.u32 $0x1FFFFE00, s22;
	[tilespmem:s23+$0x11350] =	vst v9;
	v8 =	vmax.f32 v8, $0.0e+00  }
0x48d: {  	s22 =	sadd.s32 s3, s22;
	[tilespmem:s23+$0x11360] =	vst v8  }
0x48e: {  	[hbm4b:s22+s4] =	stream.linear.scatter [tilespmem:s2], [sflag:$0x2], $0x1000, $0x38;
	[tilespmem:$0x12200] =	vst v63  }
.LBB2_16:
0x48f: {  	_ =	sfence.sel $0x180000  }
0x490: {  	[bflag:$0x0] =	sbarrier.arrive $0xFFFF  }
0x491: {  	_ =	strace $0x90000047  }
0x492: {  	s0 =	stileid.u32;
	[bflag:$0x2] =	sbarrier.arrive $0xFFFF  }
0x493: {  	p0 =	sne.s32 s0, $0x0;
	s0 =	rddreg [dreg:$0x3]  }
0x494: {  	s0 =	sadd.s32 @!p0 $0x100000, s0  }
0x495: {  	[sflag:s0] =	ssyncadd.tile.s32 @!p0 $0x1;
	_ =	shalt  }
.Lfunc_end2:
_tile_overlayer_lowered:
.L_overlay_start_2:
0x496: {  	(tag) =	ssettag $0x2  }
0x497: {  	s0 =	rddreg [dreg:$0x0];
	s2 =	stileid.u32  }
0x498: {  	s1 =	rddreg [dreg:$0x1];
	p0 =	sne.s32 s2, $0x0  }
0x499: {  	s3 =	rddreg [dreg:$0x2];
	[bflag:$0x3] =	sbarrier.arrive $0xFFFF;
	s2 =	simm.s32 @!p0 $0x1C03  }
0x49a: {  	[timem:s3], [sflag:s2] =	dma.local @!p0 [hbm:s0], s1  }
0x49b: {  	s0 =	simm.s32 @!p0 $0x3  }
0x49c: {  	_ =	swait.ge @!p0 [sflag:s0], s1  }
0x49d: {  	s1 =	ssub.s32 @!p0 $0x0, s1;
	[sflag:s0] =	ssyncset.done @!p0 $0x0  }
0x49e: {  	[sflag:s0] =	ssyncadd.s32 @!p0 s1  }
0x49f: {  	[bflag:$0x3] =	sbarrier.arrive $0xFFFF  }
0x4a0: {  	_ =	shalt  }

</sc_bundles>
